<compile_context>
chip_gen: v7x
topology: tpu7x:2x2x1
jax: 0.10.2.dev20260603
libtpu: 0.0.44.dev20260713+nightly
codegen_flags: <defaults>
</compile_context>

<pallas_src>
import functools

import jax
import jax.numpy as jnp
from jax import lax
from jax.experimental import pallas as pl
from jax.experimental.pallas import tpu as pltpu
from jax.experimental.pallas import tpu_sc as plsc

_RC = 16


@functools.cache
def _make_sc(R, D, S):
    NW = 32
    srange = S // NW
    B = R // S
    CW = _RC * D
    NC_CHUNKS = srange // _RC
    NT = NC_CHUNKS * B

    @functools.partial(
        pl.kernel,
        out_type=jax.ShapeDtypeStruct((R * D,), jnp.float32),
        mesh=plsc.VectorSubcoreMesh(core_axis_name="c", subcore_axis_name="s"),
        scratch_types=[
            pltpu.VMEM((CW,), jnp.float32),
            pltpu.VMEM((CW,), jnp.float32),
            pltpu.VMEM((CW,), jnp.float32),
            pltpu.SemaphoreType.DMA,
            pltpu.SemaphoreType.DMA,
            pltpu.SemaphoreType.DMA,
            pltpu.SemaphoreType.DMA,
        ],
    )
    def k(x_flat, pos_flat, out_flat, xb0, xb1, pbuf, si0, si1, so0, so1):
        wid = lax.axis_index("s") * 2 + lax.axis_index("c")
        s0 = wid * srange
        xb = (xb0, xb1)
        sin = (si0, si1)
        sout = (so0, so1)

        def word0(t):
            c, b = divmod(t, B)
            return (b * S + s0 + c * _RC) * D

        d_in = [None, None]
        d_out = [None, None]
        d_in[0] = pltpu.async_copy(x_flat.at[pl.ds(word0(0), CW)], xb[0], sin[0])
        for t in range(NT):
            p = t % 2
            if t + 1 < NT:
                if d_out[(t + 1) % 2] is not None:
                    d_out[(t + 1) % 2].wait()
                d_in[(t + 1) % 2] = pltpu.async_copy(
                    x_flat.at[pl.ds(word0(t + 1), CW)], xb[(t + 1) % 2], sin[(t + 1) % 2]
                )
            if t % B == 0:
                base_s = s0 + (t // B) * _RC
                pltpu.sync_copy(pos_flat.at[pl.ds(base_s * D, CW)], pbuf)
            d_in[p].wait()

            @plsc.parallel_loop(0, CW, 16, unroll=8)
            def _(i):
                plsc.addupdate(xb[p].at[pl.ds(i, 16)], pbuf[pl.ds(i, 16)])

            d_out[p] = pltpu.async_copy(xb[p], out_flat.at[pl.ds(word0(t), CW)], sout[p])
        d_out[(NT - 1) % 2].wait()
        d_out[NT % 2].wait()

    return k


def kernel(x, pos_table):
    B, S, D = x.shape
    out = _make_sc(B * S, D, S)(x.reshape(B * S * D), pos_table.reshape(-1))
    return out.reshape(B, S, D)

# --- scband reference (transcript-rebuilt; emitter-appended) ---
"""Pipeline reference for scband-positional-embedding-29557964931296 (READ-ONLY COPY).

The authoritative reference and input builder live on the scoring server;
editing this copy changes nothing except your own understanding.
"""

import jax, jax.numpy as jnp
import numpy as np

B, S, D = 4, 4096, 2048
MAX_LEN = 8192

def setup_inputs(seed: int = 0) -> dict:
    key = jax.random.key(seed)
    k1, k2 = jax.random.split(key)
    x = jax.random.normal(k1, (B, S, D), dtype=jnp.float32)
    # Keras Embedding default initializer: uniform(-0.05, 0.05)
    pos_table = jax.random.uniform(k2, (MAX_LEN, D), dtype=jnp.float32, minval=-0.05, maxval=0.05)
    return {"x": x, "pos_table": pos_table}

def reference(x, pos_table):
    # PositionalEmbedding with merge='sum', dim=None (use input_shape[-1]), max_length=8192
    length = x.shape[1]
    pos_ids = jnp.arange(length)
    pos_emb = jnp.take(pos_table, pos_ids, axis=0)[jnp.newaxis, :, :]  # [1, S, D]
    return x + pos_emb

if False:  # reference __main__ guard neutralized (emitter)
    inp = setup_inputs()
    out = reference(**inp)
    print(out.shape, out.dtype)

if __name__ == "__main__":
    import jax
    _d = setup_inputs()
    print(jax.jit(kernel)(*tuple(_d.values())))

</pallas_src>

<mosaic_0001>
#map = affine_map<(d0, d1) -> (0)>
module attributes {stable_mosaic.version = 14 : i64} {
  func.func @k(%arg0: i32, %arg1: i32, %arg2: memref<33554432xf32, #tpu.memory_space<hbm>>, %arg3: memref<16777216xf32, #tpu.memory_space<hbm>>, %arg4: memref<33554432xf32, #tpu.memory_space<hbm>>, %arg5: memref<32768xf32, #tpu.memory_space<vmem>>, %arg6: memref<32768xf32, #tpu.memory_space<vmem>>, %arg7: memref<32768xf32, #tpu.memory_space<vmem>>, %arg8: memref<!tpu.dma_semaphore, #tpu.memory_space<semaphore_mem>>, %arg9: memref<!tpu.dma_semaphore, #tpu.memory_space<semaphore_mem>>, %arg10: memref<!tpu.dma_semaphore, #tpu.memory_space<semaphore_mem>>, %arg11: memref<!tpu.dma_semaphore, #tpu.memory_space<semaphore_mem>>) attributes {dimension_semantics = [#tpu.dimension_semantics<core_parallel>, #tpu.dimension_semantics<subcore_parallel>], iteration_bounds = array<i64: 2, 16>, scalar_prefetch = 0 : i64, scratch_operands = 7 : i64, tpu.core_type = #tpu.core_type<sc_vector_subcore>, window_params = [{transform_indices = #map}, {transform_indices = #map}, {transform_indices = #map}]} {
    %mul3A = arith.constant 2 : i32
    %mul3A_0 = arith.muli %arg1, %mul3A : i32
    %add3A = arith.addi %mul3A_0, %arg0 : i32
    %mul3A_1 = arith.constant 128 : i32
    %mul3A_2 = arith.muli %add3A, %mul3A_1 : i32
    %add3A_3 = arith.constant 0 : i32
    %add3A_4 = arith.addi %add3A_3, %mul3A_2 : i32
    %add3A_5 = arith.constant 0 : i32
    %add3A_6 = arith.addi %add3A_4, %add3A_5 : i32
    %mul3A_7 = arith.constant 2048 : i32
    %mul3A_8 = arith.muli %add3A_6, %mul3A_7 : i32
    %dma_start3A = tpu.memref_slice %arg2[%mul3A_8] : memref<33554432xf32, #tpu.memory_space<hbm>> -> memref<32768xf32, #tpu.memory_space<hbm>>
    %dma_start3A_9 = tpu.memref_slice %arg2[%mul3A_8] : memref<33554432xf32, #tpu.memory_space<hbm>> -> memref<32768xf32, #tpu.memory_space<hbm>>
    tpu.enqueue_dma source(%dma_start3A_9 : memref<32768xf32, #tpu.memory_space<hbm>>) target(%arg5 : memref<32768xf32, #tpu.memory_space<vmem>>) target_semaphore(%arg8 : memref<!tpu.dma_semaphore, #tpu.memory_space<semaphore_mem>>)
    %add3A_10 = arith.constant 4096 : i32
    %add3A_11 = arith.addi %add3A_10, %mul3A_2 : i32
    %add3A_12 = arith.constant 0 : i32
    %add3A_13 = arith.addi %add3A_11, %add3A_12 : i32
    %mul3A_14 = arith.constant 2048 : i32
    %mul3A_15 = arith.muli %add3A_13, %mul3A_14 : i32
    %dma_start3A_16 = tpu.memref_slice %arg2[%mul3A_15] : memref<33554432xf32, #tpu.memory_space<hbm>> -> memref<32768xf32, #tpu.memory_space<hbm>>
    %dma_start3A_17 = tpu.memref_slice %arg2[%mul3A_15] : memref<33554432xf32, #tpu.memory_space<hbm>> -> memref<32768xf32, #tpu.memory_space<hbm>>
    tpu.enqueue_dma source(%dma_start3A_17 : memref<32768xf32, #tpu.memory_space<hbm>>) target(%arg6 : memref<32768xf32, #tpu.memory_space<vmem>>) target_semaphore(%arg9 : memref<!tpu.dma_semaphore, #tpu.memory_space<semaphore_mem>>)
    %add3A_18 = arith.constant 0 : i32
    %add3A_19 = arith.addi %mul3A_2, %add3A_18 : i32
    %mul3A_20 = arith.constant 2048 : i32
    %mul3A_21 = arith.muli %add3A_19, %mul3A_20 : i32
    "tpu.region"() ({
      %run_scoped3A = tpu.sem_alloc : memref<!tpu.dma_semaphore, #tpu.memory_space<semaphore_mem>>
      %dma_start3A_768 = tpu.memref_slice %arg3[%mul3A_21] : memref<16777216xf32, #tpu.memory_space<hbm>> -> memref<32768xf32, #tpu.memory_space<hbm>>
      %dma_start3A_769 = tpu.memref_slice %arg3[%mul3A_21] : memref<16777216xf32, #tpu.memory_space<hbm>> -> memref<32768xf32, #tpu.memory_space<hbm>>
      tpu.enqueue_dma source(%dma_start3A_769 : memref<32768xf32, #tpu.memory_space<hbm>>) target(%arg7 : memref<32768xf32, #tpu.memory_space<vmem>>) target_semaphore(%run_scoped3A : memref<!tpu.dma_semaphore, #tpu.memory_space<semaphore_mem>>)
      %dma_wait3A_770 = tpu.memref_slice %arg3[%mul3A_21] : memref<16777216xf32, #tpu.memory_space<hbm>> -> memref<32768xf32, #tpu.memory_space<hbm>>
      %dma_wait3A_771 = tpu.memref_slice %arg3[%mul3A_21] : memref<16777216xf32, #tpu.memory_space<hbm>> -> memref<32768xf32, #tpu.memory_space<hbm>>
      tpu.wait_dma2 semaphore(%run_scoped3A : memref<!tpu.dma_semaphore, #tpu.memory_space<semaphore_mem>>) src(%dma_wait3A_771 : memref<32768xf32, #tpu.memory_space<hbm>>) dst(%arg7 : memref<32768xf32, #tpu.memory_space<vmem>>)
      tpu.yield
    }) : () -> ()
    %dma_wait3A = tpu.memref_slice %arg2[%mul3A_8] : memref<33554432xf32, #tpu.memory_space<hbm>> -> memref<32768xf32, #tpu.memory_space<hbm>>
    %dma_wait3A_22 = tpu.memref_slice %arg2[%mul3A_8] : memref<33554432xf32, #tpu.memory_space<hbm>> -> memref<32768xf32, #tpu.memory_space<hbm>>
    tpu.wait_dma2 semaphore(%arg8 : memref<!tpu.dma_semaphore, #tpu.memory_space<semaphore_mem>>) src(%dma_wait3A_22 : memref<32768xf32, #tpu.memory_space<hbm>>) dst(%arg5 : memref<32768xf32, #tpu.memory_space<vmem>>)
    %parallel_loop3A = arith.constant 0 : i32
    %parallel_loop3A_23 = arith.constant 32768 : i32
    %parallel_loop3A_24 = arith.constant 16 : i32
    scf.for %parallel_loop3A_768 = %parallel_loop3A to %parallel_loop3A_23 step %parallel_loop3A_24  : i32 {
      %parallel_loop3A_769 = arith.index_cast %parallel_loop3A_768 : i32 to index
      %parallel_loop3A_770 = tpu.vector_load %arg7[%parallel_loop3A_769] {strides = array<i32>} : memref<32768xf32, #tpu.memory_space<vmem>>, vector<16xf32>,
      %parallel_loop3A_771 = vector.shape_cast %parallel_loop3A_770 : vector<16xf32> to vector<16xf32>
      %parallel_loop3A_772 = arith.index_cast %parallel_loop3A_768 : i32 to index
      %parallel_loop3A_773 = tpu.vector_load %arg5[%parallel_loop3A_772] {strides = array<i32>} : memref<32768xf32, #tpu.memory_space<vmem>>, vector<16xf32>,
      %parallel_loop3A_774 = vector.shape_cast %parallel_loop3A_773 : vector<16xf32> to vector<16xf32>
      %parallel_loop3A_775 = vector.shape_cast %parallel_loop3A_771 : vector<16xf32> to vector<16xf32>
      tpu.vector_store %arg5[%parallel_loop3A_772], %parallel_loop3A_775 {add = true, strides = array<i32>} : memref<32768xf32, #tpu.memory_space<vmem>>, vector<16xf32>,
    } {sc.loop_unroll_factor = 8 : i64, sc.parallel_access}
    %add3A_25 = arith.constant 0 : i32
    %add3A_26 = arith.addi %add3A_25, %mul3A_2 : i32
    %add3A_27 = arith.constant 0 : i32
    %add3A_28 = arith.addi %add3A_26, %add3A_27 : i32
    %mul3A_29 = arith.constant 2048 : i32
    %mul3A_30 = arith.muli %add3A_28, %mul3A_29 : i32
    %dma_start3A_31 = tpu.memref_slice %arg4[%mul3A_30] : memref<33554432xf32, #tpu.memory_space<hbm>> -> memref<32768xf32, #tpu.memory_space<hbm>>
    %dma_start3A_32 = tpu.memref_slice %arg4[%mul3A_30] : memref<33554432xf32, #tpu.memory_space<hbm>> -> memref<32768xf32, #tpu.memory_space<hbm>>
    tpu.enqueue_dma source(%arg5 : memref<32768xf32, #tpu.memory_space<vmem>>) target(%dma_start3A_32 : memref<32768xf32, #tpu.memory_space<hbm>>) target_semaphore(%arg10 : memref<!tpu.dma_semaphore, #tpu.memory_space<semaphore_mem>>)
    %dma_wait3A_33 = tpu.memref_slice %arg4[%mul3A_30] : memref<33554432xf32, #tpu.memory_space<hbm>> -> memref<32768xf32, #tpu.memory_space<hbm>>
    %dma_wait3A_34 = tpu.memref_slice %arg4[%mul3A_30] : memref<33554432xf32, #tpu.memory_space<hbm>> -> memref<32768xf32, #tpu.memory_space<hbm>>
    tpu.wait_dma2 semaphore(%arg10 : memref<!tpu.dma_semaphore, #tpu.memory_space<semaphore_mem>>) src(%arg5 : memref<32768xf32, #tpu.memory_space<vmem>>) dst(%dma_wait3A_34 : memref<32768xf32, #tpu.memory_space<hbm>>)
    %add3A_35 = arith.constant 8192 : i32
    %add3A_36 = arith.addi %add3A_35, %mul3A_2 : i32
    %add3A_37 = arith.constant 0 : i32
    %add3A_38 = arith.addi %add3A_36, %add3A_37 : i32
    %mul3A_39 = arith.constant 2048 : i32
    %mul3A_40 = arith.muli %add3A_38, %mul3A_39 : i32
    %dma_start3A_41 = tpu.memref_slice %arg2[%mul3A_40] : memref<33554432xf32, #tpu.memory_space<hbm>> -> memref<32768xf32, #tpu.memory_space<hbm>>
    %dma_start3A_42 = tpu.memref_slice %arg2[%mul3A_40] : memref<33554432xf32, #tpu.memory_space<hbm>> -> memref<32768xf32, #tpu.memory_space<hbm>>
    tpu.enqueue_dma source(%dma_start3A_42 : memref<32768xf32, #tpu.memory_space<hbm>>) target(%arg5 : memref<32768xf32, #tpu.memory_space<vmem>>) target_semaphore(%arg8 : memref<!tpu.dma_semaphore, #tpu.memory_space<semaphore_mem>>)
    %dma_wait3A_43 = tpu.memref_slice %arg2[%mul3A_15] : memref<33554432xf32, #tpu.memory_space<hbm>> -> memref<32768xf32, #tpu.memory_space<hbm>>
    %dma_wait3A_44 = tpu.memref_slice %arg2[%mul3A_15] : memref<33554432xf32, #tpu.memory_space<hbm>> -> memref<32768xf32, #tpu.memory_space<hbm>>
    tpu.wait_dma2 semaphore(%arg9 : memref<!tpu.dma_semaphore, #tpu.memory_space<semaphore_mem>>) src(%dma_wait3A_44 : memref<32768xf32, #tpu.memory_space<hbm>>) dst(%arg6 : memref<32768xf32, #tpu.memory_space<vmem>>)
    %parallel_loop3A_45 = arith.constant 0 : i32
    %parallel_loop3A_46 = arith.constant 32768 : i32
    %parallel_loop3A_47 = arith.constant 16 : i32
    scf.for %parallel_loop3A_768 = %parallel_loop3A_45 to %parallel_loop3A_46 step %parallel_loop3A_47  : i32 {
      %parallel_loop3A_769 = arith.index_cast %parallel_loop3A_768 : i32 to index
      %parallel_loop3A_770 = tpu.vector_load %arg7[%parallel_loop3A_769] {strides = array<i32>} : memref<32768xf32, #tpu.memory_space<vmem>>, vector<16xf32>,
      %parallel_loop3A_771 = vector.shape_cast %parallel_loop3A_770 : vector<16xf32> to vector<16xf32>
      %parallel_loop3A_772 = arith.index_cast %parallel_loop3A_768 : i32 to index
      %parallel_loop3A_773 = tpu.vector_load %arg6[%parallel_loop3A_772] {strides = array<i32>} : memref<32768xf32, #tpu.memory_space<vmem>>, vector<16xf32>,
      %parallel_loop3A_774 = vector.shape_cast %parallel_loop3A_773 : vector<16xf32> to vector<16xf32>
      %parallel_loop3A_775 = vector.shape_cast %parallel_loop3A_771 : vector<16xf32> to vector<16xf32>
      tpu.vector_store %arg6[%parallel_loop3A_772], %parallel_loop3A_775 {add = true, strides = array<i32>} : memref<32768xf32, #tpu.memory_space<vmem>>, vector<16xf32>,
    } {sc.loop_unroll_factor = 8 : i64, sc.parallel_access}
    %add3A_48 = arith.constant 4096 : i32
    %add3A_49 = arith.addi %add3A_48, %mul3A_2 : i32
    %add3A_50 = arith.constant 0 : i32
    %add3A_51 = arith.addi %add3A_49, %add3A_50 : i32
    %mul3A_52 = arith.constant 2048 : i32
    %mul3A_53 = arith.muli %add3A_51, %mul3A_52 : i32
    %dma_start3A_54 = tpu.memref_slice %arg4[%mul3A_53] : memref<33554432xf32, #tpu.memory_space<hbm>> -> memref<32768xf32, #tpu.memory_space<hbm>>
    %dma_start3A_55 = tpu.memref_slice %arg4[%mul3A_53] : memref<33554432xf32, #tpu.memory_space<hbm>> -> memref<32768xf32, #tpu.memory_space<hbm>>
    tpu.enqueue_dma source(%arg6 : memref<32768xf32, #tpu.memory_space<vmem>>) target(%dma_start3A_55 : memref<32768xf32, #tpu.memory_space<hbm>>) target_semaphore(%arg11 : memref<!tpu.dma_semaphore, #tpu.memory_space<semaphore_mem>>)
    %dma_wait3A_56 = tpu.memref_slice %arg4[%mul3A_53] : memref<33554432xf32, #tpu.memory_space<hbm>> -> memref<32768xf32, #tpu.memory_space<hbm>>
    %dma_wait3A_57 = tpu.memref_slice %arg4[%mul3A_53] : memref<33554432xf32, #tpu.memory_space<hbm>> -> memref<32768xf32, #tpu.memory_space<hbm>>
    tpu.wait_dma2 semaphore(%arg11 : memref<!tpu.dma_semaphore, #tpu.memory_space<semaphore_mem>>) src(%arg6 : memref<32768xf32, #tpu.memory_space<vmem>>) dst(%dma_wait3A_57 : memref<32768xf32, #tpu.memory_space<hbm>>)
    %add3A_58 = arith.constant 12288 : i32
    %add3A_59 = arith.addi %add3A_58, %mul3A_2 : i32
    %add3A_60 = arith.constant 0 : i32
    %add3A_61 = arith.addi %add3A_59, %add3A_60 : i32
    %mul3A_62 = arith.constant 2048 : i32
    %mul3A_63 = arith.muli %add3A_61, %mul3A_62 : i32
    %dma_start3A_64 = tpu.memref_slice %arg2[%mul3A_63] : memref<33554432xf32, #tpu.memory_space<hbm>> -> memref<32768xf32, #tpu.memory_space<hbm>>
    %dma_start3A_65 = tpu.memref_slice %arg2[%mul3A_63] : memref<33554432xf32, #tpu.memory_space<hbm>> -> memref<32768xf32, #tpu.memory_space<hbm>>
    tpu.enqueue_dma source(%dma_start3A_65 : memref<32768xf32, #tpu.memory_space<hbm>>) target(%arg6 : memref<32768xf32, #tpu.memory_space<vmem>>) target_semaphore(%arg9 : memref<!tpu.dma_semaphore, #tpu.memory_space<semaphore_mem>>)
    %dma_wait3A_66 = tpu.memref_slice %arg2[%mul3A_40] : memref<33554432xf32, #tpu.memory_space<hbm>> -> memref<32768xf32, #tpu.memory_space<hbm>>
    %dma_wait3A_67 = tpu.memref_slice %arg2[%mul3A_40] : memref<33554432xf32, #tpu.memory_space<hbm>> -> memref<32768xf32, #tpu.memory_space<hbm>>
    tpu.wait_dma2 semaphore(%arg8 : memref<!tpu.dma_semaphore, #tpu.memory_space<semaphore_mem>>) src(%dma_wait3A_67 : memref<32768xf32, #tpu.memory_space<hbm>>) dst(%arg5 : memref<32768xf32, #tpu.memory_space<vmem>>)
    %parallel_loop3A_68 = arith.constant 0 : i32
    %parallel_loop3A_69 = arith.constant 32768 : i32
    %parallel_loop3A_70 = arith.constant 16 : i32
    scf.for %parallel_loop3A_768 = %parallel_loop3A_68 to %parallel_loop3A_69 step %parallel_loop3A_70  : i32 {
      %parallel_loop3A_769 = arith.index_cast %parallel_loop3A_768 : i32 to index
      %parallel_loop3A_770 = tpu.vector_load %arg7[%parallel_loop3A_769] {strides = array<i32>} : memref<32768xf32, #tpu.memory_space<vmem>>, vector<16xf32>,
      %parallel_loop3A_771 = vector.shape_cast %parallel_loop3A_770 : vector<16xf32> to vector<16xf32>
      %parallel_loop3A_772 = arith.index_cast %parallel_loop3A_768 : i32 to index
      %parallel_loop3A_773 = tpu.vector_load %arg5[%parallel_loop3A_772] {strides = array<i32>} : memref<32768xf32, #tpu.memory_space<vmem>>, vector<16xf32>,
      %parallel_loop3A_774 = vector.shape_cast %parallel_loop3A_773 : vector<16xf32> to vector<16xf32>
      %parallel_loop3A_775 = vector.shape_cast %parallel_loop3A_771 : vector<16xf32> to vector<16xf32>
      tpu.vector_store %arg5[%parallel_loop3A_772], %parallel_loop3A_775 {add = true, strides = array<i32>} : memref<32768xf32, #tpu.memory_space<vmem>>, vector<16xf32>,
    } {sc.loop_unroll_factor = 8 : i64, sc.parallel_access}
    %add3A_71 = arith.constant 8192 : i32
    %add3A_72 = arith.addi %add3A_71, %mul3A_2 : i32
    %add3A_73 = arith.constant 0 : i32
    %add3A_74 = arith.addi %add3A_72, %add3A_73 : i32
    %mul3A_75 = arith.constant 2048 : i32
    %mul3A_76 = arith.muli %add3A_74, %mul3A_75 : i32
    %dma_start3A_77 = tpu.memref_slice %arg4[%mul3A_76] : memref<33554432xf32, #tpu.memory_space<hbm>> -> memref<32768xf32, #tpu.memory_space<hbm>>
    %dma_start3A_78 = tpu.memref_slice %arg4[%mul3A_76] : memref<33554432xf32, #tpu.memory_space<hbm>> -> memref<32768xf32, #tpu.memory_space<hbm>>
    tpu.enqueue_dma source(%arg5 : memref<32768xf32, #tpu.memory_space<vmem>>) target(%dma_start3A_78 : memref<32768xf32, #tpu.memory_space<hbm>>) target_semaphore(%arg10 : memref<!tpu.dma_semaphore, #tpu.memory_space<semaphore_mem>>)
    %dma_wait3A_79 = tpu.memref_slice %arg4[%mul3A_76] : memref<33554432xf32, #tpu.memory_space<hbm>> -> memref<32768xf32, #tpu.memory_space<hbm>>
    %dma_wait3A_80 = tpu.memref_slice %arg4[%mul3A_76] : memref<33554432xf32, #tpu.memory_space<hbm>> -> memref<32768xf32, #tpu.memory_space<hbm>>
    tpu.wait_dma2 semaphore(%arg10 : memref<!tpu.dma_semaphore, #tpu.memory_space<semaphore_mem>>) src(%arg5 : memref<32768xf32, #tpu.memory_space<vmem>>) dst(%dma_wait3A_80 : memref<32768xf32, #tpu.memory_space<hbm>>)
    %add3A_81 = arith.constant 0 : i32
    %add3A_82 = arith.addi %add3A_81, %mul3A_2 : i32
    %add3A_83 = arith.constant 16 : i32
    %add3A_84 = arith.addi %add3A_82, %add3A_83 : i32
    %mul3A_85 = arith.constant 2048 : i32
    %mul3A_86 = arith.muli %add3A_84, %mul3A_85 : i32
    %dma_start3A_87 = tpu.memref_slice %arg2[%mul3A_86] : memref<33554432xf32, #tpu.memory_space<hbm>> -> memref<32768xf32, #tpu.memory_space<hbm>>
    %dma_start3A_88 = tpu.memref_slice %arg2[%mul3A_86] : memref<33554432xf32, #tpu.memory_space<hbm>> -> memref<32768xf32, #tpu.memory_space<hbm>>
    tpu.enqueue_dma source(%dma_start3A_88 : memref<32768xf32, #tpu.memory_space<hbm>>) target(%arg5 : memref<32768xf32, #tpu.memory_space<vmem>>) target_semaphore(%arg8 : memref<!tpu.dma_semaphore, #tpu.memory_space<semaphore_mem>>)
    %dma_wait3A_89 = tpu.memref_slice %arg2[%mul3A_63] : memref<33554432xf32, #tpu.memory_space<hbm>> -> memref<32768xf32, #tpu.memory_space<hbm>>
    %dma_wait3A_90 = tpu.memref_slice %arg2[%mul3A_63] : memref<33554432xf32, #tpu.memory_space<hbm>> -> memref<32768xf32, #tpu.memory_space<hbm>>
    tpu.wait_dma2 semaphore(%arg9 : memref<!tpu.dma_semaphore, #tpu.memory_space<semaphore_mem>>) src(%dma_wait3A_90 : memref<32768xf32, #tpu.memory_space<hbm>>) dst(%arg6 : memref<32768xf32, #tpu.memory_space<vmem>>)
    %parallel_loop3A_91 = arith.constant 0 : i32
    %parallel_loop3A_92 = arith.constant 32768 : i32
    %parallel_loop3A_93 = arith.constant 16 : i32
    scf.for %parallel_loop3A_768 = %parallel_loop3A_91 to %parallel_loop3A_92 step %parallel_loop3A_93  : i32 {
      %parallel_loop3A_769 = arith.index_cast %parallel_loop3A_768 : i32 to index
      %parallel_loop3A_770 = tpu.vector_load %arg7[%parallel_loop3A_769] {strides = array<i32>} : memref<32768xf32, #tpu.memory_space<vmem>>, vector<16xf32>,
      %parallel_loop3A_771 = vector.shape_cast %parallel_loop3A_770 : vector<16xf32> to vector<16xf32>
      %parallel_loop3A_772 = arith.index_cast %parallel_loop3A_768 : i32 to index
      %parallel_loop3A_773 = tpu.vector_load %arg6[%parallel_loop3A_772] {strides = array<i32>} : memref<32768xf32, #tpu.memory_space<vmem>>, vector<16xf32>,
      %parallel_loop3A_774 = vector.shape_cast %parallel_loop3A_773 : vector<16xf32> to vector<16xf32>
      %parallel_loop3A_775 = vector.shape_cast %parallel_loop3A_771 : vector<16xf32> to vector<16xf32>
      tpu.vector_store %arg6[%parallel_loop3A_772], %parallel_loop3A_775 {add = true, strides = array<i32>} : memref<32768xf32, #tpu.memory_space<vmem>>, vector<16xf32>,
    } {sc.loop_unroll_factor = 8 : i64, sc.parallel_access}
    %add3A_94 = arith.constant 12288 : i32
    %add3A_95 = arith.addi %add3A_94, %mul3A_2 : i32
    %add3A_96 = arith.constant 0 : i32
    %add3A_97 = arith.addi %add3A_95, %add3A_96 : i32
    %mul3A_98 = arith.constant 2048 : i32
    %mul3A_99 = arith.muli %add3A_97, %mul3A_98 : i32
    %dma_start3A_100 = tpu.memref_slice %arg4[%mul3A_99] : memref<33554432xf32, #tpu.memory_space<hbm>> -> memref<32768xf32, #tpu.memory_space<hbm>>
    %dma_start3A_101 = tpu.memref_slice %arg4[%mul3A_99] : memref<33554432xf32, #tpu.memory_space<hbm>> -> memref<32768xf32, #tpu.memory_space<hbm>>
    tpu.enqueue_dma source(%arg6 : memref<32768xf32, #tpu.memory_space<vmem>>) target(%dma_start3A_101 : memref<32768xf32, #tpu.memory_space<hbm>>) target_semaphore(%arg11 : memref<!tpu.dma_semaphore, #tpu.memory_space<semaphore_mem>>)
    %dma_wait3A_102 = tpu.memref_slice %arg4[%mul3A_99] : memref<33554432xf32, #tpu.memory_space<hbm>> -> memref<32768xf32, #tpu.memory_space<hbm>>
    %dma_wait3A_103 = tpu.memref_slice %arg4[%mul3A_99] : memref<33554432xf32, #tpu.memory_space<hbm>> -> memref<32768xf32, #tpu.memory_space<hbm>>
    tpu.wait_dma2 semaphore(%arg11 : memref<!tpu.dma_semaphore, #tpu.memory_space<semaphore_mem>>) src(%arg6 : memref<32768xf32, #tpu.memory_space<vmem>>) dst(%dma_wait3A_103 : memref<32768xf32, #tpu.memory_space<hbm>>)
    %add3A_104 = arith.constant 4096 : i32
    %add3A_105 = arith.addi %add3A_104, %mul3A_2 : i32
    %add3A_106 = arith.constant 16 : i32
    %add3A_107 = arith.addi %add3A_105, %add3A_106 : i32
    %mul3A_108 = arith.constant 2048 : i32
    %mul3A_109 = arith.muli %add3A_107, %mul3A_108 : i32
    %dma_start3A_110 = tpu.memref_slice %arg2[%mul3A_109] : memref<33554432xf32, #tpu.memory_space<hbm>> -> memref<32768xf32, #tpu.memory_space<hbm>>
    %dma_start3A_111 = tpu.memref_slice %arg2[%mul3A_109] : memref<33554432xf32, #tpu.memory_space<hbm>> -> memref<32768xf32, #tpu.memory_space<hbm>>
    tpu.enqueue_dma source(%dma_start3A_111 : memref<32768xf32, #tpu.memory_space<hbm>>) target(%arg6 : memref<32768xf32, #tpu.memory_space<vmem>>) target_semaphore(%arg9 : memref<!tpu.dma_semaphore, #tpu.memory_space<semaphore_mem>>)
    %add3A_112 = arith.constant 16 : i32
    %add3A_113 = arith.addi %mul3A_2, %add3A_112 : i32
    %mul3A_114 = arith.constant 2048 : i32
    %mul3A_115 = arith.muli %add3A_113, %mul3A_114 : i32
    "tpu.region"() ({
      %run_scoped3A = tpu.sem_alloc : memref<!tpu.dma_semaphore, #tpu.memory_space<semaphore_mem>>
      %dma_start3A_768 = tpu.memref_slice %arg3[%mul3A_115] : memref<16777216xf32, #tpu.memory_space<hbm>> -> memref<32768xf32, #tpu.memory_space<hbm>>
      %dma_start3A_769 = tpu.memref_slice %arg3[%mul3A_115] : memref<16777216xf32, #tpu.memory_space<hbm>> -> memref<32768xf32, #tpu.memory_space<hbm>>
      tpu.enqueue_dma source(%dma_start3A_769 : memref<32768xf32, #tpu.memory_space<hbm>>) target(%arg7 : memref<32768xf32, #tpu.memory_space<vmem>>) target_semaphore(%run_scoped3A : memref<!tpu.dma_semaphore, #tpu.memory_space<semaphore_mem>>)
      %dma_wait3A_770 = tpu.memref_slice %arg3[%mul3A_115] : memref<16777216xf32, #tpu.memory_space<hbm>> -> memref<32768xf32, #tpu.memory_space<hbm>>
      %dma_wait3A_771 = tpu.memref_slice %arg3[%mul3A_115] : memref<16777216xf32, #tpu.memory_space<hbm>> -> memref<32768xf32, #tpu.memory_space<hbm>>
      tpu.wait_dma2 semaphore(%run_scoped3A : memref<!tpu.dma_semaphore, #tpu.memory_space<semaphore_mem>>) src(%dma_wait3A_771 : memref<32768xf32, #tpu.memory_space<hbm>>) dst(%arg7 : memref<32768xf32, #tpu.memory_space<vmem>>)
      tpu.yield
    }) : () -> ()
    %dma_wait3A_116 = tpu.memref_slice %arg2[%mul3A_86] : memref<33554432xf32, #tpu.memory_space<hbm>> -> memref<32768xf32, #tpu.memory_space<hbm>>
    %dma_wait3A_117 = tpu.memref_slice %arg2[%mul3A_86] : memref<33554432xf32, #tpu.memory_space<hbm>> -> memref<32768xf32, #tpu.memory_space<hbm>>
    tpu.wait_dma2 semaphore(%arg8 : memref<!tpu.dma_semaphore, #tpu.memory_space<semaphore_mem>>) src(%dma_wait3A_117 : memref<32768xf32, #tpu.memory_space<hbm>>) dst(%arg5 : memref<32768xf32, #tpu.memory_space<vmem>>)
    %parallel_loop3A_118 = arith.constant 0 : i32
    %parallel_loop3A_119 = arith.constant 32768 : i32
    %parallel_loop3A_120 = arith.constant 16 : i32
    scf.for %parallel_loop3A_768 = %parallel_loop3A_118 to %parallel_loop3A_119 step %parallel_loop3A_120  : i32 {
      %parallel_loop3A_769 = arith.index_cast %parallel_loop3A_768 : i32 to index
      %parallel_loop3A_770 = tpu.vector_load %arg7[%parallel_loop3A_769] {strides = array<i32>} : memref<32768xf32, #tpu.memory_space<vmem>>, vector<16xf32>,
      %parallel_loop3A_771 = vector.shape_cast %parallel_loop3A_770 : vector<16xf32> to vector<16xf32>
      %parallel_loop3A_772 = arith.index_cast %parallel_loop3A_768 : i32 to index
      %parallel_loop3A_773 = tpu.vector_load %arg5[%parallel_loop3A_772] {strides = array<i32>} : memref<32768xf32, #tpu.memory_space<vmem>>, vector<16xf32>,
      %parallel_loop3A_774 = vector.shape_cast %parallel_loop3A_773 : vector<16xf32> to vector<16xf32>
      %parallel_loop3A_775 = vector.shape_cast %parallel_loop3A_771 : vector<16xf32> to vector<16xf32>
      tpu.vector_store %arg5[%parallel_loop3A_772], %parallel_loop3A_775 {add = true, strides = array<i32>} : memref<32768xf32, #tpu.memory_space<vmem>>, vector<16xf32>,
    } {sc.loop_unroll_factor = 8 : i64, sc.parallel_access}
    %add3A_121 = arith.constant 0 : i32
    %add3A_122 = arith.addi %add3A_121, %mul3A_2 : i32
    %add3A_123 = arith.constant 16 : i32
    %add3A_124 = arith.addi %add3A_122, %add3A_123 : i32
    %mul3A_125 = arith.constant 2048 : i32
    %mul3A_126 = arith.muli %add3A_124, %mul3A_125 : i32
    %dma_start3A_127 = tpu.memref_slice %arg4[%mul3A_126] : memref<33554432xf32, #tpu.memory_space<hbm>> -> memref<32768xf32, #tpu.memory_space<hbm>>
    %dma_start3A_128 = tpu.memref_slice %arg4[%mul3A_126] : memref<33554432xf32, #tpu.memory_space<hbm>> -> memref<32768xf32, #tpu.memory_space<hbm>>
    tpu.enqueue_dma source(%arg5 : memref<32768xf32, #tpu.memory_space<vmem>>) target(%dma_start3A_128 : memref<32768xf32, #tpu.memory_space<hbm>>) target_semaphore(%arg10 : memref<!tpu.dma_semaphore, #tpu.memory_space<semaphore_mem>>)
    %dma_wait3A_129 = tpu.memref_slice %arg4[%mul3A_126] : memref<33554432xf32, #tpu.memory_space<hbm>> -> memref<32768xf32, #tpu.memory_space<hbm>>
    %dma_wait3A_130 = tpu.memref_slice %arg4[%mul3A_126] : memref<33554432xf32, #tpu.memory_space<hbm>> -> memref<32768xf32, #tpu.memory_space<hbm>>
    tpu.wait_dma2 semaphore(%arg10 : memref<!tpu.dma_semaphore, #tpu.memory_space<semaphore_mem>>) src(%arg5 : memref<32768xf32, #tpu.memory_space<vmem>>) dst(%dma_wait3A_130 : memref<32768xf32, #tpu.memory_space<hbm>>)
    %add3A_131 = arith.constant 8192 : i32
    %add3A_132 = arith.addi %add3A_131, %mul3A_2 : i32
    %add3A_133 = arith.constant 16 : i32
    %add3A_134 = arith.addi %add3A_132, %add3A_133 : i32
    %mul3A_135 = arith.constant 2048 : i32
    %mul3A_136 = arith.muli %add3A_134, %mul3A_135 : i32
    %dma_start3A_137 = tpu.memref_slice %arg2[%mul3A_136] : memref<33554432xf32, #tpu.memory_space<hbm>> -> memref<32768xf32, #tpu.memory_space<hbm>>
    %dma_start3A_138 = tpu.memref_slice %arg2[%mul3A_136] : memref<33554432xf32, #tpu.memory_space<hbm>> -> memref<32768xf32, #tpu.memory_space<hbm>>
    tpu.enqueue_dma source(%dma_start3A_138 : memref<32768xf32, #tpu.memory_space<hbm>>) target(%arg5 : memref<32768xf32, #tpu.memory_space<vmem>>) target_semaphore(%arg8 : memref<!tpu.dma_semaphore, #tpu.memory_space<semaphore_mem>>)
    %dma_wait3A_139 = tpu.memref_slice %arg2[%mul3A_109] : memref<33554432xf32, #tpu.memory_space<hbm>> -> memref<32768xf32, #tpu.memory_space<hbm>>
    %dma_wait3A_140 = tpu.memref_slice %arg2[%mul3A_109] : memref<33554432xf32, #tpu.memory_space<hbm>> -> memref<32768xf32, #tpu.memory_space<hbm>>
    tpu.wait_dma2 semaphore(%arg9 : memref<!tpu.dma_semaphore, #tpu.memory_space<semaphore_mem>>) src(%dma_wait3A_140 : memref<32768xf32, #tpu.memory_space<hbm>>) dst(%arg6 : memref<32768xf32, #tpu.memory_space<vmem>>)
    %parallel_loop3A_141 = arith.constant 0 : i32
    %parallel_loop3A_142 = arith.constant 32768 : i32
    %parallel_loop3A_143 = arith.constant 16 : i32
    scf.for %parallel_loop3A_768 = %parallel_loop3A_141 to %parallel_loop3A_142 step %parallel_loop3A_143  : i32 {
      %parallel_loop3A_769 = arith.index_cast %parallel_loop3A_768 : i32 to index
      %parallel_loop3A_770 = tpu.vector_load %arg7[%parallel_loop3A_769] {strides = array<i32>} : memref<32768xf32, #tpu.memory_space<vmem>>, vector<16xf32>,
      %parallel_loop3A_771 = vector.shape_cast %parallel_loop3A_770 : vector<16xf32> to vector<16xf32>
      %parallel_loop3A_772 = arith.index_cast %parallel_loop3A_768 : i32 to index
      %parallel_loop3A_773 = tpu.vector_load %arg6[%parallel_loop3A_772] {strides = array<i32>} : memref<32768xf32, #tpu.memory_space<vmem>>, vector<16xf32>,
      %parallel_loop3A_774 = vector.shape_cast %parallel_loop3A_773 : vector<16xf32> to vector<16xf32>
      %parallel_loop3A_775 = vector.shape_cast %parallel_loop3A_771 : vector<16xf32> to vector<16xf32>
      tpu.vector_store %arg6[%parallel_loop3A_772], %parallel_loop3A_775 {add = true, strides = array<i32>} : memref<32768xf32, #tpu.memory_space<vmem>>, vector<16xf32>,
    } {sc.loop_unroll_factor = 8 : i64, sc.parallel_access}
    %add3A_144 = arith.constant 4096 : i32
    %add3A_145 = arith.addi %add3A_144, %mul3A_2 : i32
    %add3A_146 = arith.constant 16 : i32
    %add3A_147 = arith.addi %add3A_145, %add3A_146 : i32
    %mul3A_148 = arith.constant 2048 : i32
    %mul3A_149 = arith.muli %add3A_147, %mul3A_148 : i32
    %dma_start3A_150 = tpu.memref_slice %arg4[%mul3A_149] : memref<33554432xf32, #tpu.memory_space<hbm>> -> memref<32768xf32, #tpu.memory_space<hbm>>
    %dma_start3A_151 = tpu.memref_slice %arg4[%mul3A_149] : memref<33554432xf32, #tpu.memory_space<hbm>> -> memref<32768xf32, #tpu.memory_space<hbm>>
    tpu.enqueue_dma source(%arg6 : memref<32768xf32, #tpu.memory_space<vmem>>) target(%dma_start3A_151 : memref<32768xf32, #tpu.memory_space<hbm>>) target_semaphore(%arg11 : memref<!tpu.dma_semaphore, #tpu.memory_space<semaphore_mem>>)
    %dma_wait3A_152 = tpu.memref_slice %arg4[%mul3A_149] : memref<33554432xf32, #tpu.memory_space<hbm>> -> memref<32768xf32, #tpu.memory_space<hbm>>
    %dma_wait3A_153 = tpu.memref_slice %arg4[%mul3A_149] : memref<33554432xf32, #tpu.memory_space<hbm>> -> memref<32768xf32, #tpu.memory_space<hbm>>
    tpu.wait_dma2 semaphore(%arg11 : memref<!tpu.dma_semaphore, #tpu.memory_space<semaphore_mem>>) src(%arg6 : memref<32768xf32, #tpu.memory_space<vmem>>) dst(%dma_wait3A_153 : memref<32768xf32, #tpu.memory_space<hbm>>)
    %add3A_154 = arith.constant 12288 : i32
    %add3A_155 = arith.addi %add3A_154, %mul3A_2 : i32
    %add3A_156 = arith.constant 16 : i32
    %add3A_157 = arith.addi %add3A_155, %add3A_156 : i32
    %mul3A_158 = arith.constant 2048 : i32
    %mul3A_159 = arith.muli %add3A_157, %mul3A_158 : i32
    %dma_start3A_160 = tpu.memref_slice %arg2[%mul3A_159] : memref<33554432xf32, #tpu.memory_space<hbm>> -> memref<32768xf32, #tpu.memory_space<hbm>>
    %dma_start3A_161 = tpu.memref_slice %arg2[%mul3A_159] : memref<33554432xf32, #tpu.memory_space<hbm>> -> memref<32768xf32, #tpu.memory_space<hbm>>
    tpu.enqueue_dma source(%dma_start3A_161 : memref<32768xf32, #tpu.memory_space<hbm>>) target(%arg6 : memref<32768xf32, #tpu.memory_space<vmem>>) target_semaphore(%arg9 : memref<!tpu.dma_semaphore, #tpu.memory_space<semaphore_mem>>)
    %dma_wait3A_162 = tpu.memref_slice %arg2[%mul3A_136] : memref<33554432xf32, #tpu.memory_space<hbm>> -> memref<32768xf32, #tpu.memory_space<hbm>>
    %dma_wait3A_163 = tpu.memref_slice %arg2[%mul3A_136] : memref<33554432xf32, #tpu.memory_space<hbm>> -> memref<32768xf32, #tpu.memory_space<hbm>>
    tpu.wait_dma2 semaphore(%arg8 : memref<!tpu.dma_semaphore, #tpu.memory_space<semaphore_mem>>) src(%dma_wait3A_163 : memref<32768xf32, #tpu.memory_space<hbm>>) dst(%arg5 : memref<32768xf32, #tpu.memory_space<vmem>>)
    %parallel_loop3A_164 = arith.constant 0 : i32
    %parallel_loop3A_165 = arith.constant 32768 : i32
    %parallel_loop3A_166 = arith.constant 16 : i32
    scf.for %parallel_loop3A_768 = %parallel_loop3A_164 to %parallel_loop3A_165 step %parallel_loop3A_166  : i32 {
      %parallel_loop3A_769 = arith.index_cast %parallel_loop3A_768 : i32 to index
      %parallel_loop3A_770 = tpu.vector_load %arg7[%parallel_loop3A_769] {strides = array<i32>} : memref<32768xf32, #tpu.memory_space<vmem>>, vector<16xf32>,
      %parallel_loop3A_771 = vector.shape_cast %parallel_loop3A_770 : vector<16xf32> to vector<16xf32>
      %parallel_loop3A_772 = arith.index_cast %parallel_loop3A_768 : i32 to index
      %parallel_loop3A_773 = tpu.vector_load %arg5[%parallel_loop3A_772] {strides = array<i32>} : memref<32768xf32, #tpu.memory_space<vmem>>, vector<16xf32>,
      %parallel_loop3A_774 = vector.shape_cast %parallel_loop3A_773 : vector<16xf32> to vector<16xf32>
      %parallel_loop3A_775 = vector.shape_cast %parallel_loop3A_771 : vector<16xf32> to vector<16xf32>
      tpu.vector_store %arg5[%parallel_loop3A_772], %parallel_loop3A_775 {add = true, strides = array<i32>} : memref<32768xf32, #tpu.memory_space<vmem>>, vector<16xf32>,
    } {sc.loop_unroll_factor = 8 : i64, sc.parallel_access}
    %add3A_167 = arith.constant 8192 : i32
    %add3A_168 = arith.addi %add3A_167, %mul3A_2 : i32
    %add3A_169 = arith.constant 16 : i32
    %add3A_170 = arith.addi %add3A_168, %add3A_169 : i32
    %mul3A_171 = arith.constant 2048 : i32
    %mul3A_172 = arith.muli %add3A_170, %mul3A_171 : i32
    %dma_start3A_173 = tpu.memref_slice %arg4[%mul3A_172] : memref<33554432xf32, #tpu.memory_space<hbm>> -> memref<32768xf32, #tpu.memory_space<hbm>>
    %dma_start3A_174 = tpu.memref_slice %arg4[%mul3A_172] : memref<33554432xf32, #tpu.memory_space<hbm>> -> memref<32768xf32, #tpu.memory_space<hbm>>
    tpu.enqueue_dma source(%arg5 : memref<32768xf32, #tpu.memory_space<vmem>>) target(%dma_start3A_174 : memref<32768xf32, #tpu.memory_space<hbm>>) target_semaphore(%arg10 : memref<!tpu.dma_semaphore, #tpu.memory_space<semaphore_mem>>)
    %dma_wait3A_175 = tpu.memref_slice %arg4[%mul3A_172] : memref<33554432xf32, #tpu.memory_space<hbm>> -> memref<32768xf32, #tpu.memory_space<hbm>>
    %dma_wait3A_176 = tpu.memref_slice %arg4[%mul3A_172] : memref<33554432xf32, #tpu.memory_space<hbm>> -> memref<32768xf32, #tpu.memory_space<hbm>>
    tpu.wait_dma2 semaphore(%arg10 : memref<!tpu.dma_semaphore, #tpu.memory_space<semaphore_mem>>) src(%arg5 : memref<32768xf32, #tpu.memory_space<vmem>>) dst(%dma_wait3A_176 : memref<32768xf32, #tpu.memory_space<hbm>>)
    %add3A_177 = arith.constant 0 : i32
    %add3A_178 = arith.addi %add3A_177, %mul3A_2 : i32
    %add3A_179 = arith.constant 32 : i32
    %add3A_180 = arith.addi %add3A_178, %add3A_179 : i32
    %mul3A_181 = arith.constant 2048 : i32
    %mul3A_182 = arith.muli %add3A_180, %mul3A_181 : i32
    %dma_start3A_183 = tpu.memref_slice %arg2[%mul3A_182] : memref<33554432xf32, #tpu.memory_space<hbm>> -> memref<32768xf32, #tpu.memory_space<hbm>>
    %dma_start3A_184 = tpu.memref_slice %arg2[%mul3A_182] : memref<33554432xf32, #tpu.memory_space<hbm>> -> memref<32768xf32, #tpu.memory_space<hbm>>
    tpu.enqueue_dma source(%dma_start3A_184 : memref<32768xf32, #tpu.memory_space<hbm>>) target(%arg5 : memref<32768xf32, #tpu.memory_space<vmem>>) target_semaphore(%arg8 : memref<!tpu.dma_semaphore, #tpu.memory_space<semaphore_mem>>)
    %dma_wait3A_185 = tpu.memref_slice %arg2[%mul3A_159] : memref<33554432xf32, #tpu.memory_space<hbm>> -> memref<32768xf32, #tpu.memory_space<hbm>>
    %dma_wait3A_186 = tpu.memref_slice %arg2[%mul3A_159] : memref<33554432xf32, #tpu.memory_space<hbm>> -> memref<32768xf32, #tpu.memory_space<hbm>>
    tpu.wait_dma2 semaphore(%arg9 : memref<!tpu.dma_semaphore, #tpu.memory_space<semaphore_mem>>) src(%dma_wait3A_186 : memref<32768xf32, #tpu.memory_space<hbm>>) dst(%arg6 : memref<32768xf32, #tpu.memory_space<vmem>>)
    %parallel_loop3A_187 = arith.constant 0 : i32
    %parallel_loop3A_188 = arith.constant 32768 : i32
    %parallel_loop3A_189 = arith.constant 16 : i32
    scf.for %parallel_loop3A_768 = %parallel_loop3A_187 to %parallel_loop3A_188 step %parallel_loop3A_189  : i32 {
      %parallel_loop3A_769 = arith.index_cast %parallel_loop3A_768 : i32 to index
      %parallel_loop3A_770 = tpu.vector_load %arg7[%parallel_loop3A_769] {strides = array<i32>} : memref<32768xf32, #tpu.memory_space<vmem>>, vector<16xf32>,
      %parallel_loop3A_771 = vector.shape_cast %parallel_loop3A_770 : vector<16xf32> to vector<16xf32>
      %parallel_loop3A_772 = arith.index_cast %parallel_loop3A_768 : i32 to index
      %parallel_loop3A_773 = tpu.vector_load %arg6[%parallel_loop3A_772] {strides = array<i32>} : memref<32768xf32, #tpu.memory_space<vmem>>, vector<16xf32>,
      %parallel_loop3A_774 = vector.shape_cast %parallel_loop3A_773 : vector<16xf32> to vector<16xf32>
      %parallel_loop3A_775 = vector.shape_cast %parallel_loop3A_771 : vector<16xf32> to vector<16xf32>
      tpu.vector_store %arg6[%parallel_loop3A_772], %parallel_loop3A_775 {add = true, strides = array<i32>} : memref<32768xf32, #tpu.memory_space<vmem>>, vector<16xf32>,
    } {sc.loop_unroll_factor = 8 : i64, sc.parallel_access}
    %add3A_190 = arith.constant 12288 : i32
    %add3A_191 = arith.addi %add3A_190, %mul3A_2 : i32
    %add3A_192 = arith.constant 16 : i32
    %add3A_193 = arith.addi %add3A_191, %add3A_192 : i32
    %mul3A_194 = arith.constant 2048 : i32
    %mul3A_195 = arith.muli %add3A_193, %mul3A_194 : i32
    %dma_start3A_196 = tpu.memref_slice %arg4[%mul3A_195] : memref<33554432xf32, #tpu.memory_space<hbm>> -> memref<32768xf32, #tpu.memory_space<hbm>>
    %dma_start3A_197 = tpu.memref_slice %arg4[%mul3A_195] : memref<33554432xf32, #tpu.memory_space<hbm>> -> memref<32768xf32, #tpu.memory_space<hbm>>
    tpu.enqueue_dma source(%arg6 : memref<32768xf32, #tpu.memory_space<vmem>>) target(%dma_start3A_197 : memref<32768xf32, #tpu.memory_space<hbm>>) target_semaphore(%arg11 : memref<!tpu.dma_semaphore, #tpu.memory_space<semaphore_mem>>)
    %dma_wait3A_198 = tpu.memref_slice %arg4[%mul3A_195] : memref<33554432xf32, #tpu.memory_space<hbm>> -> memref<32768xf32, #tpu.memory_space<hbm>>
    %dma_wait3A_199 = tpu.memref_slice %arg4[%mul3A_195] : memref<33554432xf32, #tpu.memory_space<hbm>> -> memref<32768xf32, #tpu.memory_space<hbm>>
    tpu.wait_dma2 semaphore(%arg11 : memref<!tpu.dma_semaphore, #tpu.memory_space<semaphore_mem>>) src(%arg6 : memref<32768xf32, #tpu.memory_space<vmem>>) dst(%dma_wait3A_199 : memref<32768xf32, #tpu.memory_space<hbm>>)
    %add3A_200 = arith.constant 4096 : i32
    %add3A_201 = arith.addi %add3A_200, %mul3A_2 : i32
    %add3A_202 = arith.constant 32 : i32
    %add3A_203 = arith.addi %add3A_201, %add3A_202 : i32
    %mul3A_204 = arith.constant 2048 : i32
    %mul3A_205 = arith.muli %add3A_203, %mul3A_204 : i32
    %dma_start3A_206 = tpu.memref_slice %arg2[%mul3A_205] : memref<33554432xf32, #tpu.memory_space<hbm>> -> memref<32768xf32, #tpu.memory_space<hbm>>
    %dma_start3A_207 = tpu.memref_slice %arg2[%mul3A_205] : memref<33554432xf32, #tpu.memory_space<hbm>> -> memref<32768xf32, #tpu.memory_space<hbm>>
    tpu.enqueue_dma source(%dma_start3A_207 : memref<32768xf32, #tpu.memory_space<hbm>>) target(%arg6 : memref<32768xf32, #tpu.memory_space<vmem>>) target_semaphore(%arg9 : memref<!tpu.dma_semaphore, #tpu.memory_space<semaphore_mem>>)
    %add3A_208 = arith.constant 32 : i32
    %add3A_209 = arith.addi %mul3A_2, %add3A_208 : i32
    %mul3A_210 = arith.constant 2048 : i32
    %mul3A_211 = arith.muli %add3A_209, %mul3A_210 : i32
    "tpu.region"() ({
      %run_scoped3A = tpu.sem_alloc : memref<!tpu.dma_semaphore, #tpu.memory_space<semaphore_mem>>
      %dma_start3A_768 = tpu.memref_slice %arg3[%mul3A_211] : memref<16777216xf32, #tpu.memory_space<hbm>> -> memref<32768xf32, #tpu.memory_space<hbm>>
      %dma_start3A_769 = tpu.memref_slice %arg3[%mul3A_211] : memref<16777216xf32, #tpu.memory_space<hbm>> -> memref<32768xf32, #tpu.memory_space<hbm>>
      tpu.enqueue_dma source(%dma_start3A_769 : memref<32768xf32, #tpu.memory_space<hbm>>) target(%arg7 : memref<32768xf32, #tpu.memory_space<vmem>>) target_semaphore(%run_scoped3A : memref<!tpu.dma_semaphore, #tpu.memory_space<semaphore_mem>>)
      %dma_wait3A_770 = tpu.memref_slice %arg3[%mul3A_211] : memref<16777216xf32, #tpu.memory_space<hbm>> -> memref<32768xf32, #tpu.memory_space<hbm>>
      %dma_wait3A_771 = tpu.memref_slice %arg3[%mul3A_211] : memref<16777216xf32, #tpu.memory_space<hbm>> -> memref<32768xf32, #tpu.memory_space<hbm>>
      tpu.wait_dma2 semaphore(%run_scoped3A : memref<!tpu.dma_semaphore, #tpu.memory_space<semaphore_mem>>) src(%dma_wait3A_771 : memref<32768xf32, #tpu.memory_space<hbm>>) dst(%arg7 : memref<32768xf32, #tpu.memory_space<vmem>>)
      tpu.yield
    }) : () -> ()
    %dma_wait3A_212 = tpu.memref_slice %arg2[%mul3A_182] : memref<33554432xf32, #tpu.memory_space<hbm>> -> memref<32768xf32, #tpu.memory_space<hbm>>
    %dma_wait3A_213 = tpu.memref_slice %arg2[%mul3A_182] : memref<33554432xf32, #tpu.memory_space<hbm>> -> memref<32768xf32, #tpu.memory_space<hbm>>
    tpu.wait_dma2 semaphore(%arg8 : memref<!tpu.dma_semaphore, #tpu.memory_space<semaphore_mem>>) src(%dma_wait3A_213 : memref<32768xf32, #tpu.memory_space<hbm>>) dst(%arg5 : memref<32768xf32, #tpu.memory_space<vmem>>)
    %parallel_loop3A_214 = arith.constant 0 : i32
    %parallel_loop3A_215 = arith.constant 32768 : i32
    %parallel_loop3A_216 = arith.constant 16 : i32
    scf.for %parallel_loop3A_768 = %parallel_loop3A_214 to %parallel_loop3A_215 step %parallel_loop3A_216  : i32 {
      %parallel_loop3A_769 = arith.index_cast %parallel_loop3A_768 : i32 to index
      %parallel_loop3A_770 = tpu.vector_load %arg7[%parallel_loop3A_769] {strides = array<i32>} : memref<32768xf32, #tpu.memory_space<vmem>>, vector<16xf32>,
      %parallel_loop3A_771 = vector.shape_cast %parallel_loop3A_770 : vector<16xf32> to vector<16xf32>
      %parallel_loop3A_772 = arith.index_cast %parallel_loop3A_768 : i32 to index
      %parallel_loop3A_773 = tpu.vector_load %arg5[%parallel_loop3A_772] {strides = array<i32>} : memref<32768xf32, #tpu.memory_space<vmem>>, vector<16xf32>,
      %parallel_loop3A_774 = vector.shape_cast %parallel_loop3A_773 : vector<16xf32> to vector<16xf32>
      %parallel_loop3A_775 = vector.shape_cast %parallel_loop3A_771 : vector<16xf32> to vector<16xf32>
      tpu.vector_store %arg5[%parallel_loop3A_772], %parallel_loop3A_775 {add = true, strides = array<i32>} : memref<32768xf32, #tpu.memory_space<vmem>>, vector<16xf32>,
    } {sc.loop_unroll_factor = 8 : i64, sc.parallel_access}
    %add3A_217 = arith.constant 0 : i32
    %add3A_218 = arith.addi %add3A_217, %mul3A_2 : i32
    %add3A_219 = arith.constant 32 : i32
    %add3A_220 = arith.addi %add3A_218, %add3A_219 : i32
    %mul3A_221 = arith.constant 2048 : i32
    %mul3A_222 = arith.muli %add3A_220, %mul3A_221 : i32
    %dma_start3A_223 = tpu.memref_slice %arg4[%mul3A_222] : memref<33554432xf32, #tpu.memory_space<hbm>> -> memref<32768xf32, #tpu.memory_space<hbm>>
    %dma_start3A_224 = tpu.memref_slice %arg4[%mul3A_222] : memref<33554432xf32, #tpu.memory_space<hbm>> -> memref<32768xf32, #tpu.memory_space<hbm>>
    tpu.enqueue_dma source(%arg5 : memref<32768xf32, #tpu.memory_space<vmem>>) target(%dma_start3A_224 : memref<32768xf32, #tpu.memory_space<hbm>>) target_semaphore(%arg10 : memref<!tpu.dma_semaphore, #tpu.memory_space<semaphore_mem>>)
    %dma_wait3A_225 = tpu.memref_slice %arg4[%mul3A_222] : memref<33554432xf32, #tpu.memory_space<hbm>> -> memref<32768xf32, #tpu.memory_space<hbm>>
    %dma_wait3A_226 = tpu.memref_slice %arg4[%mul3A_222] : memref<33554432xf32, #tpu.memory_space<hbm>> -> memref<32768xf32, #tpu.memory_space<hbm>>
    tpu.wait_dma2 semaphore(%arg10 : memref<!tpu.dma_semaphore, #tpu.memory_space<semaphore_mem>>) src(%arg5 : memref<32768xf32, #tpu.memory_space<vmem>>) dst(%dma_wait3A_226 : memref<32768xf32, #tpu.memory_space<hbm>>)
    %add3A_227 = arith.constant 8192 : i32
    %add3A_228 = arith.addi %add3A_227, %mul3A_2 : i32
    %add3A_229 = arith.constant 32 : i32
    %add3A_230 = arith.addi %add3A_228, %add3A_229 : i32
    %mul3A_231 = arith.constant 2048 : i32
    %mul3A_232 = arith.muli %add3A_230, %mul3A_231 : i32
    %dma_start3A_233 = tpu.memref_slice %arg2[%mul3A_232] : memref<33554432xf32, #tpu.memory_space<hbm>> -> memref<32768xf32, #tpu.memory_space<hbm>>
    %dma_start3A_234 = tpu.memref_slice %arg2[%mul3A_232] : memref<33554432xf32, #tpu.memory_space<hbm>> -> memref<32768xf32, #tpu.memory_space<hbm>>
    tpu.enqueue_dma source(%dma_start3A_234 : memref<32768xf32, #tpu.memory_space<hbm>>) target(%arg5 : memref<32768xf32, #tpu.memory_space<vmem>>) target_semaphore(%arg8 : memref<!tpu.dma_semaphore, #tpu.memory_space<semaphore_mem>>)
    %dma_wait3A_235 = tpu.memref_slice %arg2[%mul3A_205] : memref<33554432xf32, #tpu.memory_space<hbm>> -> memref<32768xf32, #tpu.memory_space<hbm>>
    %dma_wait3A_236 = tpu.memref_slice %arg2[%mul3A_205] : memref<33554432xf32, #tpu.memory_space<hbm>> -> memref<32768xf32, #tpu.memory_space<hbm>>
    tpu.wait_dma2 semaphore(%arg9 : memref<!tpu.dma_semaphore, #tpu.memory_space<semaphore_mem>>) src(%dma_wait3A_236 : memref<32768xf32, #tpu.memory_space<hbm>>) dst(%arg6 : memref<32768xf32, #tpu.memory_space<vmem>>)
    %parallel_loop3A_237 = arith.constant 0 : i32
    %parallel_loop3A_238 = arith.constant 32768 : i32
    %parallel_loop3A_239 = arith.constant 16 : i32
    scf.for %parallel_loop3A_768 = %parallel_loop3A_237 to %parallel_loop3A_238 step %parallel_loop3A_239  : i32 {
      %parallel_loop3A_769 = arith.index_cast %parallel_loop3A_768 : i32 to index
      %parallel_loop3A_770 = tpu.vector_load %arg7[%parallel_loop3A_769] {strides = array<i32>} : memref<32768xf32, #tpu.memory_space<vmem>>, vector<16xf32>,
      %parallel_loop3A_771 = vector.shape_cast %parallel_loop3A_770 : vector<16xf32> to vector<16xf32>
      %parallel_loop3A_772 = arith.index_cast %parallel_loop3A_768 : i32 to index
      %parallel_loop3A_773 = tpu.vector_load %arg6[%parallel_loop3A_772] {strides = array<i32>} : memref<32768xf32, #tpu.memory_space<vmem>>, vector<16xf32>,
      %parallel_loop3A_774 = vector.shape_cast %parallel_loop3A_773 : vector<16xf32> to vector<16xf32>
      %parallel_loop3A_775 = vector.shape_cast %parallel_loop3A_771 : vector<16xf32> to vector<16xf32>
      tpu.vector_store %arg6[%parallel_loop3A_772], %parallel_loop3A_775 {add = true, strides = array<i32>} : memref<32768xf32, #tpu.memory_space<vmem>>, vector<16xf32>,
    } {sc.loop_unroll_factor = 8 : i64, sc.parallel_access}
    %add3A_240 = arith.constant 4096 : i32
    %add3A_241 = arith.addi %add3A_240, %mul3A_2 : i32
    %add3A_242 = arith.constant 32 : i32
    %add3A_243 = arith.addi %add3A_241, %add3A_242 : i32
    %mul3A_244 = arith.constant 2048 : i32
    %mul3A_245 = arith.muli %add3A_243, %mul3A_244 : i32
    %dma_start3A_246 = tpu.memref_slice %arg4[%mul3A_245] : memref<33554432xf32, #tpu.memory_space<hbm>> -> memref<32768xf32, #tpu.memory_space<hbm>>
    %dma_start3A_247 = tpu.memref_slice %arg4[%mul3A_245] : memref<33554432xf32, #tpu.memory_space<hbm>> -> memref<32768xf32, #tpu.memory_space<hbm>>
    tpu.enqueue_dma source(%arg6 : memref<32768xf32, #tpu.memory_space<vmem>>) target(%dma_start3A_247 : memref<32768xf32, #tpu.memory_space<hbm>>) target_semaphore(%arg11 : memref<!tpu.dma_semaphore, #tpu.memory_space<semaphore_mem>>)
    %dma_wait3A_248 = tpu.memref_slice %arg4[%mul3A_245] : memref<33554432xf32, #tpu.memory_space<hbm>> -> memref<32768xf32, #tpu.memory_space<hbm>>
    %dma_wait3A_249 = tpu.memref_slice %arg4[%mul3A_245] : memref<33554432xf32, #tpu.memory_space<hbm>> -> memref<32768xf32, #tpu.memory_space<hbm>>
    tpu.wait_dma2 semaphore(%arg11 : memref<!tpu.dma_semaphore, #tpu.memory_space<semaphore_mem>>) src(%arg6 : memref<32768xf32, #tpu.memory_space<vmem>>) dst(%dma_wait3A_249 : memref<32768xf32, #tpu.memory_space<hbm>>)
    %add3A_250 = arith.constant 12288 : i32
    %add3A_251 = arith.addi %add3A_250, %mul3A_2 : i32
    %add3A_252 = arith.constant 32 : i32
    %add3A_253 = arith.addi %add3A_251, %add3A_252 : i32
    %mul3A_254 = arith.constant 2048 : i32
    %mul3A_255 = arith.muli %add3A_253, %mul3A_254 : i32
    %dma_start3A_256 = tpu.memref_slice %arg2[%mul3A_255] : memref<33554432xf32, #tpu.memory_space<hbm>> -> memref<32768xf32, #tpu.memory_space<hbm>>
    %dma_start3A_257 = tpu.memref_slice %arg2[%mul3A_255] : memref<33554432xf32, #tpu.memory_space<hbm>> -> memref<32768xf32, #tpu.memory_space<hbm>>
    tpu.enqueue_dma source(%dma_start3A_257 : memref<32768xf32, #tpu.memory_space<hbm>>) target(%arg6 : memref<32768xf32, #tpu.memory_space<vmem>>) target_semaphore(%arg9 : memref<!tpu.dma_semaphore, #tpu.memory_space<semaphore_mem>>)
    %dma_wait3A_258 = tpu.memref_slice %arg2[%mul3A_232] : memref<33554432xf32, #tpu.memory_space<hbm>> -> memref<32768xf32, #tpu.memory_space<hbm>>
    %dma_wait3A_259 = tpu.memref_slice %arg2[%mul3A_232] : memref<33554432xf32, #tpu.memory_space<hbm>> -> memref<32768xf32, #tpu.memory_space<hbm>>
    tpu.wait_dma2 semaphore(%arg8 : memref<!tpu.dma_semaphore, #tpu.memory_space<semaphore_mem>>) src(%dma_wait3A_259 : memref<32768xf32, #tpu.memory_space<hbm>>) dst(%arg5 : memref<32768xf32, #tpu.memory_space<vmem>>)
    %parallel_loop3A_260 = arith.constant 0 : i32
    %parallel_loop3A_261 = arith.constant 32768 : i32
    %parallel_loop3A_262 = arith.constant 16 : i32
    scf.for %parallel_loop3A_768 = %parallel_loop3A_260 to %parallel_loop3A_261 step %parallel_loop3A_262  : i32 {
      %parallel_loop3A_769 = arith.index_cast %parallel_loop3A_768 : i32 to index
      %parallel_loop3A_770 = tpu.vector_load %arg7[%parallel_loop3A_769] {strides = array<i32>} : memref<32768xf32, #tpu.memory_space<vmem>>, vector<16xf32>,
      %parallel_loop3A_771 = vector.shape_cast %parallel_loop3A_770 : vector<16xf32> to vector<16xf32>
      %parallel_loop3A_772 = arith.index_cast %parallel_loop3A_768 : i32 to index
      %parallel_loop3A_773 = tpu.vector_load %arg5[%parallel_loop3A_772] {strides = array<i32>} : memref<32768xf32, #tpu.memory_space<vmem>>, vector<16xf32>,
      %parallel_loop3A_774 = vector.shape_cast %parallel_loop3A_773 : vector<16xf32> to vector<16xf32>
      %parallel_loop3A_775 = vector.shape_cast %parallel_loop3A_771 : vector<16xf32> to vector<16xf32>
      tpu.vector_store %arg5[%parallel_loop3A_772], %parallel_loop3A_775 {add = true, strides = array<i32>} : memref<32768xf32, #tpu.memory_space<vmem>>, vector<16xf32>,
    } {sc.loop_unroll_factor = 8 : i64, sc.parallel_access}
    %add3A_263 = arith.constant 8192 : i32
    %add3A_264 = arith.addi %add3A_263, %mul3A_2 : i32
    %add3A_265 = arith.constant 32 : i32
    %add3A_266 = arith.addi %add3A_264, %add3A_265 : i32
    %mul3A_267 = arith.constant 2048 : i32
    %mul3A_268 = arith.muli %add3A_266, %mul3A_267 : i32
    %dma_start3A_269 = tpu.memref_slice %arg4[%mul3A_268] : memref<33554432xf32, #tpu.memory_space<hbm>> -> memref<32768xf32, #tpu.memory_space<hbm>>
    %dma_start3A_270 = tpu.memref_slice %arg4[%mul3A_268] : memref<33554432xf32, #tpu.memory_space<hbm>> -> memref<32768xf32, #tpu.memory_space<hbm>>
    tpu.enqueue_dma source(%arg5 : memref<32768xf32, #tpu.memory_space<vmem>>) target(%dma_start3A_270 : memref<32768xf32, #tpu.memory_space<hbm>>) target_semaphore(%arg10 : memref<!tpu.dma_semaphore, #tpu.memory_space<semaphore_mem>>)
    %dma_wait3A_271 = tpu.memref_slice %arg4[%mul3A_268] : memref<33554432xf32, #tpu.memory_space<hbm>> -> memref<32768xf32, #tpu.memory_space<hbm>>
    %dma_wait3A_272 = tpu.memref_slice %arg4[%mul3A_268] : memref<33554432xf32, #tpu.memory_space<hbm>> -> memref<32768xf32, #tpu.memory_space<hbm>>
    tpu.wait_dma2 semaphore(%arg10 : memref<!tpu.dma_semaphore, #tpu.memory_space<semaphore_mem>>) src(%arg5 : memref<32768xf32, #tpu.memory_space<vmem>>) dst(%dma_wait3A_272 : memref<32768xf32, #tpu.memory_space<hbm>>)
    %add3A_273 = arith.constant 0 : i32
    %add3A_274 = arith.addi %add3A_273, %mul3A_2 : i32
    %add3A_275 = arith.constant 48 : i32
    %add3A_276 = arith.addi %add3A_274, %add3A_275 : i32
    %mul3A_277 = arith.constant 2048 : i32
    %mul3A_278 = arith.muli %add3A_276, %mul3A_277 : i32
    %dma_start3A_279 = tpu.memref_slice %arg2[%mul3A_278] : memref<33554432xf32, #tpu.memory_space<hbm>> -> memref<32768xf32, #tpu.memory_space<hbm>>
    %dma_start3A_280 = tpu.memref_slice %arg2[%mul3A_278] : memref<33554432xf32, #tpu.memory_space<hbm>> -> memref<32768xf32, #tpu.memory_space<hbm>>
    tpu.enqueue_dma source(%dma_start3A_280 : memref<32768xf32, #tpu.memory_space<hbm>>) target(%arg5 : memref<32768xf32, #tpu.memory_space<vmem>>) target_semaphore(%arg8 : memref<!tpu.dma_semaphore, #tpu.memory_space<semaphore_mem>>)
    %dma_wait3A_281 = tpu.memref_slice %arg2[%mul3A_255] : memref<33554432xf32, #tpu.memory_space<hbm>> -> memref<32768xf32, #tpu.memory_space<hbm>>
    %dma_wait3A_282 = tpu.memref_slice %arg2[%mul3A_255] : memref<33554432xf32, #tpu.memory_space<hbm>> -> memref<32768xf32, #tpu.memory_space<hbm>>
    tpu.wait_dma2 semaphore(%arg9 : memref<!tpu.dma_semaphore, #tpu.memory_space<semaphore_mem>>) src(%dma_wait3A_282 : memref<32768xf32, #tpu.memory_space<hbm>>) dst(%arg6 : memref<32768xf32, #tpu.memory_space<vmem>>)
    %parallel_loop3A_283 = arith.constant 0 : i32
    %parallel_loop3A_284 = arith.constant 32768 : i32
    %parallel_loop3A_285 = arith.constant 16 : i32
    scf.for %parallel_loop3A_768 = %parallel_loop3A_283 to %parallel_loop3A_284 step %parallel_loop3A_285  : i32 {
      %parallel_loop3A_769 = arith.index_cast %parallel_loop3A_768 : i32 to index
      %parallel_loop3A_770 = tpu.vector_load %arg7[%parallel_loop3A_769] {strides = array<i32>} : memref<32768xf32, #tpu.memory_space<vmem>>, vector<16xf32>,
      %parallel_loop3A_771 = vector.shape_cast %parallel_loop3A_770 : vector<16xf32> to vector<16xf32>
      %parallel_loop3A_772 = arith.index_cast %parallel_loop3A_768 : i32 to index
      %parallel_loop3A_773 = tpu.vector_load %arg6[%parallel_loop3A_772] {strides = array<i32>} : memref<32768xf32, #tpu.memory_space<vmem>>, vector<16xf32>,
      %parallel_loop3A_774 = vector.shape_cast %parallel_loop3A_773 : vector<16xf32> to vector<16xf32>
      %parallel_loop3A_775 = vector.shape_cast %parallel_loop3A_771 : vector<16xf32> to vector<16xf32>
      tpu.vector_store %arg6[%parallel_loop3A_772], %parallel_loop3A_775 {add = true, strides = array<i32>} : memref<32768xf32, #tpu.memory_space<vmem>>, vector<16xf32>,
    } {sc.loop_unroll_factor = 8 : i64, sc.parallel_access}
    %add3A_286 = arith.constant 12288 : i32
    %add3A_287 = arith.addi %add3A_286, %mul3A_2 : i32
    %add3A_288 = arith.constant 32 : i32
    %add3A_289 = arith.addi %add3A_287, %add3A_288 : i32
    %mul3A_290 = arith.constant 2048 : i32
    %mul3A_291 = arith.muli %add3A_289, %mul3A_290 : i32
    %dma_start3A_292 = tpu.memref_slice %arg4[%mul3A_291] : memref<33554432xf32, #tpu.memory_space<hbm>> -> memref<32768xf32, #tpu.memory_space<hbm>>
    %dma_start3A_293 = tpu.memref_slice %arg4[%mul3A_291] : memref<33554432xf32, #tpu.memory_space<hbm>> -> memref<32768xf32, #tpu.memory_space<hbm>>
    tpu.enqueue_dma source(%arg6 : memref<32768xf32, #tpu.memory_space<vmem>>) target(%dma_start3A_293 : memref<32768xf32, #tpu.memory_space<hbm>>) target_semaphore(%arg11 : memref<!tpu.dma_semaphore, #tpu.memory_space<semaphore_mem>>)
    %dma_wait3A_294 = tpu.memref_slice %arg4[%mul3A_291] : memref<33554432xf32, #tpu.memory_space<hbm>> -> memref<32768xf32, #tpu.memory_space<hbm>>
    %dma_wait3A_295 = tpu.memref_slice %arg4[%mul3A_291] : memref<33554432xf32, #tpu.memory_space<hbm>> -> memref<32768xf32, #tpu.memory_space<hbm>>
    tpu.wait_dma2 semaphore(%arg11 : memref<!tpu.dma_semaphore, #tpu.memory_space<semaphore_mem>>) src(%arg6 : memref<32768xf32, #tpu.memory_space<vmem>>) dst(%dma_wait3A_295 : memref<32768xf32, #tpu.memory_space<hbm>>)
    %add3A_296 = arith.constant 4096 : i32
    %add3A_297 = arith.addi %add3A_296, %mul3A_2 : i32
    %add3A_298 = arith.constant 48 : i32
    %add3A_299 = arith.addi %add3A_297, %add3A_298 : i32
    %mul3A_300 = arith.constant 2048 : i32
    %mul3A_301 = arith.muli %add3A_299, %mul3A_300 : i32
    %dma_start3A_302 = tpu.memref_slice %arg2[%mul3A_301] : memref<33554432xf32, #tpu.memory_space<hbm>> -> memref<32768xf32, #tpu.memory_space<hbm>>
    %dma_start3A_303 = tpu.memref_slice %arg2[%mul3A_301] : memref<33554432xf32, #tpu.memory_space<hbm>> -> memref<32768xf32, #tpu.memory_space<hbm>>
    tpu.enqueue_dma source(%dma_start3A_303 : memref<32768xf32, #tpu.memory_space<hbm>>) target(%arg6 : memref<32768xf32, #tpu.memory_space<vmem>>) target_semaphore(%arg9 : memref<!tpu.dma_semaphore, #tpu.memory_space<semaphore_mem>>)
    %add3A_304 = arith.constant 48 : i32
    %add3A_305 = arith.addi %mul3A_2, %add3A_304 : i32
    %mul3A_306 = arith.constant 2048 : i32
    %mul3A_307 = arith.muli %add3A_305, %mul3A_306 : i32
    "tpu.region"() ({
      %run_scoped3A = tpu.sem_alloc : memref<!tpu.dma_semaphore, #tpu.memory_space<semaphore_mem>>
      %dma_start3A_768 = tpu.memref_slice %arg3[%mul3A_307] : memref<16777216xf32, #tpu.memory_space<hbm>> -> memref<32768xf32, #tpu.memory_space<hbm>>
      %dma_start3A_769 = tpu.memref_slice %arg3[%mul3A_307] : memref<16777216xf32, #tpu.memory_space<hbm>> -> memref<32768xf32, #tpu.memory_space<hbm>>
      tpu.enqueue_dma source(%dma_start3A_769 : memref<32768xf32, #tpu.memory_space<hbm>>) target(%arg7 : memref<32768xf32, #tpu.memory_space<vmem>>) target_semaphore(%run_scoped3A : memref<!tpu.dma_semaphore, #tpu.memory_space<semaphore_mem>>)
      %dma_wait3A_770 = tpu.memref_slice %arg3[%mul3A_307] : memref<16777216xf32, #tpu.memory_space<hbm>> -> memref<32768xf32, #tpu.memory_space<hbm>>
      %dma_wait3A_771 = tpu.memref_slice %arg3[%mul3A_307] : memref<16777216xf32, #tpu.memory_space<hbm>> -> memref<32768xf32, #tpu.memory_space<hbm>>
      tpu.wait_dma2 semaphore(%run_scoped3A : memref<!tpu.dma_semaphore, #tpu.memory_space<semaphore_mem>>) src(%dma_wait3A_771 : memref<32768xf32, #tpu.memory_space<hbm>>) dst(%arg7 : memref<32768xf32, #tpu.memory_space<vmem>>)
      tpu.yield
    }) : () -> ()
    %dma_wait3A_308 = tpu.memref_slice %arg2[%mul3A_278] : memref<33554432xf32, #tpu.memory_space<hbm>> -> memref<32768xf32, #tpu.memory_space<hbm>>
    %dma_wait3A_309 = tpu.memref_slice %arg2[%mul3A_278] : memref<33554432xf32, #tpu.memory_space<hbm>> -> memref<32768xf32, #tpu.memory_space<hbm>>
    tpu.wait_dma2 semaphore(%arg8 : memref<!tpu.dma_semaphore, #tpu.memory_space<semaphore_mem>>) src(%dma_wait3A_309 : memref<32768xf32, #tpu.memory_space<hbm>>) dst(%arg5 : memref<32768xf32, #tpu.memory_space<vmem>>)
    %parallel_loop3A_310 = arith.constant 0 : i32
    %parallel_loop3A_311 = arith.constant 32768 : i32
    %parallel_loop3A_312 = arith.constant 16 : i32
    scf.for %parallel_loop3A_768 = %parallel_loop3A_310 to %parallel_loop3A_311 step %parallel_loop3A_312  : i32 {
      %parallel_loop3A_769 = arith.index_cast %parallel_loop3A_768 : i32 to index
      %parallel_loop3A_770 = tpu.vector_load %arg7[%parallel_loop3A_769] {strides = array<i32>} : memref<32768xf32, #tpu.memory_space<vmem>>, vector<16xf32>,
      %parallel_loop3A_771 = vector.shape_cast %parallel_loop3A_770 : vector<16xf32> to vector<16xf32>
      %parallel_loop3A_772 = arith.index_cast %parallel_loop3A_768 : i32 to index
      %parallel_loop3A_773 = tpu.vector_load %arg5[%parallel_loop3A_772] {strides = array<i32>} : memref<32768xf32, #tpu.memory_space<vmem>>, vector<16xf32>,
      %parallel_loop3A_774 = vector.shape_cast %parallel_loop3A_773 : vector<16xf32> to vector<16xf32>
      %parallel_loop3A_775 = vector.shape_cast %parallel_loop3A_771 : vector<16xf32> to vector<16xf32>
      tpu.vector_store %arg5[%parallel_loop3A_772], %parallel_loop3A_775 {add = true, strides = array<i32>} : memref<32768xf32, #tpu.memory_space<vmem>>, vector<16xf32>,
    } {sc.loop_unroll_factor = 8 : i64, sc.parallel_access}
    %add3A_313 = arith.constant 0 : i32
    %add3A_314 = arith.addi %add3A_313, %mul3A_2 : i32
    %add3A_315 = arith.constant 48 : i32
    %add3A_316 = arith.addi %add3A_314, %add3A_315 : i32
    %mul3A_317 = arith.constant 2048 : i32
    %mul3A_318 = arith.muli %add3A_316, %mul3A_317 : i32
    %dma_start3A_319 = tpu.memref_slice %arg4[%mul3A_318] : memref<33554432xf32, #tpu.memory_space<hbm>> -> memref<32768xf32, #tpu.memory_space<hbm>>
    %dma_start3A_320 = tpu.memref_slice %arg4[%mul3A_318] : memref<33554432xf32, #tpu.memory_space<hbm>> -> memref<32768xf32, #tpu.memory_space<hbm>>
    tpu.enqueue_dma source(%arg5 : memref<32768xf32, #tpu.memory_space<vmem>>) target(%dma_start3A_320 : memref<32768xf32, #tpu.memory_space<hbm>>) target_semaphore(%arg10 : memref<!tpu.dma_semaphore, #tpu.memory_space<semaphore_mem>>)
    %dma_wait3A_321 = tpu.memref_slice %arg4[%mul3A_318] : memref<33554432xf32, #tpu.memory_space<hbm>> -> memref<32768xf32, #tpu.memory_space<hbm>>
    %dma_wait3A_322 = tpu.memref_slice %arg4[%mul3A_318] : memref<33554432xf32, #tpu.memory_space<hbm>> -> memref<32768xf32, #tpu.memory_space<hbm>>
    tpu.wait_dma2 semaphore(%arg10 : memref<!tpu.dma_semaphore, #tpu.memory_space<semaphore_mem>>) src(%arg5 : memref<32768xf32, #tpu.memory_space<vmem>>) dst(%dma_wait3A_322 : memref<32768xf32, #tpu.memory_space<hbm>>)
    %add3A_323 = arith.constant 8192 : i32
    %add3A_324 = arith.addi %add3A_323, %mul3A_2 : i32
    %add3A_325 = arith.constant 48 : i32
    %add3A_326 = arith.addi %add3A_324, %add3A_325 : i32
    %mul3A_327 = arith.constant 2048 : i32
    %mul3A_328 = arith.muli %add3A_326, %mul3A_327 : i32
    %dma_start3A_329 = tpu.memref_slice %arg2[%mul3A_328] : memref<33554432xf32, #tpu.memory_space<hbm>> -> memref<32768xf32, #tpu.memory_space<hbm>>
    %dma_start3A_330 = tpu.memref_slice %arg2[%mul3A_328] : memref<33554432xf32, #tpu.memory_space<hbm>> -> memref<32768xf32, #tpu.memory_space<hbm>>
    tpu.enqueue_dma source(%dma_start3A_330 : memref<32768xf32, #tpu.memory_space<hbm>>) target(%arg5 : memref<32768xf32, #tpu.memory_space<vmem>>) target_semaphore(%arg8 : memref<!tpu.dma_semaphore, #tpu.memory_space<semaphore_mem>>)
    %dma_wait3A_331 = tpu.memref_slice %arg2[%mul3A_301] : memref<33554432xf32, #tpu.memory_space<hbm>> -> memref<32768xf32, #tpu.memory_space<hbm>>
    %dma_wait3A_332 = tpu.memref_slice %arg2[%mul3A_301] : memref<33554432xf32, #tpu.memory_space<hbm>> -> memref<32768xf32, #tpu.memory_space<hbm>>
    tpu.wait_dma2 semaphore(%arg9 : memref<!tpu.dma_semaphore, #tpu.memory_space<semaphore_mem>>) src(%dma_wait3A_332 : memref<32768xf32, #tpu.memory_space<hbm>>) dst(%arg6 : memref<32768xf32, #tpu.memory_space<vmem>>)
    %parallel_loop3A_333 = arith.constant 0 : i32
    %parallel_loop3A_334 = arith.constant 32768 : i32
    %parallel_loop3A_335 = arith.constant 16 : i32
    scf.for %parallel_loop3A_768 = %parallel_loop3A_333 to %parallel_loop3A_334 step %parallel_loop3A_335  : i32 {
      %parallel_loop3A_769 = arith.index_cast %parallel_loop3A_768 : i32 to index
      %parallel_loop3A_770 = tpu.vector_load %arg7[%parallel_loop3A_769] {strides = array<i32>} : memref<32768xf32, #tpu.memory_space<vmem>>, vector<16xf32>,
      %parallel_loop3A_771 = vector.shape_cast %parallel_loop3A_770 : vector<16xf32> to vector<16xf32>
      %parallel_loop3A_772 = arith.index_cast %parallel_loop3A_768 : i32 to index
      %parallel_loop3A_773 = tpu.vector_load %arg6[%parallel_loop3A_772] {strides = array<i32>} : memref<32768xf32, #tpu.memory_space<vmem>>, vector<16xf32>,
      %parallel_loop3A_774 = vector.shape_cast %parallel_loop3A_773 : vector<16xf32> to vector<16xf32>
      %parallel_loop3A_775 = vector.shape_cast %parallel_loop3A_771 : vector<16xf32> to vector<16xf32>
      tpu.vector_store %arg6[%parallel_loop3A_772], %parallel_loop3A_775 {add = true, strides = array<i32>} : memref<32768xf32, #tpu.memory_space<vmem>>, vector<16xf32>,
    } {sc.loop_unroll_factor = 8 : i64, sc.parallel_access}
    %add3A_336 = arith.constant 4096 : i32
    %add3A_337 = arith.addi %add3A_336, %mul3A_2 : i32
    %add3A_338 = arith.constant 48 : i32
    %add3A_339 = arith.addi %add3A_337, %add3A_338 : i32
    %mul3A_340 = arith.constant 2048 : i32
    %mul3A_341 = arith.muli %add3A_339, %mul3A_340 : i32
    %dma_start3A_342 = tpu.memref_slice %arg4[%mul3A_341] : memref<33554432xf32, #tpu.memory_space<hbm>> -> memref<32768xf32, #tpu.memory_space<hbm>>
    %dma_start3A_343 = tpu.memref_slice %arg4[%mul3A_341] : memref<33554432xf32, #tpu.memory_space<hbm>> -> memref<32768xf32, #tpu.memory_space<hbm>>
    tpu.enqueue_dma source(%arg6 : memref<32768xf32, #tpu.memory_space<vmem>>) target(%dma_start3A_343 : memref<32768xf32, #tpu.memory_space<hbm>>) target_semaphore(%arg11 : memref<!tpu.dma_semaphore, #tpu.memory_space<semaphore_mem>>)
    %dma_wait3A_344 = tpu.memref_slice %arg4[%mul3A_341] : memref<33554432xf32, #tpu.memory_space<hbm>> -> memref<32768xf32, #tpu.memory_space<hbm>>
    %dma_wait3A_345 = tpu.memref_slice %arg4[%mul3A_341] : memref<33554432xf32, #tpu.memory_space<hbm>> -> memref<32768xf32, #tpu.memory_space<hbm>>
    tpu.wait_dma2 semaphore(%arg11 : memref<!tpu.dma_semaphore, #tpu.memory_space<semaphore_mem>>) src(%arg6 : memref<32768xf32, #tpu.memory_space<vmem>>) dst(%dma_wait3A_345 : memref<32768xf32, #tpu.memory_space<hbm>>)
    %add3A_346 = arith.constant 12288 : i32
    %add3A_347 = arith.addi %add3A_346, %mul3A_2 : i32
    %add3A_348 = arith.constant 48 : i32
    %add3A_349 = arith.addi %add3A_347, %add3A_348 : i32
    %mul3A_350 = arith.constant 2048 : i32
    %mul3A_351 = arith.muli %add3A_349, %mul3A_350 : i32
    %dma_start3A_352 = tpu.memref_slice %arg2[%mul3A_351] : memref<33554432xf32, #tpu.memory_space<hbm>> -> memref<32768xf32, #tpu.memory_space<hbm>>
    %dma_start3A_353 = tpu.memref_slice %arg2[%mul3A_351] : memref<33554432xf32, #tpu.memory_space<hbm>> -> memref<32768xf32, #tpu.memory_space<hbm>>
    tpu.enqueue_dma source(%dma_start3A_353 : memref<32768xf32, #tpu.memory_space<hbm>>) target(%arg6 : memref<32768xf32, #tpu.memory_space<vmem>>) target_semaphore(%arg9 : memref<!tpu.dma_semaphore, #tpu.memory_space<semaphore_mem>>)
    %dma_wait3A_354 = tpu.memref_slice %arg2[%mul3A_328] : memref<33554432xf32, #tpu.memory_space<hbm>> -> memref<32768xf32, #tpu.memory_space<hbm>>
    %dma_wait3A_355 = tpu.memref_slice %arg2[%mul3A_328] : memref<33554432xf32, #tpu.memory_space<hbm>> -> memref<32768xf32, #tpu.memory_space<hbm>>
    tpu.wait_dma2 semaphore(%arg8 : memref<!tpu.dma_semaphore, #tpu.memory_space<semaphore_mem>>) src(%dma_wait3A_355 : memref<32768xf32, #tpu.memory_space<hbm>>) dst(%arg5 : memref<32768xf32, #tpu.memory_space<vmem>>)
    %parallel_loop3A_356 = arith.constant 0 : i32
    %parallel_loop3A_357 = arith.constant 32768 : i32
    %parallel_loop3A_358 = arith.constant 16 : i32
    scf.for %parallel_loop3A_768 = %parallel_loop3A_356 to %parallel_loop3A_357 step %parallel_loop3A_358  : i32 {
      %parallel_loop3A_769 = arith.index_cast %parallel_loop3A_768 : i32 to index
      %parallel_loop3A_770 = tpu.vector_load %arg7[%parallel_loop3A_769] {strides = array<i32>} : memref<32768xf32, #tpu.memory_space<vmem>>, vector<16xf32>,
      %parallel_loop3A_771 = vector.shape_cast %parallel_loop3A_770 : vector<16xf32> to vector<16xf32>
      %parallel_loop3A_772 = arith.index_cast %parallel_loop3A_768 : i32 to index
      %parallel_loop3A_773 = tpu.vector_load %arg5[%parallel_loop3A_772] {strides = array<i32>} : memref<32768xf32, #tpu.memory_space<vmem>>, vector<16xf32>,
      %parallel_loop3A_774 = vector.shape_cast %parallel_loop3A_773 : vector<16xf32> to vector<16xf32>
      %parallel_loop3A_775 = vector.shape_cast %parallel_loop3A_771 : vector<16xf32> to vector<16xf32>
      tpu.vector_store %arg5[%parallel_loop3A_772], %parallel_loop3A_775 {add = true, strides = array<i32>} : memref<32768xf32, #tpu.memory_space<vmem>>, vector<16xf32>,
    } {sc.loop_unroll_factor = 8 : i64, sc.parallel_access}
    %add3A_359 = arith.constant 8192 : i32
    %add3A_360 = arith.addi %add3A_359, %mul3A_2 : i32
    %add3A_361 = arith.constant 48 : i32
    %add3A_362 = arith.addi %add3A_360, %add3A_361 : i32
    %mul3A_363 = arith.constant 2048 : i32
    %mul3A_364 = arith.muli %add3A_362, %mul3A_363 : i32
    %dma_start3A_365 = tpu.memref_slice %arg4[%mul3A_364] : memref<33554432xf32, #tpu.memory_space<hbm>> -> memref<32768xf32, #tpu.memory_space<hbm>>
    %dma_start3A_366 = tpu.memref_slice %arg4[%mul3A_364] : memref<33554432xf32, #tpu.memory_space<hbm>> -> memref<32768xf32, #tpu.memory_space<hbm>>
    tpu.enqueue_dma source(%arg5 : memref<32768xf32, #tpu.memory_space<vmem>>) target(%dma_start3A_366 : memref<32768xf32, #tpu.memory_space<hbm>>) target_semaphore(%arg10 : memref<!tpu.dma_semaphore, #tpu.memory_space<semaphore_mem>>)
    %dma_wait3A_367 = tpu.memref_slice %arg4[%mul3A_364] : memref<33554432xf32, #tpu.memory_space<hbm>> -> memref<32768xf32, #tpu.memory_space<hbm>>
    %dma_wait3A_368 = tpu.memref_slice %arg4[%mul3A_364] : memref<33554432xf32, #tpu.memory_space<hbm>> -> memref<32768xf32, #tpu.memory_space<hbm>>
    tpu.wait_dma2 semaphore(%arg10 : memref<!tpu.dma_semaphore, #tpu.memory_space<semaphore_mem>>) src(%arg5 : memref<32768xf32, #tpu.memory_space<vmem>>) dst(%dma_wait3A_368 : memref<32768xf32, #tpu.memory_space<hbm>>)
    %add3A_369 = arith.constant 0 : i32
    %add3A_370 = arith.addi %add3A_369, %mul3A_2 : i32
    %add3A_371 = arith.constant 64 : i32
    %add3A_372 = arith.addi %add3A_370, %add3A_371 : i32
    %mul3A_373 = arith.constant 2048 : i32
    %mul3A_374 = arith.muli %add3A_372, %mul3A_373 : i32
    %dma_start3A_375 = tpu.memref_slice %arg2[%mul3A_374] : memref<33554432xf32, #tpu.memory_space<hbm>> -> memref<32768xf32, #tpu.memory_space<hbm>>
    %dma_start3A_376 = tpu.memref_slice %arg2[%mul3A_374] : memref<33554432xf32, #tpu.memory_space<hbm>> -> memref<32768xf32, #tpu.memory_space<hbm>>
    tpu.enqueue_dma source(%dma_start3A_376 : memref<32768xf32, #tpu.memory_space<hbm>>) target(%arg5 : memref<32768xf32, #tpu.memory_space<vmem>>) target_semaphore(%arg8 : memref<!tpu.dma_semaphore, #tpu.memory_space<semaphore_mem>>)
    %dma_wait3A_377 = tpu.memref_slice %arg2[%mul3A_351] : memref<33554432xf32, #tpu.memory_space<hbm>> -> memref<32768xf32, #tpu.memory_space<hbm>>
    %dma_wait3A_378 = tpu.memref_slice %arg2[%mul3A_351] : memref<33554432xf32, #tpu.memory_space<hbm>> -> memref<32768xf32, #tpu.memory_space<hbm>>
    tpu.wait_dma2 semaphore(%arg9 : memref<!tpu.dma_semaphore, #tpu.memory_space<semaphore_mem>>) src(%dma_wait3A_378 : memref<32768xf32, #tpu.memory_space<hbm>>) dst(%arg6 : memref<32768xf32, #tpu.memory_space<vmem>>)
    %parallel_loop3A_379 = arith.constant 0 : i32
    %parallel_loop3A_380 = arith.constant 32768 : i32
    %parallel_loop3A_381 = arith.constant 16 : i32
    scf.for %parallel_loop3A_768 = %parallel_loop3A_379 to %parallel_loop3A_380 step %parallel_loop3A_381  : i32 {
      %parallel_loop3A_769 = arith.index_cast %parallel_loop3A_768 : i32 to index
      %parallel_loop3A_770 = tpu.vector_load %arg7[%parallel_loop3A_769] {strides = array<i32>} : memref<32768xf32, #tpu.memory_space<vmem>>, vector<16xf32>,
      %parallel_loop3A_771 = vector.shape_cast %parallel_loop3A_770 : vector<16xf32> to vector<16xf32>
      %parallel_loop3A_772 = arith.index_cast %parallel_loop3A_768 : i32 to index
      %parallel_loop3A_773 = tpu.vector_load %arg6[%parallel_loop3A_772] {strides = array<i32>} : memref<32768xf32, #tpu.memory_space<vmem>>, vector<16xf32>,
      %parallel_loop3A_774 = vector.shape_cast %parallel_loop3A_773 : vector<16xf32> to vector<16xf32>
      %parallel_loop3A_775 = vector.shape_cast %parallel_loop3A_771 : vector<16xf32> to vector<16xf32>
      tpu.vector_store %arg6[%parallel_loop3A_772], %parallel_loop3A_775 {add = true, strides = array<i32>} : memref<32768xf32, #tpu.memory_space<vmem>>, vector<16xf32>,
    } {sc.loop_unroll_factor = 8 : i64, sc.parallel_access}
    %add3A_382 = arith.constant 12288 : i32
    %add3A_383 = arith.addi %add3A_382, %mul3A_2 : i32
    %add3A_384 = arith.constant 48 : i32
    %add3A_385 = arith.addi %add3A_383, %add3A_384 : i32
    %mul3A_386 = arith.constant 2048 : i32
    %mul3A_387 = arith.muli %add3A_385, %mul3A_386 : i32
    %dma_start3A_388 = tpu.memref_slice %arg4[%mul3A_387] : memref<33554432xf32, #tpu.memory_space<hbm>> -> memref<32768xf32, #tpu.memory_space<hbm>>
    %dma_start3A_389 = tpu.memref_slice %arg4[%mul3A_387] : memref<33554432xf32, #tpu.memory_space<hbm>> -> memref<32768xf32, #tpu.memory_space<hbm>>
    tpu.enqueue_dma source(%arg6 : memref<32768xf32, #tpu.memory_space<vmem>>) target(%dma_start3A_389 : memref<32768xf32, #tpu.memory_space<hbm>>) target_semaphore(%arg11 : memref<!tpu.dma_semaphore, #tpu.memory_space<semaphore_mem>>)
    %dma_wait3A_390 = tpu.memref_slice %arg4[%mul3A_387] : memref<33554432xf32, #tpu.memory_space<hbm>> -> memref<32768xf32, #tpu.memory_space<hbm>>
    %dma_wait3A_391 = tpu.memref_slice %arg4[%mul3A_387] : memref<33554432xf32, #tpu.memory_space<hbm>> -> memref<32768xf32, #tpu.memory_space<hbm>>
    tpu.wait_dma2 semaphore(%arg11 : memref<!tpu.dma_semaphore, #tpu.memory_space<semaphore_mem>>) src(%arg6 : memref<32768xf32, #tpu.memory_space<vmem>>) dst(%dma_wait3A_391 : memref<32768xf32, #tpu.memory_space<hbm>>)
    %add3A_392 = arith.constant 4096 : i32
    %add3A_393 = arith.addi %add3A_392, %mul3A_2 : i32
    %add3A_394 = arith.constant 64 : i32
    %add3A_395 = arith.addi %add3A_393, %add3A_394 : i32
    %mul3A_396 = arith.constant 2048 : i32
    %mul3A_397 = arith.muli %add3A_395, %mul3A_396 : i32
    %dma_start3A_398 = tpu.memref_slice %arg2[%mul3A_397] : memref<33554432xf32, #tpu.memory_space<hbm>> -> memref<32768xf32, #tpu.memory_space<hbm>>
    %dma_start3A_399 = tpu.memref_slice %arg2[%mul3A_397] : memref<33554432xf32, #tpu.memory_space<hbm>> -> memref<32768xf32, #tpu.memory_space<hbm>>
    tpu.enqueue_dma source(%dma_start3A_399 : memref<32768xf32, #tpu.memory_space<hbm>>) target(%arg6 : memref<32768xf32, #tpu.memory_space<vmem>>) target_semaphore(%arg9 : memref<!tpu.dma_semaphore, #tpu.memory_space<semaphore_mem>>)
    %add3A_400 = arith.constant 64 : i32
    %add3A_401 = arith.addi %mul3A_2, %add3A_400 : i32
    %mul3A_402 = arith.constant 2048 : i32
    %mul3A_403 = arith.muli %add3A_401, %mul3A_402 : i32
    "tpu.region"() ({
      %run_scoped3A = tpu.sem_alloc : memref<!tpu.dma_semaphore, #tpu.memory_space<semaphore_mem>>
      %dma_start3A_768 = tpu.memref_slice %arg3[%mul3A_403] : memref<16777216xf32, #tpu.memory_space<hbm>> -> memref<32768xf32, #tpu.memory_space<hbm>>
      %dma_start3A_769 = tpu.memref_slice %arg3[%mul3A_403] : memref<16777216xf32, #tpu.memory_space<hbm>> -> memref<32768xf32, #tpu.memory_space<hbm>>
      tpu.enqueue_dma source(%dma_start3A_769 : memref<32768xf32, #tpu.memory_space<hbm>>) target(%arg7 : memref<32768xf32, #tpu.memory_space<vmem>>) target_semaphore(%run_scoped3A : memref<!tpu.dma_semaphore, #tpu.memory_space<semaphore_mem>>)
      %dma_wait3A_770 = tpu.memref_slice %arg3[%mul3A_403] : memref<16777216xf32, #tpu.memory_space<hbm>> -> memref<32768xf32, #tpu.memory_space<hbm>>
      %dma_wait3A_771 = tpu.memref_slice %arg3[%mul3A_403] : memref<16777216xf32, #tpu.memory_space<hbm>> -> memref<32768xf32, #tpu.memory_space<hbm>>
      tpu.wait_dma2 semaphore(%run_scoped3A : memref<!tpu.dma_semaphore, #tpu.memory_space<semaphore_mem>>) src(%dma_wait3A_771 : memref<32768xf32, #tpu.memory_space<hbm>>) dst(%arg7 : memref<32768xf32, #tpu.memory_space<vmem>>)
      tpu.yield
    }) : () -> ()
    %dma_wait3A_404 = tpu.memref_slice %arg2[%mul3A_374] : memref<33554432xf32, #tpu.memory_space<hbm>> -> memref<32768xf32, #tpu.memory_space<hbm>>
    %dma_wait3A_405 = tpu.memref_slice %arg2[%mul3A_374] : memref<33554432xf32, #tpu.memory_space<hbm>> -> memref<32768xf32, #tpu.memory_space<hbm>>
    tpu.wait_dma2 semaphore(%arg8 : memref<!tpu.dma_semaphore, #tpu.memory_space<semaphore_mem>>) src(%dma_wait3A_405 : memref<32768xf32, #tpu.memory_space<hbm>>) dst(%arg5 : memref<32768xf32, #tpu.memory_space<vmem>>)
    %parallel_loop3A_406 = arith.constant 0 : i32
    %parallel_loop3A_407 = arith.constant 32768 : i32
    %parallel_loop3A_408 = arith.constant 16 : i32
    scf.for %parallel_loop3A_768 = %parallel_loop3A_406 to %parallel_loop3A_407 step %parallel_loop3A_408  : i32 {
      %parallel_loop3A_769 = arith.index_cast %parallel_loop3A_768 : i32 to index
      %parallel_loop3A_770 = tpu.vector_load %arg7[%parallel_loop3A_769] {strides = array<i32>} : memref<32768xf32, #tpu.memory_space<vmem>>, vector<16xf32>,
      %parallel_loop3A_771 = vector.shape_cast %parallel_loop3A_770 : vector<16xf32> to vector<16xf32>
      %parallel_loop3A_772 = arith.index_cast %parallel_loop3A_768 : i32 to index
      %parallel_loop3A_773 = tpu.vector_load %arg5[%parallel_loop3A_772] {strides = array<i32>} : memref<32768xf32, #tpu.memory_space<vmem>>, vector<16xf32>,
      %parallel_loop3A_774 = vector.shape_cast %parallel_loop3A_773 : vector<16xf32> to vector<16xf32>
      %parallel_loop3A_775 = vector.shape_cast %parallel_loop3A_771 : vector<16xf32> to vector<16xf32>
      tpu.vector_store %arg5[%parallel_loop3A_772], %parallel_loop3A_775 {add = true, strides = array<i32>} : memref<32768xf32, #tpu.memory_space<vmem>>, vector<16xf32>,
    } {sc.loop_unroll_factor = 8 : i64, sc.parallel_access}
    %add3A_409 = arith.constant 0 : i32
    %add3A_410 = arith.addi %add3A_409, %mul3A_2 : i32
    %add3A_411 = arith.constant 64 : i32
    %add3A_412 = arith.addi %add3A_410, %add3A_411 : i32
    %mul3A_413 = arith.constant 2048 : i32
    %mul3A_414 = arith.muli %add3A_412, %mul3A_413 : i32
    %dma_start3A_415 = tpu.memref_slice %arg4[%mul3A_414] : memref<33554432xf32, #tpu.memory_space<hbm>> -> memref<32768xf32, #tpu.memory_space<hbm>>
    %dma_start3A_416 = tpu.memref_slice %arg4[%mul3A_414] : memref<33554432xf32, #tpu.memory_space<hbm>> -> memref<32768xf32, #tpu.memory_space<hbm>>
    tpu.enqueue_dma source(%arg5 : memref<32768xf32, #tpu.memory_space<vmem>>) target(%dma_start3A_416 : memref<32768xf32, #tpu.memory_space<hbm>>) target_semaphore(%arg10 : memref<!tpu.dma_semaphore, #tpu.memory_space<semaphore_mem>>)
    %dma_wait3A_417 = tpu.memref_slice %arg4[%mul3A_414] : memref<33554432xf32, #tpu.memory_space<hbm>> -> memref<32768xf32, #tpu.memory_space<hbm>>
    %dma_wait3A_418 = tpu.memref_slice %arg4[%mul3A_414] : memref<33554432xf32, #tpu.memory_space<hbm>> -> memref<32768xf32, #tpu.memory_space<hbm>>
    tpu.wait_dma2 semaphore(%arg10 : memref<!tpu.dma_semaphore, #tpu.memory_space<semaphore_mem>>) src(%arg5 : memref<32768xf32, #tpu.memory_space<vmem>>) dst(%dma_wait3A_418 : memref<32768xf32, #tpu.memory_space<hbm>>)
    %add3A_419 = arith.constant 8192 : i32
    %add3A_420 = arith.addi %add3A_419, %mul3A_2 : i32
    %add3A_421 = arith.constant 64 : i32
    %add3A_422 = arith.addi %add3A_420, %add3A_421 : i32
    %mul3A_423 = arith.constant 2048 : i32
    %mul3A_424 = arith.muli %add3A_422, %mul3A_423 : i32
    %dma_start3A_425 = tpu.memref_slice %arg2[%mul3A_424] : memref<33554432xf32, #tpu.memory_space<hbm>> -> memref<32768xf32, #tpu.memory_space<hbm>>
    %dma_start3A_426 = tpu.memref_slice %arg2[%mul3A_424] : memref<33554432xf32, #tpu.memory_space<hbm>> -> memref<32768xf32, #tpu.memory_space<hbm>>
    tpu.enqueue_dma source(%dma_start3A_426 : memref<32768xf32, #tpu.memory_space<hbm>>) target(%arg5 : memref<32768xf32, #tpu.memory_space<vmem>>) target_semaphore(%arg8 : memref<!tpu.dma_semaphore, #tpu.memory_space<semaphore_mem>>)
    %dma_wait3A_427 = tpu.memref_slice %arg2[%mul3A_397] : memref<33554432xf32, #tpu.memory_space<hbm>> -> memref<32768xf32, #tpu.memory_space<hbm>>
    %dma_wait3A_428 = tpu.memref_slice %arg2[%mul3A_397] : memref<33554432xf32, #tpu.memory_space<hbm>> -> memref<32768xf32, #tpu.memory_space<hbm>>
    tpu.wait_dma2 semaphore(%arg9 : memref<!tpu.dma_semaphore, #tpu.memory_space<semaphore_mem>>) src(%dma_wait3A_428 : memref<32768xf32, #tpu.memory_space<hbm>>) dst(%arg6 : memref<32768xf32, #tpu.memory_space<vmem>>)
    %parallel_loop3A_429 = arith.constant 0 : i32
    %parallel_loop3A_430 = arith.constant 32768 : i32
    %parallel_loop3A_431 = arith.constant 16 : i32
    scf.for %parallel_loop3A_768 = %parallel_loop3A_429 to %parallel_loop3A_430 step %parallel_loop3A_431  : i32 {
      %parallel_loop3A_769 = arith.index_cast %parallel_loop3A_768 : i32 to index
      %parallel_loop3A_770 = tpu.vector_load %arg7[%parallel_loop3A_769] {strides = array<i32>} : memref<32768xf32, #tpu.memory_space<vmem>>, vector<16xf32>,
      %parallel_loop3A_771 = vector.shape_cast %parallel_loop3A_770 : vector<16xf32> to vector<16xf32>
      %parallel_loop3A_772 = arith.index_cast %parallel_loop3A_768 : i32 to index
      %parallel_loop3A_773 = tpu.vector_load %arg6[%parallel_loop3A_772] {strides = array<i32>} : memref<32768xf32, #tpu.memory_space<vmem>>, vector<16xf32>,
      %parallel_loop3A_774 = vector.shape_cast %parallel_loop3A_773 : vector<16xf32> to vector<16xf32>
      %parallel_loop3A_775 = vector.shape_cast %parallel_loop3A_771 : vector<16xf32> to vector<16xf32>
      tpu.vector_store %arg6[%parallel_loop3A_772], %parallel_loop3A_775 {add = true, strides = array<i32>} : memref<32768xf32, #tpu.memory_space<vmem>>, vector<16xf32>,
    } {sc.loop_unroll_factor = 8 : i64, sc.parallel_access}
    %add3A_432 = arith.constant 4096 : i32
    %add3A_433 = arith.addi %add3A_432, %mul3A_2 : i32
    %add3A_434 = arith.constant 64 : i32
    %add3A_435 = arith.addi %add3A_433, %add3A_434 : i32
    %mul3A_436 = arith.constant 2048 : i32
    %mul3A_437 = arith.muli %add3A_435, %mul3A_436 : i32
    %dma_start3A_438 = tpu.memref_slice %arg4[%mul3A_437] : memref<33554432xf32, #tpu.memory_space<hbm>> -> memref<32768xf32, #tpu.memory_space<hbm>>
    %dma_start3A_439 = tpu.memref_slice %arg4[%mul3A_437] : memref<33554432xf32, #tpu.memory_space<hbm>> -> memref<32768xf32, #tpu.memory_space<hbm>>
    tpu.enqueue_dma source(%arg6 : memref<32768xf32, #tpu.memory_space<vmem>>) target(%dma_start3A_439 : memref<32768xf32, #tpu.memory_space<hbm>>) target_semaphore(%arg11 : memref<!tpu.dma_semaphore, #tpu.memory_space<semaphore_mem>>)
    %dma_wait3A_440 = tpu.memref_slice %arg4[%mul3A_437] : memref<33554432xf32, #tpu.memory_space<hbm>> -> memref<32768xf32, #tpu.memory_space<hbm>>
    %dma_wait3A_441 = tpu.memref_slice %arg4[%mul3A_437] : memref<33554432xf32, #tpu.memory_space<hbm>> -> memref<32768xf32, #tpu.memory_space<hbm>>
    tpu.wait_dma2 semaphore(%arg11 : memref<!tpu.dma_semaphore, #tpu.memory_space<semaphore_mem>>) src(%arg6 : memref<32768xf32, #tpu.memory_space<vmem>>) dst(%dma_wait3A_441 : memref<32768xf32, #tpu.memory_space<hbm>>)
    %add3A_442 = arith.constant 12288 : i32
    %add3A_443 = arith.addi %add3A_442, %mul3A_2 : i32
    %add3A_444 = arith.constant 64 : i32
    %add3A_445 = arith.addi %add3A_443, %add3A_444 : i32
    %mul3A_446 = arith.constant 2048 : i32
    %mul3A_447 = arith.muli %add3A_445, %mul3A_446 : i32
    %dma_start3A_448 = tpu.memref_slice %arg2[%mul3A_447] : memref<33554432xf32, #tpu.memory_space<hbm>> -> memref<32768xf32, #tpu.memory_space<hbm>>
    %dma_start3A_449 = tpu.memref_slice %arg2[%mul3A_447] : memref<33554432xf32, #tpu.memory_space<hbm>> -> memref<32768xf32, #tpu.memory_space<hbm>>
    tpu.enqueue_dma source(%dma_start3A_449 : memref<32768xf32, #tpu.memory_space<hbm>>) target(%arg6 : memref<32768xf32, #tpu.memory_space<vmem>>) target_semaphore(%arg9 : memref<!tpu.dma_semaphore, #tpu.memory_space<semaphore_mem>>)
    %dma_wait3A_450 = tpu.memref_slice %arg2[%mul3A_424] : memref<33554432xf32, #tpu.memory_space<hbm>> -> memref<32768xf32, #tpu.memory_space<hbm>>
    %dma_wait3A_451 = tpu.memref_slice %arg2[%mul3A_424] : memref<33554432xf32, #tpu.memory_space<hbm>> -> memref<32768xf32, #tpu.memory_space<hbm>>
    tpu.wait_dma2 semaphore(%arg8 : memref<!tpu.dma_semaphore, #tpu.memory_space<semaphore_mem>>) src(%dma_wait3A_451 : memref<32768xf32, #tpu.memory_space<hbm>>) dst(%arg5 : memref<32768xf32, #tpu.memory_space<vmem>>)
    %parallel_loop3A_452 = arith.constant 0 : i32
    %parallel_loop3A_453 = arith.constant 32768 : i32
    %parallel_loop3A_454 = arith.constant 16 : i32
    scf.for %parallel_loop3A_768 = %parallel_loop3A_452 to %parallel_loop3A_453 step %parallel_loop3A_454  : i32 {
      %parallel_loop3A_769 = arith.index_cast %parallel_loop3A_768 : i32 to index
      %parallel_loop3A_770 = tpu.vector_load %arg7[%parallel_loop3A_769] {strides = array<i32>} : memref<32768xf32, #tpu.memory_space<vmem>>, vector<16xf32>,
      %parallel_loop3A_771 = vector.shape_cast %parallel_loop3A_770 : vector<16xf32> to vector<16xf32>
      %parallel_loop3A_772 = arith.index_cast %parallel_loop3A_768 : i32 to index
      %parallel_loop3A_773 = tpu.vector_load %arg5[%parallel_loop3A_772] {strides = array<i32>} : memref<32768xf32, #tpu.memory_space<vmem>>, vector<16xf32>,
      %parallel_loop3A_774 = vector.shape_cast %parallel_loop3A_773 : vector<16xf32> to vector<16xf32>
      %parallel_loop3A_775 = vector.shape_cast %parallel_loop3A_771 : vector<16xf32> to vector<16xf32>
      tpu.vector_store %arg5[%parallel_loop3A_772], %parallel_loop3A_775 {add = true, strides = array<i32>} : memref<32768xf32, #tpu.memory_space<vmem>>, vector<16xf32>,
    } {sc.loop_unroll_factor = 8 : i64, sc.parallel_access}
    %add3A_455 = arith.constant 8192 : i32
    %add3A_456 = arith.addi %add3A_455, %mul3A_2 : i32
    %add3A_457 = arith.constant 64 : i32
    %add3A_458 = arith.addi %add3A_456, %add3A_457 : i32
    %mul3A_459 = arith.constant 2048 : i32
    %mul3A_460 = arith.muli %add3A_458, %mul3A_459 : i32
    %dma_start3A_461 = tpu.memref_slice %arg4[%mul3A_460] : memref<33554432xf32, #tpu.memory_space<hbm>> -> memref<32768xf32, #tpu.memory_space<hbm>>
    %dma_start3A_462 = tpu.memref_slice %arg4[%mul3A_460] : memref<33554432xf32, #tpu.memory_space<hbm>> -> memref<32768xf32, #tpu.memory_space<hbm>>
    tpu.enqueue_dma source(%arg5 : memref<32768xf32, #tpu.memory_space<vmem>>) target(%dma_start3A_462 : memref<32768xf32, #tpu.memory_space<hbm>>) target_semaphore(%arg10 : memref<!tpu.dma_semaphore, #tpu.memory_space<semaphore_mem>>)
    %dma_wait3A_463 = tpu.memref_slice %arg4[%mul3A_460] : memref<33554432xf32, #tpu.memory_space<hbm>> -> memref<32768xf32, #tpu.memory_space<hbm>>
    %dma_wait3A_464 = tpu.memref_slice %arg4[%mul3A_460] : memref<33554432xf32, #tpu.memory_space<hbm>> -> memref<32768xf32, #tpu.memory_space<hbm>>
    tpu.wait_dma2 semaphore(%arg10 : memref<!tpu.dma_semaphore, #tpu.memory_space<semaphore_mem>>) src(%arg5 : memref<32768xf32, #tpu.memory_space<vmem>>) dst(%dma_wait3A_464 : memref<32768xf32, #tpu.memory_space<hbm>>)
    %add3A_465 = arith.constant 0 : i32
    %add3A_466 = arith.addi %add3A_465, %mul3A_2 : i32
    %add3A_467 = arith.constant 80 : i32
    %add3A_468 = arith.addi %add3A_466, %add3A_467 : i32
    %mul3A_469 = arith.constant 2048 : i32
    %mul3A_470 = arith.muli %add3A_468, %mul3A_469 : i32
    %dma_start3A_471 = tpu.memref_slice %arg2[%mul3A_470] : memref<33554432xf32, #tpu.memory_space<hbm>> -> memref<32768xf32, #tpu.memory_space<hbm>>
    %dma_start3A_472 = tpu.memref_slice %arg2[%mul3A_470] : memref<33554432xf32, #tpu.memory_space<hbm>> -> memref<32768xf32, #tpu.memory_space<hbm>>
    tpu.enqueue_dma source(%dma_start3A_472 : memref<32768xf32, #tpu.memory_space<hbm>>) target(%arg5 : memref<32768xf32, #tpu.memory_space<vmem>>) target_semaphore(%arg8 : memref<!tpu.dma_semaphore, #tpu.memory_space<semaphore_mem>>)
    %dma_wait3A_473 = tpu.memref_slice %arg2[%mul3A_447] : memref<33554432xf32, #tpu.memory_space<hbm>> -> memref<32768xf32, #tpu.memory_space<hbm>>
    %dma_wait3A_474 = tpu.memref_slice %arg2[%mul3A_447] : memref<33554432xf32, #tpu.memory_space<hbm>> -> memref<32768xf32, #tpu.memory_space<hbm>>
    tpu.wait_dma2 semaphore(%arg9 : memref<!tpu.dma_semaphore, #tpu.memory_space<semaphore_mem>>) src(%dma_wait3A_474 : memref<32768xf32, #tpu.memory_space<hbm>>) dst(%arg6 : memref<32768xf32, #tpu.memory_space<vmem>>)
    %parallel_loop3A_475 = arith.constant 0 : i32
    %parallel_loop3A_476 = arith.constant 32768 : i32
    %parallel_loop3A_477 = arith.constant 16 : i32
    scf.for %parallel_loop3A_768 = %parallel_loop3A_475 to %parallel_loop3A_476 step %parallel_loop3A_477  : i32 {
      %parallel_loop3A_769 = arith.index_cast %parallel_loop3A_768 : i32 to index
      %parallel_loop3A_770 = tpu.vector_load %arg7[%parallel_loop3A_769] {strides = array<i32>} : memref<32768xf32, #tpu.memory_space<vmem>>, vector<16xf32>,
      %parallel_loop3A_771 = vector.shape_cast %parallel_loop3A_770 : vector<16xf32> to vector<16xf32>
      %parallel_loop3A_772 = arith.index_cast %parallel_loop3A_768 : i32 to index
      %parallel_loop3A_773 = tpu.vector_load %arg6[%parallel_loop3A_772] {strides = array<i32>} : memref<32768xf32, #tpu.memory_space<vmem>>, vector<16xf32>,
      %parallel_loop3A_774 = vector.shape_cast %parallel_loop3A_773 : vector<16xf32> to vector<16xf32>
      %parallel_loop3A_775 = vector.shape_cast %parallel_loop3A_771 : vector<16xf32> to vector<16xf32>
      tpu.vector_store %arg6[%parallel_loop3A_772], %parallel_loop3A_775 {add = true, strides = array<i32>} : memref<32768xf32, #tpu.memory_space<vmem>>, vector<16xf32>,
    } {sc.loop_unroll_factor = 8 : i64, sc.parallel_access}
    %add3A_478 = arith.constant 12288 : i32
    %add3A_479 = arith.addi %add3A_478, %mul3A_2 : i32
    %add3A_480 = arith.constant 64 : i32
    %add3A_481 = arith.addi %add3A_479, %add3A_480 : i32
    %mul3A_482 = arith.constant 2048 : i32
    %mul3A_483 = arith.muli %add3A_481, %mul3A_482 : i32
    %dma_start3A_484 = tpu.memref_slice %arg4[%mul3A_483] : memref<33554432xf32, #tpu.memory_space<hbm>> -> memref<32768xf32, #tpu.memory_space<hbm>>
    %dma_start3A_485 = tpu.memref_slice %arg4[%mul3A_483] : memref<33554432xf32, #tpu.memory_space<hbm>> -> memref<32768xf32, #tpu.memory_space<hbm>>
    tpu.enqueue_dma source(%arg6 : memref<32768xf32, #tpu.memory_space<vmem>>) target(%dma_start3A_485 : memref<32768xf32, #tpu.memory_space<hbm>>) target_semaphore(%arg11 : memref<!tpu.dma_semaphore, #tpu.memory_space<semaphore_mem>>)
    %dma_wait3A_486 = tpu.memref_slice %arg4[%mul3A_483] : memref<33554432xf32, #tpu.memory_space<hbm>> -> memref<32768xf32, #tpu.memory_space<hbm>>
    %dma_wait3A_487 = tpu.memref_slice %arg4[%mul3A_483] : memref<33554432xf32, #tpu.memory_space<hbm>> -> memref<32768xf32, #tpu.memory_space<hbm>>
    tpu.wait_dma2 semaphore(%arg11 : memref<!tpu.dma_semaphore, #tpu.memory_space<semaphore_mem>>) src(%arg6 : memref<32768xf32, #tpu.memory_space<vmem>>) dst(%dma_wait3A_487 : memref<32768xf32, #tpu.memory_space<hbm>>)
    %add3A_488 = arith.constant 4096 : i32
    %add3A_489 = arith.addi %add3A_488, %mul3A_2 : i32
    %add3A_490 = arith.constant 80 : i32
    %add3A_491 = arith.addi %add3A_489, %add3A_490 : i32
    %mul3A_492 = arith.constant 2048 : i32
    %mul3A_493 = arith.muli %add3A_491, %mul3A_492 : i32
    %dma_start3A_494 = tpu.memref_slice %arg2[%mul3A_493] : memref<33554432xf32, #tpu.memory_space<hbm>> -> memref<32768xf32, #tpu.memory_space<hbm>>
    %dma_start3A_495 = tpu.memref_slice %arg2[%mul3A_493] : memref<33554432xf32, #tpu.memory_space<hbm>> -> memref<32768xf32, #tpu.memory_space<hbm>>
    tpu.enqueue_dma source(%dma_start3A_495 : memref<32768xf32, #tpu.memory_space<hbm>>) target(%arg6 : memref<32768xf32, #tpu.memory_space<vmem>>) target_semaphore(%arg9 : memref<!tpu.dma_semaphore, #tpu.memory_space<semaphore_mem>>)
    %add3A_496 = arith.constant 80 : i32
    %add3A_497 = arith.addi %mul3A_2, %add3A_496 : i32
    %mul3A_498 = arith.constant 2048 : i32
    %mul3A_499 = arith.muli %add3A_497, %mul3A_498 : i32
    "tpu.region"() ({
      %run_scoped3A = tpu.sem_alloc : memref<!tpu.dma_semaphore, #tpu.memory_space<semaphore_mem>>
      %dma_start3A_768 = tpu.memref_slice %arg3[%mul3A_499] : memref<16777216xf32, #tpu.memory_space<hbm>> -> memref<32768xf32, #tpu.memory_space<hbm>>
      %dma_start3A_769 = tpu.memref_slice %arg3[%mul3A_499] : memref<16777216xf32, #tpu.memory_space<hbm>> -> memref<32768xf32, #tpu.memory_space<hbm>>
      tpu.enqueue_dma source(%dma_start3A_769 : memref<32768xf32, #tpu.memory_space<hbm>>) target(%arg7 : memref<32768xf32, #tpu.memory_space<vmem>>) target_semaphore(%run_scoped3A : memref<!tpu.dma_semaphore, #tpu.memory_space<semaphore_mem>>)
      %dma_wait3A_770 = tpu.memref_slice %arg3[%mul3A_499] : memref<16777216xf32, #tpu.memory_space<hbm>> -> memref<32768xf32, #tpu.memory_space<hbm>>
      %dma_wait3A_771 = tpu.memref_slice %arg3[%mul3A_499] : memref<16777216xf32, #tpu.memory_space<hbm>> -> memref<32768xf32, #tpu.memory_space<hbm>>
      tpu.wait_dma2 semaphore(%run_scoped3A : memref<!tpu.dma_semaphore, #tpu.memory_space<semaphore_mem>>) src(%dma_wait3A_771 : memref<32768xf32, #tpu.memory_space<hbm>>) dst(%arg7 : memref<32768xf32, #tpu.memory_space<vmem>>)
      tpu.yield
    }) : () -> ()
    %dma_wait3A_500 = tpu.memref_slice %arg2[%mul3A_470] : memref<33554432xf32, #tpu.memory_space<hbm>> -> memref<32768xf32, #tpu.memory_space<hbm>>
    %dma_wait3A_501 = tpu.memref_slice %arg2[%mul3A_470] : memref<33554432xf32, #tpu.memory_space<hbm>> -> memref<32768xf32, #tpu.memory_space<hbm>>
    tpu.wait_dma2 semaphore(%arg8 : memref<!tpu.dma_semaphore, #tpu.memory_space<semaphore_mem>>) src(%dma_wait3A_501 : memref<32768xf32, #tpu.memory_space<hbm>>) dst(%arg5 : memref<32768xf32, #tpu.memory_space<vmem>>)
    %parallel_loop3A_502 = arith.constant 0 : i32
    %parallel_loop3A_503 = arith.constant 32768 : i32
    %parallel_loop3A_504 = arith.constant 16 : i32
    scf.for %parallel_loop3A_768 = %parallel_loop3A_502 to %parallel_loop3A_503 step %parallel_loop3A_504  : i32 {
      %parallel_loop3A_769 = arith.index_cast %parallel_loop3A_768 : i32 to index
      %parallel_loop3A_770 = tpu.vector_load %arg7[%parallel_loop3A_769] {strides = array<i32>} : memref<32768xf32, #tpu.memory_space<vmem>>, vector<16xf32>,
      %parallel_loop3A_771 = vector.shape_cast %parallel_loop3A_770 : vector<16xf32> to vector<16xf32>
      %parallel_loop3A_772 = arith.index_cast %parallel_loop3A_768 : i32 to index
      %parallel_loop3A_773 = tpu.vector_load %arg5[%parallel_loop3A_772] {strides = array<i32>} : memref<32768xf32, #tpu.memory_space<vmem>>, vector<16xf32>,
      %parallel_loop3A_774 = vector.shape_cast %parallel_loop3A_773 : vector<16xf32> to vector<16xf32>
      %parallel_loop3A_775 = vector.shape_cast %parallel_loop3A_771 : vector<16xf32> to vector<16xf32>
      tpu.vector_store %arg5[%parallel_loop3A_772], %parallel_loop3A_775 {add = true, strides = array<i32>} : memref<32768xf32, #tpu.memory_space<vmem>>, vector<16xf32>,
    } {sc.loop_unroll_factor = 8 : i64, sc.parallel_access}
    %add3A_505 = arith.constant 0 : i32
    %add3A_506 = arith.addi %add3A_505, %mul3A_2 : i32
    %add3A_507 = arith.constant 80 : i32
    %add3A_508 = arith.addi %add3A_506, %add3A_507 : i32
    %mul3A_509 = arith.constant 2048 : i32
    %mul3A_510 = arith.muli %add3A_508, %mul3A_509 : i32
    %dma_start3A_511 = tpu.memref_slice %arg4[%mul3A_510] : memref<33554432xf32, #tpu.memory_space<hbm>> -> memref<32768xf32, #tpu.memory_space<hbm>>
    %dma_start3A_512 = tpu.memref_slice %arg4[%mul3A_510] : memref<33554432xf32, #tpu.memory_space<hbm>> -> memref<32768xf32, #tpu.memory_space<hbm>>
    tpu.enqueue_dma source(%arg5 : memref<32768xf32, #tpu.memory_space<vmem>>) target(%dma_start3A_512 : memref<32768xf32, #tpu.memory_space<hbm>>) target_semaphore(%arg10 : memref<!tpu.dma_semaphore, #tpu.memory_space<semaphore_mem>>)
    %dma_wait3A_513 = tpu.memref_slice %arg4[%mul3A_510] : memref<33554432xf32, #tpu.memory_space<hbm>> -> memref<32768xf32, #tpu.memory_space<hbm>>
    %dma_wait3A_514 = tpu.memref_slice %arg4[%mul3A_510] : memref<33554432xf32, #tpu.memory_space<hbm>> -> memref<32768xf32, #tpu.memory_space<hbm>>
    tpu.wait_dma2 semaphore(%arg10 : memref<!tpu.dma_semaphore, #tpu.memory_space<semaphore_mem>>) src(%arg5 : memref<32768xf32, #tpu.memory_space<vmem>>) dst(%dma_wait3A_514 : memref<32768xf32, #tpu.memory_space<hbm>>)
    %add3A_515 = arith.constant 8192 : i32
    %add3A_516 = arith.addi %add3A_515, %mul3A_2 : i32
    %add3A_517 = arith.constant 80 : i32
    %add3A_518 = arith.addi %add3A_516, %add3A_517 : i32
    %mul3A_519 = arith.constant 2048 : i32
    %mul3A_520 = arith.muli %add3A_518, %mul3A_519 : i32
    %dma_start3A_521 = tpu.memref_slice %arg2[%mul3A_520] : memref<33554432xf32, #tpu.memory_space<hbm>> -> memref<32768xf32, #tpu.memory_space<hbm>>
    %dma_start3A_522 = tpu.memref_slice %arg2[%mul3A_520] : memref<33554432xf32, #tpu.memory_space<hbm>> -> memref<32768xf32, #tpu.memory_space<hbm>>
    tpu.enqueue_dma source(%dma_start3A_522 : memref<32768xf32, #tpu.memory_space<hbm>>) target(%arg5 : memref<32768xf32, #tpu.memory_space<vmem>>) target_semaphore(%arg8 : memref<!tpu.dma_semaphore, #tpu.memory_space<semaphore_mem>>)
    %dma_wait3A_523 = tpu.memref_slice %arg2[%mul3A_493] : memref<33554432xf32, #tpu.memory_space<hbm>> -> memref<32768xf32, #tpu.memory_space<hbm>>
    %dma_wait3A_524 = tpu.memref_slice %arg2[%mul3A_493] : memref<33554432xf32, #tpu.memory_space<hbm>> -> memref<32768xf32, #tpu.memory_space<hbm>>
    tpu.wait_dma2 semaphore(%arg9 : memref<!tpu.dma_semaphore, #tpu.memory_space<semaphore_mem>>) src(%dma_wait3A_524 : memref<32768xf32, #tpu.memory_space<hbm>>) dst(%arg6 : memref<32768xf32, #tpu.memory_space<vmem>>)
    %parallel_loop3A_525 = arith.constant 0 : i32
    %parallel_loop3A_526 = arith.constant 32768 : i32
    %parallel_loop3A_527 = arith.constant 16 : i32
    scf.for %parallel_loop3A_768 = %parallel_loop3A_525 to %parallel_loop3A_526 step %parallel_loop3A_527  : i32 {
      %parallel_loop3A_769 = arith.index_cast %parallel_loop3A_768 : i32 to index
      %parallel_loop3A_770 = tpu.vector_load %arg7[%parallel_loop3A_769] {strides = array<i32>} : memref<32768xf32, #tpu.memory_space<vmem>>, vector<16xf32>,
      %parallel_loop3A_771 = vector.shape_cast %parallel_loop3A_770 : vector<16xf32> to vector<16xf32>
      %parallel_loop3A_772 = arith.index_cast %parallel_loop3A_768 : i32 to index
      %parallel_loop3A_773 = tpu.vector_load %arg6[%parallel_loop3A_772] {strides = array<i32>} : memref<32768xf32, #tpu.memory_space<vmem>>, vector<16xf32>,
      %parallel_loop3A_774 = vector.shape_cast %parallel_loop3A_773 : vector<16xf32> to vector<16xf32>
      %parallel_loop3A_775 = vector.shape_cast %parallel_loop3A_771 : vector<16xf32> to vector<16xf32>
      tpu.vector_store %arg6[%parallel_loop3A_772], %parallel_loop3A_775 {add = true, strides = array<i32>} : memref<32768xf32, #tpu.memory_space<vmem>>, vector<16xf32>,
    } {sc.loop_unroll_factor = 8 : i64, sc.parallel_access}
    %add3A_528 = arith.constant 4096 : i32
    %add3A_529 = arith.addi %add3A_528, %mul3A_2 : i32
    %add3A_530 = arith.constant 80 : i32
    %add3A_531 = arith.addi %add3A_529, %add3A_530 : i32
    %mul3A_532 = arith.constant 2048 : i32
    %mul3A_533 = arith.muli %add3A_531, %mul3A_532 : i32
    %dma_start3A_534 = tpu.memref_slice %arg4[%mul3A_533] : memref<33554432xf32, #tpu.memory_space<hbm>> -> memref<32768xf32, #tpu.memory_space<hbm>>
    %dma_start3A_535 = tpu.memref_slice %arg4[%mul3A_533] : memref<33554432xf32, #tpu.memory_space<hbm>> -> memref<32768xf32, #tpu.memory_space<hbm>>
    tpu.enqueue_dma source(%arg6 : memref<32768xf32, #tpu.memory_space<vmem>>) target(%dma_start3A_535 : memref<32768xf32, #tpu.memory_space<hbm>>) target_semaphore(%arg11 : memref<!tpu.dma_semaphore, #tpu.memory_space<semaphore_mem>>)
    %dma_wait3A_536 = tpu.memref_slice %arg4[%mul3A_533] : memref<33554432xf32, #tpu.memory_space<hbm>> -> memref<32768xf32, #tpu.memory_space<hbm>>
    %dma_wait3A_537 = tpu.memref_slice %arg4[%mul3A_533] : memref<33554432xf32, #tpu.memory_space<hbm>> -> memref<32768xf32, #tpu.memory_space<hbm>>
    tpu.wait_dma2 semaphore(%arg11 : memref<!tpu.dma_semaphore, #tpu.memory_space<semaphore_mem>>) src(%arg6 : memref<32768xf32, #tpu.memory_space<vmem>>) dst(%dma_wait3A_537 : memref<32768xf32, #tpu.memory_space<hbm>>)
    %add3A_538 = arith.constant 12288 : i32
    %add3A_539 = arith.addi %add3A_538, %mul3A_2 : i32
    %add3A_540 = arith.constant 80 : i32
    %add3A_541 = arith.addi %add3A_539, %add3A_540 : i32
    %mul3A_542 = arith.constant 2048 : i32
    %mul3A_543 = arith.muli %add3A_541, %mul3A_542 : i32
    %dma_start3A_544 = tpu.memref_slice %arg2[%mul3A_543] : memref<33554432xf32, #tpu.memory_space<hbm>> -> memref<32768xf32, #tpu.memory_space<hbm>>
    %dma_start3A_545 = tpu.memref_slice %arg2[%mul3A_543] : memref<33554432xf32, #tpu.memory_space<hbm>> -> memref<32768xf32, #tpu.memory_space<hbm>>
    tpu.enqueue_dma source(%dma_start3A_545 : memref<32768xf32, #tpu.memory_space<hbm>>) target(%arg6 : memref<32768xf32, #tpu.memory_space<vmem>>) target_semaphore(%arg9 : memref<!tpu.dma_semaphore, #tpu.memory_space<semaphore_mem>>)
    %dma_wait3A_546 = tpu.memref_slice %arg2[%mul3A_520] : memref<33554432xf32, #tpu.memory_space<hbm>> -> memref<32768xf32, #tpu.memory_space<hbm>>
    %dma_wait3A_547 = tpu.memref_slice %arg2[%mul3A_520] : memref<33554432xf32, #tpu.memory_space<hbm>> -> memref<32768xf32, #tpu.memory_space<hbm>>
    tpu.wait_dma2 semaphore(%arg8 : memref<!tpu.dma_semaphore, #tpu.memory_space<semaphore_mem>>) src(%dma_wait3A_547 : memref<32768xf32, #tpu.memory_space<hbm>>) dst(%arg5 : memref<32768xf32, #tpu.memory_space<vmem>>)
    %parallel_loop3A_548 = arith.constant 0 : i32
    %parallel_loop3A_549 = arith.constant 32768 : i32
    %parallel_loop3A_550 = arith.constant 16 : i32
    scf.for %parallel_loop3A_768 = %parallel_loop3A_548 to %parallel_loop3A_549 step %parallel_loop3A_550  : i32 {
      %parallel_loop3A_769 = arith.index_cast %parallel_loop3A_768 : i32 to index
      %parallel_loop3A_770 = tpu.vector_load %arg7[%parallel_loop3A_769] {strides = array<i32>} : memref<32768xf32, #tpu.memory_space<vmem>>, vector<16xf32>,
      %parallel_loop3A_771 = vector.shape_cast %parallel_loop3A_770 : vector<16xf32> to vector<16xf32>
      %parallel_loop3A_772 = arith.index_cast %parallel_loop3A_768 : i32 to index
      %parallel_loop3A_773 = tpu.vector_load %arg5[%parallel_loop3A_772] {strides = array<i32>} : memref<32768xf32, #tpu.memory_space<vmem>>, vector<16xf32>,
      %parallel_loop3A_774 = vector.shape_cast %parallel_loop3A_773 : vector<16xf32> to vector<16xf32>
      %parallel_loop3A_775 = vector.shape_cast %parallel_loop3A_771 : vector<16xf32> to vector<16xf32>
      tpu.vector_store %arg5[%parallel_loop3A_772], %parallel_loop3A_775 {add = true, strides = array<i32>} : memref<32768xf32, #tpu.memory_space<vmem>>, vector<16xf32>,
    } {sc.loop_unroll_factor = 8 : i64, sc.parallel_access}
    %add3A_551 = arith.constant 8192 : i32
    %add3A_552 = arith.addi %add3A_551, %mul3A_2 : i32
    %add3A_553 = arith.constant 80 : i32
    %add3A_554 = arith.addi %add3A_552, %add3A_553 : i32
    %mul3A_555 = arith.constant 2048 : i32
    %mul3A_556 = arith.muli %add3A_554, %mul3A_555 : i32
    %dma_start3A_557 = tpu.memref_slice %arg4[%mul3A_556] : memref<33554432xf32, #tpu.memory_space<hbm>> -> memref<32768xf32, #tpu.memory_space<hbm>>
    %dma_start3A_558 = tpu.memref_slice %arg4[%mul3A_556] : memref<33554432xf32, #tpu.memory_space<hbm>> -> memref<32768xf32, #tpu.memory_space<hbm>>
    tpu.enqueue_dma source(%arg5 : memref<32768xf32, #tpu.memory_space<vmem>>) target(%dma_start3A_558 : memref<32768xf32, #tpu.memory_space<hbm>>) target_semaphore(%arg10 : memref<!tpu.dma_semaphore, #tpu.memory_space<semaphore_mem>>)
    %dma_wait3A_559 = tpu.memref_slice %arg4[%mul3A_556] : memref<33554432xf32, #tpu.memory_space<hbm>> -> memref<32768xf32, #tpu.memory_space<hbm>>
    %dma_wait3A_560 = tpu.memref_slice %arg4[%mul3A_556] : memref<33554432xf32, #tpu.memory_space<hbm>> -> memref<32768xf32, #tpu.memory_space<hbm>>
    tpu.wait_dma2 semaphore(%arg10 : memref<!tpu.dma_semaphore, #tpu.memory_space<semaphore_mem>>) src(%arg5 : memref<32768xf32, #tpu.memory_space<vmem>>) dst(%dma_wait3A_560 : memref<32768xf32, #tpu.memory_space<hbm>>)
    %add3A_561 = arith.constant 0 : i32
    %add3A_562 = arith.addi %add3A_561, %mul3A_2 : i32
    %add3A_563 = arith.constant 96 : i32
    %add3A_564 = arith.addi %add3A_562, %add3A_563 : i32
    %mul3A_565 = arith.constant 2048 : i32
    %mul3A_566 = arith.muli %add3A_564, %mul3A_565 : i32
    %dma_start3A_567 = tpu.memref_slice %arg2[%mul3A_566] : memref<33554432xf32, #tpu.memory_space<hbm>> -> memref<32768xf32, #tpu.memory_space<hbm>>
    %dma_start3A_568 = tpu.memref_slice %arg2[%mul3A_566] : memref<33554432xf32, #tpu.memory_space<hbm>> -> memref<32768xf32, #tpu.memory_space<hbm>>
    tpu.enqueue_dma source(%dma_start3A_568 : memref<32768xf32, #tpu.memory_space<hbm>>) target(%arg5 : memref<32768xf32, #tpu.memory_space<vmem>>) target_semaphore(%arg8 : memref<!tpu.dma_semaphore, #tpu.memory_space<semaphore_mem>>)
    %dma_wait3A_569 = tpu.memref_slice %arg2[%mul3A_543] : memref<33554432xf32, #tpu.memory_space<hbm>> -> memref<32768xf32, #tpu.memory_space<hbm>>
    %dma_wait3A_570 = tpu.memref_slice %arg2[%mul3A_543] : memref<33554432xf32, #tpu.memory_space<hbm>> -> memref<32768xf32, #tpu.memory_space<hbm>>
    tpu.wait_dma2 semaphore(%arg9 : memref<!tpu.dma_semaphore, #tpu.memory_space<semaphore_mem>>) src(%dma_wait3A_570 : memref<32768xf32, #tpu.memory_space<hbm>>) dst(%arg6 : memref<32768xf32, #tpu.memory_space<vmem>>)
    %parallel_loop3A_571 = arith.constant 0 : i32
    %parallel_loop3A_572 = arith.constant 32768 : i32
    %parallel_loop3A_573 = arith.constant 16 : i32
    scf.for %parallel_loop3A_768 = %parallel_loop3A_571 to %parallel_loop3A_572 step %parallel_loop3A_573  : i32 {
      %parallel_loop3A_769 = arith.index_cast %parallel_loop3A_768 : i32 to index
      %parallel_loop3A_770 = tpu.vector_load %arg7[%parallel_loop3A_769] {strides = array<i32>} : memref<32768xf32, #tpu.memory_space<vmem>>, vector<16xf32>,
      %parallel_loop3A_771 = vector.shape_cast %parallel_loop3A_770 : vector<16xf32> to vector<16xf32>
      %parallel_loop3A_772 = arith.index_cast %parallel_loop3A_768 : i32 to index
      %parallel_loop3A_773 = tpu.vector_load %arg6[%parallel_loop3A_772] {strides = array<i32>} : memref<32768xf32, #tpu.memory_space<vmem>>, vector<16xf32>,
      %parallel_loop3A_774 = vector.shape_cast %parallel_loop3A_773 : vector<16xf32> to vector<16xf32>
      %parallel_loop3A_775 = vector.shape_cast %parallel_loop3A_771 : vector<16xf32> to vector<16xf32>
      tpu.vector_store %arg6[%parallel_loop3A_772], %parallel_loop3A_775 {add = true, strides = array<i32>} : memref<32768xf32, #tpu.memory_space<vmem>>, vector<16xf32>,
    } {sc.loop_unroll_factor = 8 : i64, sc.parallel_access}
    %add3A_574 = arith.constant 12288 : i32
    %add3A_575 = arith.addi %add3A_574, %mul3A_2 : i32
    %add3A_576 = arith.constant 80 : i32
    %add3A_577 = arith.addi %add3A_575, %add3A_576 : i32
    %mul3A_578 = arith.constant 2048 : i32
    %mul3A_579 = arith.muli %add3A_577, %mul3A_578 : i32
    %dma_start3A_580 = tpu.memref_slice %arg4[%mul3A_579] : memref<33554432xf32, #tpu.memory_space<hbm>> -> memref<32768xf32, #tpu.memory_space<hbm>>
    %dma_start3A_581 = tpu.memref_slice %arg4[%mul3A_579] : memref<33554432xf32, #tpu.memory_space<hbm>> -> memref<32768xf32, #tpu.memory_space<hbm>>
    tpu.enqueue_dma source(%arg6 : memref<32768xf32, #tpu.memory_space<vmem>>) target(%dma_start3A_581 : memref<32768xf32, #tpu.memory_space<hbm>>) target_semaphore(%arg11 : memref<!tpu.dma_semaphore, #tpu.memory_space<semaphore_mem>>)
    %dma_wait3A_582 = tpu.memref_slice %arg4[%mul3A_579] : memref<33554432xf32, #tpu.memory_space<hbm>> -> memref<32768xf32, #tpu.memory_space<hbm>>
    %dma_wait3A_583 = tpu.memref_slice %arg4[%mul3A_579] : memref<33554432xf32, #tpu.memory_space<hbm>> -> memref<32768xf32, #tpu.memory_space<hbm>>
    tpu.wait_dma2 semaphore(%arg11 : memref<!tpu.dma_semaphore, #tpu.memory_space<semaphore_mem>>) src(%arg6 : memref<32768xf32, #tpu.memory_space<vmem>>) dst(%dma_wait3A_583 : memref<32768xf32, #tpu.memory_space<hbm>>)
    %add3A_584 = arith.constant 4096 : i32
    %add3A_585 = arith.addi %add3A_584, %mul3A_2 : i32
    %add3A_586 = arith.constant 96 : i32
    %add3A_587 = arith.addi %add3A_585, %add3A_586 : i32
    %mul3A_588 = arith.constant 2048 : i32
    %mul3A_589 = arith.muli %add3A_587, %mul3A_588 : i32
    %dma_start3A_590 = tpu.memref_slice %arg2[%mul3A_589] : memref<33554432xf32, #tpu.memory_space<hbm>> -> memref<32768xf32, #tpu.memory_space<hbm>>
    %dma_start3A_591 = tpu.memref_slice %arg2[%mul3A_589] : memref<33554432xf32, #tpu.memory_space<hbm>> -> memref<32768xf32, #tpu.memory_space<hbm>>
    tpu.enqueue_dma source(%dma_start3A_591 : memref<32768xf32, #tpu.memory_space<hbm>>) target(%arg6 : memref<32768xf32, #tpu.memory_space<vmem>>) target_semaphore(%arg9 : memref<!tpu.dma_semaphore, #tpu.memory_space<semaphore_mem>>)
    %add3A_592 = arith.constant 96 : i32
    %add3A_593 = arith.addi %mul3A_2, %add3A_592 : i32
    %mul3A_594 = arith.constant 2048 : i32
    %mul3A_595 = arith.muli %add3A_593, %mul3A_594 : i32
    "tpu.region"() ({
      %run_scoped3A = tpu.sem_alloc : memref<!tpu.dma_semaphore, #tpu.memory_space<semaphore_mem>>
      %dma_start3A_768 = tpu.memref_slice %arg3[%mul3A_595] : memref<16777216xf32, #tpu.memory_space<hbm>> -> memref<32768xf32, #tpu.memory_space<hbm>>
      %dma_start3A_769 = tpu.memref_slice %arg3[%mul3A_595] : memref<16777216xf32, #tpu.memory_space<hbm>> -> memref<32768xf32, #tpu.memory_space<hbm>>
      tpu.enqueue_dma source(%dma_start3A_769 : memref<32768xf32, #tpu.memory_space<hbm>>) target(%arg7 : memref<32768xf32, #tpu.memory_space<vmem>>) target_semaphore(%run_scoped3A : memref<!tpu.dma_semaphore, #tpu.memory_space<semaphore_mem>>)
      %dma_wait3A_770 = tpu.memref_slice %arg3[%mul3A_595] : memref<16777216xf32, #tpu.memory_space<hbm>> -> memref<32768xf32, #tpu.memory_space<hbm>>
      %dma_wait3A_771 = tpu.memref_slice %arg3[%mul3A_595] : memref<16777216xf32, #tpu.memory_space<hbm>> -> memref<32768xf32, #tpu.memory_space<hbm>>
      tpu.wait_dma2 semaphore(%run_scoped3A : memref<!tpu.dma_semaphore, #tpu.memory_space<semaphore_mem>>) src(%dma_wait3A_771 : memref<32768xf32, #tpu.memory_space<hbm>>) dst(%arg7 : memref<32768xf32, #tpu.memory_space<vmem>>)
      tpu.yield
    }) : () -> ()
    %dma_wait3A_596 = tpu.memref_slice %arg2[%mul3A_566] : memref<33554432xf32, #tpu.memory_space<hbm>> -> memref<32768xf32, #tpu.memory_space<hbm>>
    %dma_wait3A_597 = tpu.memref_slice %arg2[%mul3A_566] : memref<33554432xf32, #tpu.memory_space<hbm>> -> memref<32768xf32, #tpu.memory_space<hbm>>
    tpu.wait_dma2 semaphore(%arg8 : memref<!tpu.dma_semaphore, #tpu.memory_space<semaphore_mem>>) src(%dma_wait3A_597 : memref<32768xf32, #tpu.memory_space<hbm>>) dst(%arg5 : memref<32768xf32, #tpu.memory_space<vmem>>)
    %parallel_loop3A_598 = arith.constant 0 : i32
    %parallel_loop3A_599 = arith.constant 32768 : i32
    %parallel_loop3A_600 = arith.constant 16 : i32
    scf.for %parallel_loop3A_768 = %parallel_loop3A_598 to %parallel_loop3A_599 step %parallel_loop3A_600  : i32 {
      %parallel_loop3A_769 = arith.index_cast %parallel_loop3A_768 : i32 to index
      %parallel_loop3A_770 = tpu.vector_load %arg7[%parallel_loop3A_769] {strides = array<i32>} : memref<32768xf32, #tpu.memory_space<vmem>>, vector<16xf32>,
      %parallel_loop3A_771 = vector.shape_cast %parallel_loop3A_770 : vector<16xf32> to vector<16xf32>
      %parallel_loop3A_772 = arith.index_cast %parallel_loop3A_768 : i32 to index
      %parallel_loop3A_773 = tpu.vector_load %arg5[%parallel_loop3A_772] {strides = array<i32>} : memref<32768xf32, #tpu.memory_space<vmem>>, vector<16xf32>,
      %parallel_loop3A_774 = vector.shape_cast %parallel_loop3A_773 : vector<16xf32> to vector<16xf32>
      %parallel_loop3A_775 = vector.shape_cast %parallel_loop3A_771 : vector<16xf32> to vector<16xf32>
      tpu.vector_store %arg5[%parallel_loop3A_772], %parallel_loop3A_775 {add = true, strides = array<i32>} : memref<32768xf32, #tpu.memory_space<vmem>>, vector<16xf32>,
    } {sc.loop_unroll_factor = 8 : i64, sc.parallel_access}
    %add3A_601 = arith.constant 0 : i32
    %add3A_602 = arith.addi %add3A_601, %mul3A_2 : i32
    %add3A_603 = arith.constant 96 : i32
    %add3A_604 = arith.addi %add3A_602, %add3A_603 : i32
    %mul3A_605 = arith.constant 2048 : i32
    %mul3A_606 = arith.muli %add3A_604, %mul3A_605 : i32
    %dma_start3A_607 = tpu.memref_slice %arg4[%mul3A_606] : memref<33554432xf32, #tpu.memory_space<hbm>> -> memref<32768xf32, #tpu.memory_space<hbm>>
    %dma_start3A_608 = tpu.memref_slice %arg4[%mul3A_606] : memref<33554432xf32, #tpu.memory_space<hbm>> -> memref<32768xf32, #tpu.memory_space<hbm>>
    tpu.enqueue_dma source(%arg5 : memref<32768xf32, #tpu.memory_space<vmem>>) target(%dma_start3A_608 : memref<32768xf32, #tpu.memory_space<hbm>>) target_semaphore(%arg10 : memref<!tpu.dma_semaphore, #tpu.memory_space<semaphore_mem>>)
    %dma_wait3A_609 = tpu.memref_slice %arg4[%mul3A_606] : memref<33554432xf32, #tpu.memory_space<hbm>> -> memref<32768xf32, #tpu.memory_space<hbm>>
    %dma_wait3A_610 = tpu.memref_slice %arg4[%mul3A_606] : memref<33554432xf32, #tpu.memory_space<hbm>> -> memref<32768xf32, #tpu.memory_space<hbm>>
    tpu.wait_dma2 semaphore(%arg10 : memref<!tpu.dma_semaphore, #tpu.memory_space<semaphore_mem>>) src(%arg5 : memref<32768xf32, #tpu.memory_space<vmem>>) dst(%dma_wait3A_610 : memref<32768xf32, #tpu.memory_space<hbm>>)
    %add3A_611 = arith.constant 8192 : i32
    %add3A_612 = arith.addi %add3A_611, %mul3A_2 : i32
    %add3A_613 = arith.constant 96 : i32
    %add3A_614 = arith.addi %add3A_612, %add3A_613 : i32
    %mul3A_615 = arith.constant 2048 : i32
    %mul3A_616 = arith.muli %add3A_614, %mul3A_615 : i32
    %dma_start3A_617 = tpu.memref_slice %arg2[%mul3A_616] : memref<33554432xf32, #tpu.memory_space<hbm>> -> memref<32768xf32, #tpu.memory_space<hbm>>
    %dma_start3A_618 = tpu.memref_slice %arg2[%mul3A_616] : memref<33554432xf32, #tpu.memory_space<hbm>> -> memref<32768xf32, #tpu.memory_space<hbm>>
    tpu.enqueue_dma source(%dma_start3A_618 : memref<32768xf32, #tpu.memory_space<hbm>>) target(%arg5 : memref<32768xf32, #tpu.memory_space<vmem>>) target_semaphore(%arg8 : memref<!tpu.dma_semaphore, #tpu.memory_space<semaphore_mem>>)
    %dma_wait3A_619 = tpu.memref_slice %arg2[%mul3A_589] : memref<33554432xf32, #tpu.memory_space<hbm>> -> memref<32768xf32, #tpu.memory_space<hbm>>
    %dma_wait3A_620 = tpu.memref_slice %arg2[%mul3A_589] : memref<33554432xf32, #tpu.memory_space<hbm>> -> memref<32768xf32, #tpu.memory_space<hbm>>
    tpu.wait_dma2 semaphore(%arg9 : memref<!tpu.dma_semaphore, #tpu.memory_space<semaphore_mem>>) src(%dma_wait3A_620 : memref<32768xf32, #tpu.memory_space<hbm>>) dst(%arg6 : memref<32768xf32, #tpu.memory_space<vmem>>)
    %parallel_loop3A_621 = arith.constant 0 : i32
    %parallel_loop3A_622 = arith.constant 32768 : i32
    %parallel_loop3A_623 = arith.constant 16 : i32
    scf.for %parallel_loop3A_768 = %parallel_loop3A_621 to %parallel_loop3A_622 step %parallel_loop3A_623  : i32 {
      %parallel_loop3A_769 = arith.index_cast %parallel_loop3A_768 : i32 to index
      %parallel_loop3A_770 = tpu.vector_load %arg7[%parallel_loop3A_769] {strides = array<i32>} : memref<32768xf32, #tpu.memory_space<vmem>>, vector<16xf32>,
      %parallel_loop3A_771 = vector.shape_cast %parallel_loop3A_770 : vector<16xf32> to vector<16xf32>
      %parallel_loop3A_772 = arith.index_cast %parallel_loop3A_768 : i32 to index
      %parallel_loop3A_773 = tpu.vector_load %arg6[%parallel_loop3A_772] {strides = array<i32>} : memref<32768xf32, #tpu.memory_space<vmem>>, vector<16xf32>,
      %parallel_loop3A_774 = vector.shape_cast %parallel_loop3A_773 : vector<16xf32> to vector<16xf32>
      %parallel_loop3A_775 = vector.shape_cast %parallel_loop3A_771 : vector<16xf32> to vector<16xf32>
      tpu.vector_store %arg6[%parallel_loop3A_772], %parallel_loop3A_775 {add = true, strides = array<i32>} : memref<32768xf32, #tpu.memory_space<vmem>>, vector<16xf32>,
    } {sc.loop_unroll_factor = 8 : i64, sc.parallel_access}
    %add3A_624 = arith.constant 4096 : i32
    %add3A_625 = arith.addi %add3A_624, %mul3A_2 : i32
    %add3A_626 = arith.constant 96 : i32
    %add3A_627 = arith.addi %add3A_625, %add3A_626 : i32
    %mul3A_628 = arith.constant 2048 : i32
    %mul3A_629 = arith.muli %add3A_627, %mul3A_628 : i32
    %dma_start3A_630 = tpu.memref_slice %arg4[%mul3A_629] : memref<33554432xf32, #tpu.memory_space<hbm>> -> memref<32768xf32, #tpu.memory_space<hbm>>
    %dma_start3A_631 = tpu.memref_slice %arg4[%mul3A_629] : memref<33554432xf32, #tpu.memory_space<hbm>> -> memref<32768xf32, #tpu.memory_space<hbm>>
    tpu.enqueue_dma source(%arg6 : memref<32768xf32, #tpu.memory_space<vmem>>) target(%dma_start3A_631 : memref<32768xf32, #tpu.memory_space<hbm>>) target_semaphore(%arg11 : memref<!tpu.dma_semaphore, #tpu.memory_space<semaphore_mem>>)
    %dma_wait3A_632 = tpu.memref_slice %arg4[%mul3A_629] : memref<33554432xf32, #tpu.memory_space<hbm>> -> memref<32768xf32, #tpu.memory_space<hbm>>
    %dma_wait3A_633 = tpu.memref_slice %arg4[%mul3A_629] : memref<33554432xf32, #tpu.memory_space<hbm>> -> memref<32768xf32, #tpu.memory_space<hbm>>
    tpu.wait_dma2 semaphore(%arg11 : memref<!tpu.dma_semaphore, #tpu.memory_space<semaphore_mem>>) src(%arg6 : memref<32768xf32, #tpu.memory_space<vmem>>) dst(%dma_wait3A_633 : memref<32768xf32, #tpu.memory_space<hbm>>)
    %add3A_634 = arith.constant 12288 : i32
    %add3A_635 = arith.addi %add3A_634, %mul3A_2 : i32
    %add3A_636 = arith.constant 96 : i32
    %add3A_637 = arith.addi %add3A_635, %add3A_636 : i32
    %mul3A_638 = arith.constant 2048 : i32
    %mul3A_639 = arith.muli %add3A_637, %mul3A_638 : i32
    %dma_start3A_640 = tpu.memref_slice %arg2[%mul3A_639] : memref<33554432xf32, #tpu.memory_space<hbm>> -> memref<32768xf32, #tpu.memory_space<hbm>>
    %dma_start3A_641 = tpu.memref_slice %arg2[%mul3A_639] : memref<33554432xf32, #tpu.memory_space<hbm>> -> memref<32768xf32, #tpu.memory_space<hbm>>
    tpu.enqueue_dma source(%dma_start3A_641 : memref<32768xf32, #tpu.memory_space<hbm>>) target(%arg6 : memref<32768xf32, #tpu.memory_space<vmem>>) target_semaphore(%arg9 : memref<!tpu.dma_semaphore, #tpu.memory_space<semaphore_mem>>)
    %dma_wait3A_642 = tpu.memref_slice %arg2[%mul3A_616] : memref<33554432xf32, #tpu.memory_space<hbm>> -> memref<32768xf32, #tpu.memory_space<hbm>>
    %dma_wait3A_643 = tpu.memref_slice %arg2[%mul3A_616] : memref<33554432xf32, #tpu.memory_space<hbm>> -> memref<32768xf32, #tpu.memory_space<hbm>>
    tpu.wait_dma2 semaphore(%arg8 : memref<!tpu.dma_semaphore, #tpu.memory_space<semaphore_mem>>) src(%dma_wait3A_643 : memref<32768xf32, #tpu.memory_space<hbm>>) dst(%arg5 : memref<32768xf32, #tpu.memory_space<vmem>>)
    %parallel_loop3A_644 = arith.constant 0 : i32
    %parallel_loop3A_645 = arith.constant 32768 : i32
    %parallel_loop3A_646 = arith.constant 16 : i32
    scf.for %parallel_loop3A_768 = %parallel_loop3A_644 to %parallel_loop3A_645 step %parallel_loop3A_646  : i32 {
      %parallel_loop3A_769 = arith.index_cast %parallel_loop3A_768 : i32 to index
      %parallel_loop3A_770 = tpu.vector_load %arg7[%parallel_loop3A_769] {strides = array<i32>} : memref<32768xf32, #tpu.memory_space<vmem>>, vector<16xf32>,
      %parallel_loop3A_771 = vector.shape_cast %parallel_loop3A_770 : vector<16xf32> to vector<16xf32>
      %parallel_loop3A_772 = arith.index_cast %parallel_loop3A_768 : i32 to index
      %parallel_loop3A_773 = tpu.vector_load %arg5[%parallel_loop3A_772] {strides = array<i32>} : memref<32768xf32, #tpu.memory_space<vmem>>, vector<16xf32>,
      %parallel_loop3A_774 = vector.shape_cast %parallel_loop3A_773 : vector<16xf32> to vector<16xf32>
      %parallel_loop3A_775 = vector.shape_cast %parallel_loop3A_771 : vector<16xf32> to vector<16xf32>
      tpu.vector_store %arg5[%parallel_loop3A_772], %parallel_loop3A_775 {add = true, strides = array<i32>} : memref<32768xf32, #tpu.memory_space<vmem>>, vector<16xf32>,
    } {sc.loop_unroll_factor = 8 : i64, sc.parallel_access}
    %add3A_647 = arith.constant 8192 : i32
    %add3A_648 = arith.addi %add3A_647, %mul3A_2 : i32
    %add3A_649 = arith.constant 96 : i32
    %add3A_650 = arith.addi %add3A_648, %add3A_649 : i32
    %mul3A_651 = arith.constant 2048 : i32
    %mul3A_652 = arith.muli %add3A_650, %mul3A_651 : i32
    %dma_start3A_653 = tpu.memref_slice %arg4[%mul3A_652] : memref<33554432xf32, #tpu.memory_space<hbm>> -> memref<32768xf32, #tpu.memory_space<hbm>>
    %dma_start3A_654 = tpu.memref_slice %arg4[%mul3A_652] : memref<33554432xf32, #tpu.memory_space<hbm>> -> memref<32768xf32, #tpu.memory_space<hbm>>
    tpu.enqueue_dma source(%arg5 : memref<32768xf32, #tpu.memory_space<vmem>>) target(%dma_start3A_654 : memref<32768xf32, #tpu.memory_space<hbm>>) target_semaphore(%arg10 : memref<!tpu.dma_semaphore, #tpu.memory_space<semaphore_mem>>)
    %dma_wait3A_655 = tpu.memref_slice %arg4[%mul3A_652] : memref<33554432xf32, #tpu.memory_space<hbm>> -> memref<32768xf32, #tpu.memory_space<hbm>>
    %dma_wait3A_656 = tpu.memref_slice %arg4[%mul3A_652] : memref<33554432xf32, #tpu.memory_space<hbm>> -> memref<32768xf32, #tpu.memory_space<hbm>>
    tpu.wait_dma2 semaphore(%arg10 : memref<!tpu.dma_semaphore, #tpu.memory_space<semaphore_mem>>) src(%arg5 : memref<32768xf32, #tpu.memory_space<vmem>>) dst(%dma_wait3A_656 : memref<32768xf32, #tpu.memory_space<hbm>>)
    %add3A_657 = arith.constant 0 : i32
    %add3A_658 = arith.addi %add3A_657, %mul3A_2 : i32
    %add3A_659 = arith.constant 112 : i32
    %add3A_660 = arith.addi %add3A_658, %add3A_659 : i32
    %mul3A_661 = arith.constant 2048 : i32
    %mul3A_662 = arith.muli %add3A_660, %mul3A_661 : i32
    %dma_start3A_663 = tpu.memref_slice %arg2[%mul3A_662] : memref<33554432xf32, #tpu.memory_space<hbm>> -> memref<32768xf32, #tpu.memory_space<hbm>>
    %dma_start3A_664 = tpu.memref_slice %arg2[%mul3A_662] : memref<33554432xf32, #tpu.memory_space<hbm>> -> memref<32768xf32, #tpu.memory_space<hbm>>
    tpu.enqueue_dma source(%dma_start3A_664 : memref<32768xf32, #tpu.memory_space<hbm>>) target(%arg5 : memref<32768xf32, #tpu.memory_space<vmem>>) target_semaphore(%arg8 : memref<!tpu.dma_semaphore, #tpu.memory_space<semaphore_mem>>)
    %dma_wait3A_665 = tpu.memref_slice %arg2[%mul3A_639] : memref<33554432xf32, #tpu.memory_space<hbm>> -> memref<32768xf32, #tpu.memory_space<hbm>>
    %dma_wait3A_666 = tpu.memref_slice %arg2[%mul3A_639] : memref<33554432xf32, #tpu.memory_space<hbm>> -> memref<32768xf32, #tpu.memory_space<hbm>>
    tpu.wait_dma2 semaphore(%arg9 : memref<!tpu.dma_semaphore, #tpu.memory_space<semaphore_mem>>) src(%dma_wait3A_666 : memref<32768xf32, #tpu.memory_space<hbm>>) dst(%arg6 : memref<32768xf32, #tpu.memory_space<vmem>>)
    %parallel_loop3A_667 = arith.constant 0 : i32
    %parallel_loop3A_668 = arith.constant 32768 : i32
    %parallel_loop3A_669 = arith.constant 16 : i32
    scf.for %parallel_loop3A_768 = %parallel_loop3A_667 to %parallel_loop3A_668 step %parallel_loop3A_669  : i32 {
      %parallel_loop3A_769 = arith.index_cast %parallel_loop3A_768 : i32 to index
      %parallel_loop3A_770 = tpu.vector_load %arg7[%parallel_loop3A_769] {strides = array<i32>} : memref<32768xf32, #tpu.memory_space<vmem>>, vector<16xf32>,
      %parallel_loop3A_771 = vector.shape_cast %parallel_loop3A_770 : vector<16xf32> to vector<16xf32>
      %parallel_loop3A_772 = arith.index_cast %parallel_loop3A_768 : i32 to index
      %parallel_loop3A_773 = tpu.vector_load %arg6[%parallel_loop3A_772] {strides = array<i32>} : memref<32768xf32, #tpu.memory_space<vmem>>, vector<16xf32>,
      %parallel_loop3A_774 = vector.shape_cast %parallel_loop3A_773 : vector<16xf32> to vector<16xf32>
      %parallel_loop3A_775 = vector.shape_cast %parallel_loop3A_771 : vector<16xf32> to vector<16xf32>
      tpu.vector_store %arg6[%parallel_loop3A_772], %parallel_loop3A_775 {add = true, strides = array<i32>} : memref<32768xf32, #tpu.memory_space<vmem>>, vector<16xf32>,
    } {sc.loop_unroll_factor = 8 : i64, sc.parallel_access}
    %add3A_670 = arith.constant 12288 : i32
    %add3A_671 = arith.addi %add3A_670, %mul3A_2 : i32
    %add3A_672 = arith.constant 96 : i32
    %add3A_673 = arith.addi %add3A_671, %add3A_672 : i32
    %mul3A_674 = arith.constant 2048 : i32
    %mul3A_675 = arith.muli %add3A_673, %mul3A_674 : i32
    %dma_start3A_676 = tpu.memref_slice %arg4[%mul3A_675] : memref<33554432xf32, #tpu.memory_space<hbm>> -> memref<32768xf32, #tpu.memory_space<hbm>>
    %dma_start3A_677 = tpu.memref_slice %arg4[%mul3A_675] : memref<33554432xf32, #tpu.memory_space<hbm>> -> memref<32768xf32, #tpu.memory_space<hbm>>
    tpu.enqueue_dma source(%arg6 : memref<32768xf32, #tpu.memory_space<vmem>>) target(%dma_start3A_677 : memref<32768xf32, #tpu.memory_space<hbm>>) target_semaphore(%arg11 : memref<!tpu.dma_semaphore, #tpu.memory_space<semaphore_mem>>)
    %dma_wait3A_678 = tpu.memref_slice %arg4[%mul3A_675] : memref<33554432xf32, #tpu.memory_space<hbm>> -> memref<32768xf32, #tpu.memory_space<hbm>>
    %dma_wait3A_679 = tpu.memref_slice %arg4[%mul3A_675] : memref<33554432xf32, #tpu.memory_space<hbm>> -> memref<32768xf32, #tpu.memory_space<hbm>>
    tpu.wait_dma2 semaphore(%arg11 : memref<!tpu.dma_semaphore, #tpu.memory_space<semaphore_mem>>) src(%arg6 : memref<32768xf32, #tpu.memory_space<vmem>>) dst(%dma_wait3A_679 : memref<32768xf32, #tpu.memory_space<hbm>>)
    %add3A_680 = arith.constant 4096 : i32
    %add3A_681 = arith.addi %add3A_680, %mul3A_2 : i32
    %add3A_682 = arith.constant 112 : i32
    %add3A_683 = arith.addi %add3A_681, %add3A_682 : i32
    %mul3A_684 = arith.constant 2048 : i32
    %mul3A_685 = arith.muli %add3A_683, %mul3A_684 : i32
    %dma_start3A_686 = tpu.memref_slice %arg2[%mul3A_685] : memref<33554432xf32, #tpu.memory_space<hbm>> -> memref<32768xf32, #tpu.memory_space<hbm>>
    %dma_start3A_687 = tpu.memref_slice %arg2[%mul3A_685] : memref<33554432xf32, #tpu.memory_space<hbm>> -> memref<32768xf32, #tpu.memory_space<hbm>>
    tpu.enqueue_dma source(%dma_start3A_687 : memref<32768xf32, #tpu.memory_space<hbm>>) target(%arg6 : memref<32768xf32, #tpu.memory_space<vmem>>) target_semaphore(%arg9 : memref<!tpu.dma_semaphore, #tpu.memory_space<semaphore_mem>>)
    %add3A_688 = arith.constant 112 : i32
    %add3A_689 = arith.addi %mul3A_2, %add3A_688 : i32
    %mul3A_690 = arith.constant 2048 : i32
    %mul3A_691 = arith.muli %add3A_689, %mul3A_690 : i32
    "tpu.region"() ({
      %run_scoped3A = tpu.sem_alloc : memref<!tpu.dma_semaphore, #tpu.memory_space<semaphore_mem>>
      %dma_start3A_768 = tpu.memref_slice %arg3[%mul3A_691] : memref<16777216xf32, #tpu.memory_space<hbm>> -> memref<32768xf32, #tpu.memory_space<hbm>>
      %dma_start3A_769 = tpu.memref_slice %arg3[%mul3A_691] : memref<16777216xf32, #tpu.memory_space<hbm>> -> memref<32768xf32, #tpu.memory_space<hbm>>
      tpu.enqueue_dma source(%dma_start3A_769 : memref<32768xf32, #tpu.memory_space<hbm>>) target(%arg7 : memref<32768xf32, #tpu.memory_space<vmem>>) target_semaphore(%run_scoped3A : memref<!tpu.dma_semaphore, #tpu.memory_space<semaphore_mem>>)
      %dma_wait3A_770 = tpu.memref_slice %arg3[%mul3A_691] : memref<16777216xf32, #tpu.memory_space<hbm>> -> memref<32768xf32, #tpu.memory_space<hbm>>
      %dma_wait3A_771 = tpu.memref_slice %arg3[%mul3A_691] : memref<16777216xf32, #tpu.memory_space<hbm>> -> memref<32768xf32, #tpu.memory_space<hbm>>
      tpu.wait_dma2 semaphore(%run_scoped3A : memref<!tpu.dma_semaphore, #tpu.memory_space<semaphore_mem>>) src(%dma_wait3A_771 : memref<32768xf32, #tpu.memory_space<hbm>>) dst(%arg7 : memref<32768xf32, #tpu.memory_space<vmem>>)
      tpu.yield
    }) : () -> ()
    %dma_wait3A_692 = tpu.memref_slice %arg2[%mul3A_662] : memref<33554432xf32, #tpu.memory_space<hbm>> -> memref<32768xf32, #tpu.memory_space<hbm>>
    %dma_wait3A_693 = tpu.memref_slice %arg2[%mul3A_662] : memref<33554432xf32, #tpu.memory_space<hbm>> -> memref<32768xf32, #tpu.memory_space<hbm>>
    tpu.wait_dma2 semaphore(%arg8 : memref<!tpu.dma_semaphore, #tpu.memory_space<semaphore_mem>>) src(%dma_wait3A_693 : memref<32768xf32, #tpu.memory_space<hbm>>) dst(%arg5 : memref<32768xf32, #tpu.memory_space<vmem>>)
    %parallel_loop3A_694 = arith.constant 0 : i32
    %parallel_loop3A_695 = arith.constant 32768 : i32
    %parallel_loop3A_696 = arith.constant 16 : i32
    scf.for %parallel_loop3A_768 = %parallel_loop3A_694 to %parallel_loop3A_695 step %parallel_loop3A_696  : i32 {
      %parallel_loop3A_769 = arith.index_cast %parallel_loop3A_768 : i32 to index
      %parallel_loop3A_770 = tpu.vector_load %arg7[%parallel_loop3A_769] {strides = array<i32>} : memref<32768xf32, #tpu.memory_space<vmem>>, vector<16xf32>,
      %parallel_loop3A_771 = vector.shape_cast %parallel_loop3A_770 : vector<16xf32> to vector<16xf32>
      %parallel_loop3A_772 = arith.index_cast %parallel_loop3A_768 : i32 to index
      %parallel_loop3A_773 = tpu.vector_load %arg5[%parallel_loop3A_772] {strides = array<i32>} : memref<32768xf32, #tpu.memory_space<vmem>>, vector<16xf32>,
      %parallel_loop3A_774 = vector.shape_cast %parallel_loop3A_773 : vector<16xf32> to vector<16xf32>
      %parallel_loop3A_775 = vector.shape_cast %parallel_loop3A_771 : vector<16xf32> to vector<16xf32>
      tpu.vector_store %arg5[%parallel_loop3A_772], %parallel_loop3A_775 {add = true, strides = array<i32>} : memref<32768xf32, #tpu.memory_space<vmem>>, vector<16xf32>,
    } {sc.loop_unroll_factor = 8 : i64, sc.parallel_access}
    %add3A_697 = arith.constant 0 : i32
    %add3A_698 = arith.addi %add3A_697, %mul3A_2 : i32
    %add3A_699 = arith.constant 112 : i32
    %add3A_700 = arith.addi %add3A_698, %add3A_699 : i32
    %mul3A_701 = arith.constant 2048 : i32
    %mul3A_702 = arith.muli %add3A_700, %mul3A_701 : i32
    %dma_start3A_703 = tpu.memref_slice %arg4[%mul3A_702] : memref<33554432xf32, #tpu.memory_space<hbm>> -> memref<32768xf32, #tpu.memory_space<hbm>>
    %dma_start3A_704 = tpu.memref_slice %arg4[%mul3A_702] : memref<33554432xf32, #tpu.memory_space<hbm>> -> memref<32768xf32, #tpu.memory_space<hbm>>
    tpu.enqueue_dma source(%arg5 : memref<32768xf32, #tpu.memory_space<vmem>>) target(%dma_start3A_704 : memref<32768xf32, #tpu.memory_space<hbm>>) target_semaphore(%arg10 : memref<!tpu.dma_semaphore, #tpu.memory_space<semaphore_mem>>)
    %dma_wait3A_705 = tpu.memref_slice %arg4[%mul3A_702] : memref<33554432xf32, #tpu.memory_space<hbm>> -> memref<32768xf32, #tpu.memory_space<hbm>>
    %dma_wait3A_706 = tpu.memref_slice %arg4[%mul3A_702] : memref<33554432xf32, #tpu.memory_space<hbm>> -> memref<32768xf32, #tpu.memory_space<hbm>>
    tpu.wait_dma2 semaphore(%arg10 : memref<!tpu.dma_semaphore, #tpu.memory_space<semaphore_mem>>) src(%arg5 : memref<32768xf32, #tpu.memory_space<vmem>>) dst(%dma_wait3A_706 : memref<32768xf32, #tpu.memory_space<hbm>>)
    %add3A_707 = arith.constant 8192 : i32
    %add3A_708 = arith.addi %add3A_707, %mul3A_2 : i32
    %add3A_709 = arith.constant 112 : i32
    %add3A_710 = arith.addi %add3A_708, %add3A_709 : i32
    %mul3A_711 = arith.constant 2048 : i32
    %mul3A_712 = arith.muli %add3A_710, %mul3A_711 : i32
    %dma_start3A_713 = tpu.memref_slice %arg2[%mul3A_712] : memref<33554432xf32, #tpu.memory_space<hbm>> -> memref<32768xf32, #tpu.memory_space<hbm>>
    %dma_start3A_714 = tpu.memref_slice %arg2[%mul3A_712] : memref<33554432xf32, #tpu.memory_space<hbm>> -> memref<32768xf32, #tpu.memory_space<hbm>>
    tpu.enqueue_dma source(%dma_start3A_714 : memref<32768xf32, #tpu.memory_space<hbm>>) target(%arg5 : memref<32768xf32, #tpu.memory_space<vmem>>) target_semaphore(%arg8 : memref<!tpu.dma_semaphore, #tpu.memory_space<semaphore_mem>>)
    %dma_wait3A_715 = tpu.memref_slice %arg2[%mul3A_685] : memref<33554432xf32, #tpu.memory_space<hbm>> -> memref<32768xf32, #tpu.memory_space<hbm>>
    %dma_wait3A_716 = tpu.memref_slice %arg2[%mul3A_685] : memref<33554432xf32, #tpu.memory_space<hbm>> -> memref<32768xf32, #tpu.memory_space<hbm>>
    tpu.wait_dma2 semaphore(%arg9 : memref<!tpu.dma_semaphore, #tpu.memory_space<semaphore_mem>>) src(%dma_wait3A_716 : memref<32768xf32, #tpu.memory_space<hbm>>) dst(%arg6 : memref<32768xf32, #tpu.memory_space<vmem>>)
    %parallel_loop3A_717 = arith.constant 0 : i32
    %parallel_loop3A_718 = arith.constant 32768 : i32
    %parallel_loop3A_719 = arith.constant 16 : i32
    scf.for %parallel_loop3A_768 = %parallel_loop3A_717 to %parallel_loop3A_718 step %parallel_loop3A_719  : i32 {
      %parallel_loop3A_769 = arith.index_cast %parallel_loop3A_768 : i32 to index
      %parallel_loop3A_770 = tpu.vector_load %arg7[%parallel_loop3A_769] {strides = array<i32>} : memref<32768xf32, #tpu.memory_space<vmem>>, vector<16xf32>,
      %parallel_loop3A_771 = vector.shape_cast %parallel_loop3A_770 : vector<16xf32> to vector<16xf32>
      %parallel_loop3A_772 = arith.index_cast %parallel_loop3A_768 : i32 to index
      %parallel_loop3A_773 = tpu.vector_load %arg6[%parallel_loop3A_772] {strides = array<i32>} : memref<32768xf32, #tpu.memory_space<vmem>>, vector<16xf32>,
      %parallel_loop3A_774 = vector.shape_cast %parallel_loop3A_773 : vector<16xf32> to vector<16xf32>
      %parallel_loop3A_775 = vector.shape_cast %parallel_loop3A_771 : vector<16xf32> to vector<16xf32>
      tpu.vector_store %arg6[%parallel_loop3A_772], %parallel_loop3A_775 {add = true, strides = array<i32>} : memref<32768xf32, #tpu.memory_space<vmem>>, vector<16xf32>,
    } {sc.loop_unroll_factor = 8 : i64, sc.parallel_access}
    %add3A_720 = arith.constant 4096 : i32
    %add3A_721 = arith.addi %add3A_720, %mul3A_2 : i32
    %add3A_722 = arith.constant 112 : i32
    %add3A_723 = arith.addi %add3A_721, %add3A_722 : i32
    %mul3A_724 = arith.constant 2048 : i32
    %mul3A_725 = arith.muli %add3A_723, %mul3A_724 : i32
    %dma_start3A_726 = tpu.memref_slice %arg4[%mul3A_725] : memref<33554432xf32, #tpu.memory_space<hbm>> -> memref<32768xf32, #tpu.memory_space<hbm>>
    %dma_start3A_727 = tpu.memref_slice %arg4[%mul3A_725] : memref<33554432xf32, #tpu.memory_space<hbm>> -> memref<32768xf32, #tpu.memory_space<hbm>>
    tpu.enqueue_dma source(%arg6 : memref<32768xf32, #tpu.memory_space<vmem>>) target(%dma_start3A_727 : memref<32768xf32, #tpu.memory_space<hbm>>) target_semaphore(%arg11 : memref<!tpu.dma_semaphore, #tpu.memory_space<semaphore_mem>>)
    %dma_wait3A_728 = tpu.memref_slice %arg4[%mul3A_725] : memref<33554432xf32, #tpu.memory_space<hbm>> -> memref<32768xf32, #tpu.memory_space<hbm>>
    %dma_wait3A_729 = tpu.memref_slice %arg4[%mul3A_725] : memref<33554432xf32, #tpu.memory_space<hbm>> -> memref<32768xf32, #tpu.memory_space<hbm>>
    tpu.wait_dma2 semaphore(%arg11 : memref<!tpu.dma_semaphore, #tpu.memory_space<semaphore_mem>>) src(%arg6 : memref<32768xf32, #tpu.memory_space<vmem>>) dst(%dma_wait3A_729 : memref<32768xf32, #tpu.memory_space<hbm>>)
    %add3A_730 = arith.constant 12288 : i32
    %add3A_731 = arith.addi %add3A_730, %mul3A_2 : i32
    %add3A_732 = arith.constant 112 : i32
    %add3A_733 = arith.addi %add3A_731, %add3A_732 : i32
    %mul3A_734 = arith.constant 2048 : i32
    %mul3A_735 = arith.muli %add3A_733, %mul3A_734 : i32
    %dma_start3A_736 = tpu.memref_slice %arg2[%mul3A_735] : memref<33554432xf32, #tpu.memory_space<hbm>> -> memref<32768xf32, #tpu.memory_space<hbm>>
    %dma_start3A_737 = tpu.memref_slice %arg2[%mul3A_735] : memref<33554432xf32, #tpu.memory_space<hbm>> -> memref<32768xf32, #tpu.memory_space<hbm>>
    tpu.enqueue_dma source(%dma_start3A_737 : memref<32768xf32, #tpu.memory_space<hbm>>) target(%arg6 : memref<32768xf32, #tpu.memory_space<vmem>>) target_semaphore(%arg9 : memref<!tpu.dma_semaphore, #tpu.memory_space<semaphore_mem>>)
    %dma_wait3A_738 = tpu.memref_slice %arg2[%mul3A_712] : memref<33554432xf32, #tpu.memory_space<hbm>> -> memref<32768xf32, #tpu.memory_space<hbm>>
    %dma_wait3A_739 = tpu.memref_slice %arg2[%mul3A_712] : memref<33554432xf32, #tpu.memory_space<hbm>> -> memref<32768xf32, #tpu.memory_space<hbm>>
    tpu.wait_dma2 semaphore(%arg8 : memref<!tpu.dma_semaphore, #tpu.memory_space<semaphore_mem>>) src(%dma_wait3A_739 : memref<32768xf32, #tpu.memory_space<hbm>>) dst(%arg5 : memref<32768xf32, #tpu.memory_space<vmem>>)
    %parallel_loop3A_740 = arith.constant 0 : i32
    %parallel_loop3A_741 = arith.constant 32768 : i32
    %parallel_loop3A_742 = arith.constant 16 : i32
    scf.for %parallel_loop3A_768 = %parallel_loop3A_740 to %parallel_loop3A_741 step %parallel_loop3A_742  : i32 {
      %parallel_loop3A_769 = arith.index_cast %parallel_loop3A_768 : i32 to index
      %parallel_loop3A_770 = tpu.vector_load %arg7[%parallel_loop3A_769] {strides = array<i32>} : memref<32768xf32, #tpu.memory_space<vmem>>, vector<16xf32>,
      %parallel_loop3A_771 = vector.shape_cast %parallel_loop3A_770 : vector<16xf32> to vector<16xf32>
      %parallel_loop3A_772 = arith.index_cast %parallel_loop3A_768 : i32 to index
      %parallel_loop3A_773 = tpu.vector_load %arg5[%parallel_loop3A_772] {strides = array<i32>} : memref<32768xf32, #tpu.memory_space<vmem>>, vector<16xf32>,
      %parallel_loop3A_774 = vector.shape_cast %parallel_loop3A_773 : vector<16xf32> to vector<16xf32>
      %parallel_loop3A_775 = vector.shape_cast %parallel_loop3A_771 : vector<16xf32> to vector<16xf32>
      tpu.vector_store %arg5[%parallel_loop3A_772], %parallel_loop3A_775 {add = true, strides = array<i32>} : memref<32768xf32, #tpu.memory_space<vmem>>, vector<16xf32>,
    } {sc.loop_unroll_factor = 8 : i64, sc.parallel_access}
    %add3A_743 = arith.constant 8192 : i32
    %add3A_744 = arith.addi %add3A_743, %mul3A_2 : i32
    %add3A_745 = arith.constant 112 : i32
    %add3A_746 = arith.addi %add3A_744, %add3A_745 : i32
    %mul3A_747 = arith.constant 2048 : i32
    %mul3A_748 = arith.muli %add3A_746, %mul3A_747 : i32
    %dma_start3A_749 = tpu.memref_slice %arg4[%mul3A_748] : memref<33554432xf32, #tpu.memory_space<hbm>> -> memref<32768xf32, #tpu.memory_space<hbm>>
    %dma_start3A_750 = tpu.memref_slice %arg4[%mul3A_748] : memref<33554432xf32, #tpu.memory_space<hbm>> -> memref<32768xf32, #tpu.memory_space<hbm>>
    tpu.enqueue_dma source(%arg5 : memref<32768xf32, #tpu.memory_space<vmem>>) target(%dma_start3A_750 : memref<32768xf32, #tpu.memory_space<hbm>>) target_semaphore(%arg10 : memref<!tpu.dma_semaphore, #tpu.memory_space<semaphore_mem>>)
    %dma_wait3A_751 = tpu.memref_slice %arg2[%mul3A_735] : memref<33554432xf32, #tpu.memory_space<hbm>> -> memref<32768xf32, #tpu.memory_space<hbm>>
    %dma_wait3A_752 = tpu.memref_slice %arg2[%mul3A_735] : memref<33554432xf32, #tpu.memory_space<hbm>> -> memref<32768xf32, #tpu.memory_space<hbm>>
    tpu.wait_dma2 semaphore(%arg9 : memref<!tpu.dma_semaphore, #tpu.memory_space<semaphore_mem>>) src(%dma_wait3A_752 : memref<32768xf32, #tpu.memory_space<hbm>>) dst(%arg6 : memref<32768xf32, #tpu.memory_space<vmem>>)
    %parallel_loop3A_753 = arith.constant 0 : i32
    %parallel_loop3A_754 = arith.constant 32768 : i32
    %parallel_loop3A_755 = arith.constant 16 : i32
    scf.for %parallel_loop3A_768 = %parallel_loop3A_753 to %parallel_loop3A_754 step %parallel_loop3A_755  : i32 {
      %parallel_loop3A_769 = arith.index_cast %parallel_loop3A_768 : i32 to index
      %parallel_loop3A_770 = tpu.vector_load %arg7[%parallel_loop3A_769] {strides = array<i32>} : memref<32768xf32, #tpu.memory_space<vmem>>, vector<16xf32>,
      %parallel_loop3A_771 = vector.shape_cast %parallel_loop3A_770 : vector<16xf32> to vector<16xf32>
      %parallel_loop3A_772 = arith.index_cast %parallel_loop3A_768 : i32 to index
      %parallel_loop3A_773 = tpu.vector_load %arg6[%parallel_loop3A_772] {strides = array<i32>} : memref<32768xf32, #tpu.memory_space<vmem>>, vector<16xf32>,
      %parallel_loop3A_774 = vector.shape_cast %parallel_loop3A_773 : vector<16xf32> to vector<16xf32>
      %parallel_loop3A_775 = vector.shape_cast %parallel_loop3A_771 : vector<16xf32> to vector<16xf32>
      tpu.vector_store %arg6[%parallel_loop3A_772], %parallel_loop3A_775 {add = true, strides = array<i32>} : memref<32768xf32, #tpu.memory_space<vmem>>, vector<16xf32>,
    } {sc.loop_unroll_factor = 8 : i64, sc.parallel_access}
    %add3A_756 = arith.constant 12288 : i32
    %add3A_757 = arith.addi %add3A_756, %mul3A_2 : i32
    %add3A_758 = arith.constant 112 : i32
    %add3A_759 = arith.addi %add3A_757, %add3A_758 : i32
    %mul3A_760 = arith.constant 2048 : i32
    %mul3A_761 = arith.muli %add3A_759, %mul3A_760 : i32
    %dma_start3A_762 = tpu.memref_slice %arg4[%mul3A_761] : memref<33554432xf32, #tpu.memory_space<hbm>> -> memref<32768xf32, #tpu.memory_space<hbm>>
    %dma_start3A_763 = tpu.memref_slice %arg4[%mul3A_761] : memref<33554432xf32, #tpu.memory_space<hbm>> -> memref<32768xf32, #tpu.memory_space<hbm>>
    tpu.enqueue_dma source(%arg6 : memref<32768xf32, #tpu.memory_space<vmem>>) target(%dma_start3A_763 : memref<32768xf32, #tpu.memory_space<hbm>>) target_semaphore(%arg11 : memref<!tpu.dma_semaphore, #tpu.memory_space<semaphore_mem>>)
    %dma_wait3A_764 = tpu.memref_slice %arg4[%mul3A_761] : memref<33554432xf32, #tpu.memory_space<hbm>> -> memref<32768xf32, #tpu.memory_space<hbm>>
    %dma_wait3A_765 = tpu.memref_slice %arg4[%mul3A_761] : memref<33554432xf32, #tpu.memory_space<hbm>> -> memref<32768xf32, #tpu.memory_space<hbm>>
    tpu.wait_dma2 semaphore(%arg11 : memref<!tpu.dma_semaphore, #tpu.memory_space<semaphore_mem>>) src(%arg6 : memref<32768xf32, #tpu.memory_space<vmem>>) dst(%dma_wait3A_765 : memref<32768xf32, #tpu.memory_space<hbm>>)
    %dma_wait3A_766 = tpu.memref_slice %arg4[%mul3A_748] : memref<33554432xf32, #tpu.memory_space<hbm>> -> memref<32768xf32, #tpu.memory_space<hbm>>
    %dma_wait3A_767 = tpu.memref_slice %arg4[%mul3A_748] : memref<33554432xf32, #tpu.memory_space<hbm>> -> memref<32768xf32, #tpu.memory_space<hbm>>
    tpu.wait_dma2 semaphore(%arg10 : memref<!tpu.dma_semaphore, #tpu.memory_space<semaphore_mem>>) src(%arg5 : memref<32768xf32, #tpu.memory_space<vmem>>) dst(%dma_wait3A_767 : memref<32768xf32, #tpu.memory_space<hbm>>)
    return
  }
}

</mosaic_0001>

<sc_bundles>
// kernel: kernel.3.cloned.1.call-start
scs
__scs_entry_jumppad:
0x0: {  	(pc) =	sbr.rel $0x88, $3  }
0x1: {  	(tag) =	ssettag $0x0;
	lr =	simm.s32 $0x1  }
0x2: {  	[smem:$0x3F9F] =	sst lr;
	_ =	strace $0xD0000000  }
0x3: {  	_ = 	snop  }
0x4: {  	_ = 	snop  }
0x5: {  	_ = 	snop  }
0x6: {  	_ = 	snop  }
0x7: {  	_ = 	snop  }
__scs_overlays_trampoline_lowered:
0x8: {  	[smem:$0x3FAE] =	sst s0  }
0x9: {  	[smem:$0x3FAF] =	sst s1  }
0xa: {  	[smem:$0x3FB0] =	sst s2  }
0xb: {  	[smem:$0x3FB1] =	sst s3  }
0xc: {  	[smem:$0x3FB2] =	sst s4  }
0xd: {  	[smem:$0x3FB3] =	sst s5  }
0xe: {  	[smem:$0x3FB4] =	sst s6  }
0xf: {  	[smem:$0x3FB5] =	sst s7  }
0x10: {  	[smem:$0x3FB6] =	sst s8  }
0x11: {  	[smem:$0x3FB7] =	sst s9;
	s0 =	simm.s32 @!p0 $0x0  }
0x12: {  	s1 =	sld [smem:$0x3F9D];
	s0 =	simm.s32 @p0 $0x1  }
0x13: {  	[smem:$0x3FB8] =	sst s0;
	s0 =	simm.s32 @!p1 $0x0  }
0x14: {  	s2 =	sld [smem:$0x3F9C];
	s0 =	simm.s32 @p1 $0x1  }
0x15: {  	[smem:$0x3FB9] =	sst s0;
	s0 =	simm.s32 @!p2 $0x0  }
0x16: {  	s3 =	sld [smem:$0x3FDB];
	s0 =	simm.s32 @p2 $0x1  }
0x17: {  	s4 =	simm.s32 $0x1BF5;
	[smem:$0x3FBB] =	sst s0  }
0x18: {  	s0 =	sld [smem:$0x3F9E];
	_ =	swait.ge [sflag:s4], $0x0  }
0x19: {  	s7 =	sld [smem:$0x3F9F]  }
0x1a: {  	s8 =	sadd.s32 $0xFFFFE003, lr  }
0x1b: {  	s9 =	sadd.s32 $0xFFFFFEF7, lr;
	s5 =	simm.s32 $0xFFFFFFFF;
	p2 =	slt.u32 s8, $0xFFFFF086  }
0x1c: {  	p1 =	slt.u32 s9, $0xF7A;
	s5 =	simm.s32 @!p2 $0x0  }
0x1d: {  	s5 =	simm.s32 @p1 $0x1;
	p0 =	seq.s32 s7, s2  }
0x1e: {  	s7 =	smul.u32 @!p0 $0xF7A, s2;
	p2 =	seq.s32 @!p0 s5, $0x0  }
0x1f: {  	s9 =	smul.u32 $0xF7A, s1;
	s8 =	simm.s32 @!p0 $0x1BF5;
	p2 =	por !p2, p0  }
0x20: {  	[sflag:s8] =	ssyncset.s32 @!p0 $0xFFFFF086;
	s6 =	sadd.s32 @!p0 s3, s7;
	s7 =	simm.s32 @!p0 $0x108  }
0x21: {  	s3 =	sadd.s32 s3, s9;
	s6 =	sadd.s32 @!p0 $0x88, s6;
	s7 =	simm.s32 @p2 $0x1082  }
0x22: {  	[simem:s7], [sflag:s8] =	dma.local @!p0 [hbm:s6], $0xF7A  }
0x23: {  	s9 =	sor.u32 $0xD0000000, s2;
	s6 =	simm.s32 $0x108;
	_ =	swait.ge @!p0 [sflag:s8], $0x0  }
0x24: {  	s3 =	sadd.s32 $0x88, s3;
	s6 =	simm.s32 @!p1 $0x1082;
	[sflag:s4] =	ssyncset.s32 $0xFFFFF086  }
0x25: {  	[simem:s6], [sflag:s4] =	dma.local [hbm:s3], $0xF7A  }
0x26: {  	[smem:$0x3F9F] =	sst s1;
	(tag) =	ssettag s2;
	_ =	strace s9  }
0x27: {  	s1 =	sld [smem:$0x3FAF]  }
0x28: {  	s2 =	sld [smem:$0x3FB0]  }
0x29: {  	s4 =	sld [smem:$0x3FB2]  }
0x2a: {  	p0 =	seq.s32 s5, $0x0;
	s5 =	sld [smem:$0x3FB3]  }
0x2b: {  	s6 =	sld [smem:$0x3FB4]  }
0x2c: {  	s7 =	sld [smem:$0x3FB5]  }
0x2d: {  	s3 =	simm.s32 $0x108;
	s8 =	sld [smem:$0x3FB6]  }
0x2e: {  	s3 =	simm.s32 @!p0 $0x1082;
	s9 =	sld [smem:$0x3FB7]  }
0x2f: {  	lr =	sadd.s32 s0, s3;
	s0 =	sld [smem:$0x3FAE]  }
0x30: {  	s3 =	sld [smem:$0x3FB1]  }
0x31: {  	[smem:$0x3FBA] =	sst s10  }
0x32: {  	s10 =	sld [smem:$0x3FB8];
	_ =	sdelay $0x3  }
0x33: {  	p0 =	seq.s32 s10, $0x1;
	s10 =	sld [smem:$0x3FBA];
	_ =	sdelay $0x3  }
0x34: {  	[smem:$0x3FBA] =	sst s10  }
0x35: {  	s10 =	sld [smem:$0x3FB9];
	_ =	sdelay $0x3  }
0x36: {  	p1 =	seq.s32 s10, $0x1;
	s10 =	sld [smem:$0x3FBA];
	_ =	sdelay $0x3  }
0x37: {  	[smem:$0x3FBA] =	sst s10  }
0x38: {  	s10 =	sld [smem:$0x3FBB]  }
0x39: {  	_ = 	snop;
	(pc) =	sbr.ind lr, $3  }
0x3a: {  	_ = 	snop  }
0x3b: {  	_ = 	snop  }
0x3c: {  	p2 =	seq.s32 s10, $0x1;
	s10 =	sld [smem:$0x3FBA]  }
0x3d: {  	_ =	shalt  }
0x3e: {  	_ =	shalt  }
0x3f: {  	_ =	shalt  }
0x40: {  	_ =	shalt  }
0x41: {  	_ =	shalt  }
0x42: {  	_ =	shalt  }
0x43: {  	_ =	shalt  }
0x44: {  	_ =	shalt  }
0x45: {  	_ =	shalt  }
0x46: {  	_ =	shalt  }
0x47: {  	_ =	shalt  }
0x48: {  	_ =	shalt  }
0x49: {  	_ =	shalt  }
0x4a: {  	_ =	shalt  }
0x4b: {  	_ =	shalt  }
0x4c: {  	_ =	shalt  }
0x4d: {  	_ =	shalt  }
0x4e: {  	_ =	shalt  }
0x4f: {  	_ =	shalt  }
0x50: {  	_ =	shalt  }
0x51: {  	_ =	shalt  }
0x52: {  	_ =	shalt  }
0x53: {  	_ =	shalt  }
0x54: {  	_ =	shalt  }
0x55: {  	_ =	shalt  }
0x56: {  	_ =	shalt  }
0x57: {  	_ =	shalt  }
0x58: {  	_ =	shalt  }
0x59: {  	_ =	shalt  }
0x5a: {  	_ =	shalt  }
0x5b: {  	_ =	shalt  }
0x5c: {  	_ =	shalt  }
0x5d: {  	_ =	shalt  }
0x5e: {  	_ =	shalt  }
0x5f: {  	_ =	shalt  }
0x60: {  	_ =	shalt  }
0x61: {  	_ =	shalt  }
0x62: {  	_ =	shalt  }
0x63: {  	_ =	shalt  }
0x64: {  	_ =	shalt  }
0x65: {  	_ =	shalt  }
0x66: {  	_ =	shalt  }
0x67: {  	_ =	shalt  }
0x68: {  	_ =	shalt  }
0x69: {  	_ =	shalt  }
0x6a: {  	_ =	shalt  }
0x6b: {  	_ =	shalt  }
0x6c: {  	_ =	shalt  }
0x6d: {  	_ =	shalt  }
0x6e: {  	_ =	shalt  }
0x6f: {  	_ =	shalt  }
0x70: {  	_ =	shalt  }
0x71: {  	_ =	shalt  }
0x72: {  	_ =	shalt  }
0x73: {  	_ =	shalt  }
0x74: {  	_ =	shalt  }
0x75: {  	_ =	shalt  }
0x76: {  	_ =	shalt  }
0x77: {  	_ =	shalt  }
0x78: {  	_ =	shalt  }
0x79: {  	_ =	shalt  }
0x7a: {  	_ =	shalt  }
0x7b: {  	_ =	shalt  }
0x7c: {  	_ =	shalt  }
0x7d: {  	_ =	shalt  }
0x7e: {  	_ =	shalt  }
0x7f: {  	_ =	shalt  }
0x80: {  	_ =	shalt  }
0x81: {  	_ =	shalt  }
0x82: {  	_ =	shalt  }
0x83: {  	_ =	shalt  }
0x84: {  	_ =	shalt  }
0x85: {  	_ =	shalt  }
0x86: {  	_ =	shalt  }
0x87: {  	_ =	shalt  }
.Lfunc_end0:
.L_simem_size_0:
called_computation.2_lowered:
.L_overlay_start_0:
0x88: {  	s2 =	sld [smem:$0x3FD9]  }
0x89: {  	s3 =	sld [smem:$0x3FFE];
	_ =	sdelay $0x1  }
0x8a: {  	s1 =	srdreg.scid  }
0x8b: {  	s0 =	sand.u32 $0x1, s1  }
0x8c: {  	s17 =	sshll.u32 s0, $0xA;
	s2 =	sadd.s32 s3, s2  }
0x8d: {  	s2 =	sadd.s32 s2, s17  }
0x8e: {  	[smem:$0x3FC6] =	sst s2  }
0x8f: {  	_ = 	snop  }
0x90: {  	s2 =	sld [smem:$0x3FD0];
	(tm) =	ssettm $0x1  }
0x91: {  	s18 =	sld [smem:$0x3FFB];
	_ =	sdelay $0x3  }
0x92: {  	_ =	strace s18  }
0x93: {  	s3 =	sld [smem:$0x3FFC];
	_ =	sdelay $0x3  }
0x94: {  	_ =	strace s3  }
0x95: {  	s3 =	sld [smem:$0x3FFD];
	_ =	sdelay $0x3  }
0x96: {  	_ =	strace s3  }
0x97: {  	_ =	strace $0x8FFFFFFF  }
0x98: {  	s19 =	sld [smem:$0x3FDB];
	_ =	sdelay $0x1  }
0x99: {  	s4 =	simm.s32 $_scs_section_size  }
0x9a: {  	s5 =	simm.s32 $_size__tile_overlayer_lowered;
	s6 =	simm.s32 $_tile_overlayer_lowered  }
0x9b: {  	s22 =	simm.s32 $0x1BFF;
	s21 =	sshll.u32 s6, $0x1;
	s3 =	sadd.s32 s4, s19  }
0x9c: {  	s7 =	simm.s32 $0x0;
	s20 =	sshll.u32 s5, $0x1;
	s5 =	sadd.s32 s21, s3  }
0x9d: {  	[timem:s7], [sflag:s22] =	dma.local [hbm:s5], s20  }
0x9e: {  	_ =	swait.ge [sflag:s22], s20  }
0x9f: {  	s4 =	ssub.s32 $0x0, s20;
	[sflag:s22] =	ssyncset.done $0x0  }
0xa0: {  	[sflag:s22] =	ssyncadd.s32 s4;
	_ =	sdelay $0x1  }
0xa1: {  	s23 =	simm.s32 $0x1B8B  }
0xa2: {  	_ =	swait.ge [sflag:s23], $0x1  }
0xa3: {  	[sflag:s23] =	ssyncset.done $0x0  }
0xa4: {  	s25 =	simm.s32 $0x1B8E;
	s24 =	sld [smem:$0x3FFE];
	[sflag:s23] =	ssyncadd.s32 $0xFFFFFFFF  }
0xa5: {  	s26 =	simm.s32 $execute0_lowered;
	[smem:$0x3FD2] =	sst s25  }
0xa6: {  	s5 =	sshll.u32 s26, $0x1;
	_ =	strace $0x8000004C;
	[dreg:$0x1] =	wrdreg $0xFFFFFFFF  }
0xa7: {  	s28 =	simm.s32 $_size_execute0_lowered;
	s3 =	sadd.s32 s3, s5;
	[dreg:$0x0] =	wrdreg $0x0  }
0xa8: {  	s5 =	sshll.u32 s28, $0x1;
	[dreg:$0x2] =	wrdreg s3  }
0xa9: {  	[dreg:$0x3] =	wrdreg s5  }
0xaa: {  	[dreg:$0x4] =	wrdreg $0xC0  }
0xab: {  	_ =	task [dreg:s7], $0x5FFFF  }
0xac: {  	[dreg:$0x1] =	wrdreg $0xFFFFFFFF  }
0xad: {  	[dreg:$0x0] =	wrdreg $0x60  }
0xae: {  	[dreg:$0x2] =	wrdreg s2  }
0xaf: {  	[dreg:$0x3] =	wrdreg s24  }
0xb0: {  	[dreg:$0x4] =	wrdreg $0x9  }
0xb1: {  	_ =	task.clear_ibuf [dreg:s7], $0x5FFFF;
	_ =	strace $0x9000004C  }
0xb2: {  	s29 =	simm.s32 $0x9;
	_ =	strace $0x8000004E  }
0xb3: {  	_ =	swait.ge [sflag:s29], $0x1  }
0xb4: {  	[sflag:s29] =	ssyncadd.s32 $0xFFFFFFFF  }
0xb5: {  	_ =	strace $0x9000004E  }
0xb6: {  	_ =	sfence  }
0xb7: {  	s30 =	sld [smem:$0x0];
	_ =	sdelay $0x2  }
0xb8: {  	s31 =	sshll.u32 s1, $0xD;
	s1 =	sshrl.u32 s1, $0x2  }
0xb9: {  	s3 =	sand.u32 $0x4000, s31;
	s1 =	sadd.s32 s1, s30  }
0xba: {  	s0 =	sor.u32 s3, s0;
	s1 =	sshll.u32 s1, $0x11  }
0xbb: {  	s0 =	sor.u32 s1, s0  }
0xbc: {  	s0 =	sadd.s32 $0x8F2B, s0  }
0xbd: {  	[sflag:s0] =	ssyncadd.remote.s32 $0x1  }
0xbe: {  	_ =	sfence.sel $0xFFFF  }
0xbf: {  	[dreg:$0x0] =	wrdreg $0xFFFFFFFF;
	(pc) =	sbr.abs _section_cstart, $3  }
0xc0: {  	[dreg:$0x1] =	wrdreg $0xFFFFFFFF  }
0xc1: {  	_ =	task.clear_ibuf [dreg:s7], $0x2FFFF;
	_ =	strace $0x9FFFFFFF  }
0xc2: {  	(tm) =	ssettm $0x7FFFFFFF  }
0xc3: {  	_ =	shalt  }
tec
execute0_lowered:
.L_overlay_start_1:
0x0: {  	(tag) =	ssettag $0x1  }
0x1: {  	s2 =	srdreg.scid  }
0x2: {  	s3 =	stileid.u32;
	s2 =	sand.u32 $0x1, s2  }
0x3: {  	s11 =	rddreg [dreg:$0x0];
	s4 =	sshll.u32 s3, $0x10;
	s5 =	sshll.u32 s2, $0xF  }
0x4: {  	s0 =	rddreg [dreg:$0x1];
	s1 =	simm.s32 $0x0;
	s10 =	sor.u32 s5, s4  }
0x5: {  	[smem:$0x7FF] =	sst s1;
	s3 =	sadd.s32 $0xC00, s0;
	s4 =	sor.u32 $0x100000, s10  }
0x6: {  	s13 =	sadd.s32 $0x200C00, s0;
	s25 =	sor.u32 $0x200000, s10;
	s24 =	sadd.s32 s11, s4  }
0x7: {  	s2 =	ssub.s32 $0x2, s2;
	s26 =	sadd.s32 s11, s25;
	[dreg:$0x3] =	wrdreg s24  }
0x8: {  	s5 =	sor.u32 $0x300000, s10;
	s4 =	sadd.s32 s13, s4;
	[dreg:$0x4] =	wrdreg s26  }
0x9: {  	s23 =	sshrl.u32 s2, $0x1;
	s6 =	sadd.s32 s11, s5;
	[dreg:$0x5] =	wrdreg s4  }
0xa: {  	s7 =	sor.u32 $0x1000, s10;
	s0 =	sadd.s32 s13, s25;
	[dreg:$0x6] =	wrdreg s6  }
0xb: {  	s14 =	ssub.s32 s2, s23;
	s8 =	sadd.s32 s11, s7;
	[dreg:$0x7] =	wrdreg s0  }
0xc: {  	s9 =	sor.u32 $0x101000, s10;
	s2 =	sadd.s32 s13, s5;
	[dreg:$0x8] =	wrdreg s8  }
0xd: {  	s12 =	sadd.s32 s11, s9;
	[dreg:$0x9] =	wrdreg s2  }
0xe: {  	s16 =	sor.u32 $0x201000, s10;
	s15 =	sadd.s32 s3, s7;
	[dreg:$0xa] =	wrdreg s12  }
0xf: {  	s18 =	sor.u32 $0x301000, s10;
	s17 =	sadd.s32 s11, s16;
	[dreg:$0xb] =	wrdreg s15  }
0x10: {  	s20 =	sor.u32 $0x2000, s10;
	s19 =	sadd.s32 s11, s18;
	[dreg:$0xd] =	wrdreg s17  }
0x11: {  	s21 =	sadd.s32 s11, s20;
	[dreg:$0xf] =	wrdreg s19  }
0x12: {  	s23 =	sadd.s32 s3, s20;
	[dreg:$0x11] =	wrdreg s21  }
0x13: {  	s0 =	sadd.s32 s13, s7;
	[dreg:$0x13] =	wrdreg s23  }
0x14: {  	s2 =	sadd.s32 s13, s9;
	[dreg:$0xc] =	wrdreg s0  }
0x15: {  	s22 =	sor.u32 $0x102000, s10;
	s4 =	sadd.s32 s13, s16;
	[dreg:$0xe] =	wrdreg s2  }
0x16: {  	s25 =	sor.u32 $0x202000, s10;
	s24 =	sadd.s32 s11, s22;
	[dreg:$0x10] =	wrdreg s4  }
0x17: {  	s26 =	sadd.s32 s11, s25;
	[dreg:$0x15] =	wrdreg s24  }
0x18: {  	s0 =	sadd.s32 s13, s18;
	[dreg:$0x17] =	wrdreg s26  }
0x19: {  	s6 =	sor.u32 $0x3000, s10;
	s2 =	sadd.s32 s13, s20;
	[dreg:$0x12] =	wrdreg s0  }
0x1a: {  	s7 =	sadd.s32 s11, s6;
	[dreg:$0x14] =	wrdreg s2  }
0x1b: {  	s8 =	sor.u32 $0x103000, s10;
	s9 =	sadd.s32 s3, s6;
	[dreg:$0x1b] =	wrdreg s7  }
0x1c: {  	s15 =	sor.u32 $0x203000, s10;
	s12 =	sadd.s32 s11, s8;
	[dreg:$0x1c] =	wrdreg s9  }
0x1d: {  	s17 =	sor.u32 $0x303000, s10;
	s16 =	sadd.s32 s11, s15;
	[dreg:$0x1e] =	wrdreg s12  }
0x1e: {  	s19 =	sor.u32 $0x4000, s10;
	s18 =	sadd.s32 s11, s17;
	[smem:$0x7E5] =	sst s16  }
0x1f: {  	s20 =	sadd.s32 s11, s19;
	[smem:$0x7E7] =	sst s18  }
0x20: {  	s23 =	sor.u32 $0x204000, s10;
	s21 =	sadd.s32 s3, s19;
	[smem:$0x7E9] =	sst s20  }
0x21: {  	s26 =	sadd.s32 s13, s23;
	[smem:$0x7EA] =	sst s21  }
0x22: {  	s4 =	sor.u32 $0x302000, s10;
	s0 =	sadd.s32 s13, s22;
	[smem:$0x7EF] =	sst s26  }
0x23: {  	s14 =	smax.u32 s14, $0x1;
	s5 =	sadd.s32 s11, s4;
	[dreg:$0x16] =	wrdreg s0  }
0x24: {  	s2 =	sadd.s32 s13, s8;
	s22 =	sor.u32 $0x104000, s10;
	[dreg:$0x19] =	wrdreg s5  }
0x25: {  	s12 =	sor.u32 $0x105000, s10;
	s0 =	sadd.s32 s13, s25;
	[dreg:$0x1f] =	wrdreg s2  }
0x26: {  	s16 =	sor.u32 $0x205000, s10;
	s2 =	sadd.s32 s13, s17;
	[dreg:$0x18] =	wrdreg s0  }
0x27: {  	s18 =	sor.u32 $0x305000, s10;
	s24 =	sadd.s32 s11, s22;
	[smem:$0x7E8] =	sst s2  }
0x28: {  	s20 =	sor.u32 $0x6000, s10;
	s25 =	sadd.s32 s11, s23;
	[smem:$0x7EC] =	sst s24  }
0x29: {  	s5 =	sor.u32 $0x5000, s10;
	s17 =	sadd.s32 s11, s16;
	[smem:$0x7EE] =	sst s25  }
0x2a: {  	s21 =	sadd.s32 s11, s20;
	s23 =	sadd.s32 s3, s20;
	[smem:$0x7F7] =	sst s17  }
0x2b: {  	s0 =	sadd.s32 s13, s4;
	s2 =	sor.u32 $0x304000, s10;
	[smem:$0x7FB] =	sst s21  }
0x2c: {  	s7 =	sadd.s32 s11, s5;
	s8 =	sadd.s32 s3, s5;
	[smem:$0x7FC] =	sst s23  }
0x2d: {  	s9 =	sadd.s32 s13, s5;
	s24 =	sor.u32 $0x206000, s10;
	[dreg:$0x1a] =	wrdreg s0  }
0x2e: {  	s25 =	sor.u32 $0x306000, s10;
	s5 =	sor.u32 $0x7000, s10;
	[smem:$0x7F2] =	sst s7  }
0x2f: {  	s17 =	simm.s32 $0x5;
	s21 =	simm.s32 $0x4;
	[smem:$0x7F3] =	sst s8  }
0x30: {  	s0 =	sadd.s32 s13, s6;
	s6 =	sadd.s32 s11, s2;
	[smem:$0x7F4] =	sst s9  }
0x31: {  	s29 =	sadd.s32 s11, s24;
	s30 =	sadd.s32 s13, s24;
	s31 =	sadd.s32 s11, s25  }
0x32: {  	s4 =	sadd.s32 s11, s5;
	s7 =	sor.u32 $0x107000, s10;
	[dreg:$0x1d] =	wrdreg s0  }
0x33: {  	s8 =	sadd.s32 s11, s10;
	s0 =	sadd.s32 s13, s15;
	[smem:$0x7F0] =	sst s6  }
0x34: {  	s9 =	sadd.s32 s13, s10;
	s15 =	sadd.s32 s11, s12;
	[smem:$0x7E6] =	sst s0  }
0x35: {  	s6 =	sadd.s32 s11, s7;
	s0 =	sadd.s32 s13, s19;
	[smem:$0x7F5] =	sst s15  }
0x36: {  	s7 =	sadd.s32 s13, s7;
	s19 =	sadd.s32 s11, s18;
	[smem:$0x7EB] =	sst s0  }
0x37: {  	s15 =	sor.u32 $0x307000, s10;
	s0 =	sadd.s32 s13, s22;
	[smem:$0x7F9] =	sst s19  }
0x38: {  	s22 =	sor.u32 $0x106000, s10;
	s19 =	simm.s32 $0x3;
	[smem:$0x7ED] =	sst s0  }
0x39: {  	s0 =	sadd.s32 s13, s2;
	s26 =	sadd.s32 s11, s22;
	s28 =	sadd.s32 s13, s22  }
0x3a: {  	s2 =	sadd.s32 s3, s10;
	s3 =	sadd.s32 s3, s5;
	s5 =	sadd.s32 s13, s5  }
0x3b: {  	s22 =	simm.s32 $0x0;
	[smem:$0x7F1] =	sst s0;
	s0 =	sadd.s32 s13, s12  }
0x3c: {  	s12 =	sor.u32 $0x207000, s10;
	[smem:$0x7F6] =	sst s0;
	s0 =	sadd.s32 s13, s16  }
0x3d: {  	s10 =	sadd.s32 s11, s12;
	s11 =	sadd.s32 s11, s15;
	s12 =	sadd.s32 s13, s12  }
0x3e: {  	s16 =	simm.s32 $0x10000;
	[smem:$0x7F8] =	sst s0;
	s0 =	sadd.s32 s13, s18  }
0x3f: {  	s18 =	simm.s32 $0x1;
	[smem:$0x7FA] =	sst s0;
	s0 =	sadd.s32 s13, s20  }
0x40: {  	s20 =	simm.s32 $0x2;
	[smem:$0x7FD] =	sst s0;
	s0 =	sadd.s32 s13, s25  }
0x41: {  	s13 =	sadd.s32 s13, s15;
	s15 =	simm.s32 $0x8000;
	_ =	strace $0x8000004D  }
.LBB2_1:
0x42: {  	[tilespmem:s1], [sflag:$0x1] =	stream.linear.gather [hbm4b:s8+s1], $0x8000, $0x38;
	[tilespmem:$0x18000] =	vst v63  }
0x43: {  	s23 =	rddreg [dreg:$0x3]  }
0x44: {  	[tilespmem:s15], [sflag:$0x2] =	stream.linear.gather [hbm4b:s23+s1], $0x8000, $0x38;
	[tilespmem:$0x18000] =	vst v63  }
0x45: {  	_ = 	snop  }
0x46: {  	[tilespmem:s16], [sflag:$0x5] =	stream.linear.gather [hbm4b:s2+s1], $0x8000, $0x38;
	[tilespmem:$0x18000] =	vst v63  }
0x47: {  	_ =	swait.ge [sflag:s17], $0x8000  }
0x48: {  	[sflag:s17] =	ssyncset.done $0x0  }
0x49: {  	[sflag:s17] =	ssyncadd.s32 $0xFFFF8000  }
0x4a: {  	_ =	swait.ge [sflag:s18], $0x8000  }
0x4b: {  	[sflag:s18] =	ssyncset.done $0x0  }
0x4c: {  	s23 =	simm.s32 $0x0;
	[sflag:s18] =	ssyncadd.s32 $0xFFFF8000  }
0x4d: {  	v0 =	vld [tilespmem:s23+$0x10070]  }
0x4e: {  	v1 =	vld [tilespmem:s23+$0x10000]  }
0x4f: {  	v2 =	vld [tilespmem:s23+$0x10010]  }
0x50: {  	v3 =	vld [tilespmem:s23+$0x10020]  }
0x51: {  	v4 =	vld [tilespmem:s23+$0x10030]  }
0x52: {  	v5 =	vld [tilespmem:s23+$0x10040]  }
0x53: {  	v6 =	vld [tilespmem:s23+$0x10050]  }
0x54: {  	[tilespmem:s23+$0x70] =	vst.add.f32.msk $0xffff, v0  }
0x55: {  	v0 =	vld [tilespmem:s23+$0x10060]  }
0x56: {  	[tilespmem:s23+$0x0] =	vst.add.f32.msk $0xffff, v1  }
0x57: {  	[tilespmem:s23+$0x10] =	vst.add.f32.msk $0xffff, v2  }
0x58: {  	[tilespmem:s23+$0x20] =	vst.add.f32.msk $0xffff, v3  }
0x59: {  	[tilespmem:s23+$0x30] =	vst.add.f32.msk $0xffff, v4  }
0x5a: {  	[tilespmem:s23+$0x40] =	vst.add.f32.msk $0xffff, v5  }
0x5b: {  	s24 =	simm.s32 $0x0;
	s25 =	simm.s32 $0x200;
	[tilespmem:s23+$0x50] =	vst.add.f32.msk $0xffff, v6  }
.LBB2_2:
0x5c: {  	s24 =	sadd.s32 $0x80, s24;
	[tilespmem:s23+$0x60] =	vst.add.f32.msk $0xffff, v0;
	s23 =	sshra.s32 s25, $0x2  }
0x5d: {  	v0 =	vld [tilespmem:s23+$0x10070];
	p0 =	slt.u32 s24, $0x7F80  }
0x5e: {  	v1 =	vld [tilespmem:s23+$0x10000]  }
0x5f: {  	v2 =	vld [tilespmem:s23+$0x10010]  }
0x60: {  	v3 =	vld [tilespmem:s23+$0x10020]  }
0x61: {  	v4 =	vld [tilespmem:s23+$0x10030]  }
0x62: {  	[tilespmem:s23+$0x70] =	vst.add.f32.msk $0xffff, v0  }
0x63: {  	v5 =	vld [tilespmem:s23+$0x10040]  }
0x64: {  	v6 =	vld [tilespmem:s23+$0x10050]  }
0x65: {  	v0 =	vld [tilespmem:s23+$0x10060]  }
0x66: {  	[tilespmem:s23+$0x0] =	vst.add.f32.msk $0xffff, v1  }
.Ltmp0:
0x67: {  	[tilespmem:s23+$0x10] =	vst.add.f32.msk $0xffff, v2;
	(pc) =	sbr.rel @p0 .LBB2_2-.Ltmp0, $4  }
0x68: {  	[tilespmem:s23+$0x20] =	vst.add.f32.msk $0xffff, v3  }
0x69: {  	[tilespmem:s23+$0x30] =	vst.add.f32.msk $0xffff, v4  }
0x6a: {  	[tilespmem:s23+$0x40] =	vst.add.f32.msk $0xffff, v5  }
0x6b: {  	s25 =	sadd.s32 $0x200, s25;
	[tilespmem:s23+$0x50] =	vst.add.f32.msk $0xffff, v6  }
0x6c: {  	[tilespmem:s23+$0x60] =	vst.add.f32.msk $0xffff, v0;
	s25 =	simm.s32 $0x0  }
0x6d: {  	[hbm4b:s9+s25] =	stream.linear.scatter [tilespmem:s25], [sflag:$0x3], $0x8000, $0x38;
	[tilespmem:$0x18000] =	vst v63  }
0x6e: {  	_ =	swait.ge [sflag:s19], $0x8000  }
0x6f: {  	[sflag:s19] =	ssyncset.done $0x0  }
0x70: {  	s24 =	rddreg [dreg:$0x4];
	[sflag:s19] =	ssyncadd.s32 $0xFFFF8000  }
0x71: {  	[tilespmem:s25], [sflag:$0x1] =	stream.linear.gather [hbm4b:s24+s25], $0x8000, $0x38;
	[tilespmem:$0x18000] =	vst v63  }
0x72: {  	_ =	swait.ge [sflag:s20], $0x8000  }
0x73: {  	[sflag:s20] =	ssyncset.done $0x0  }
0x74: {  	s23 =	simm.s32 $0x0;
	[sflag:s20] =	ssyncadd.s32 $0xFFFF8000  }
0x75: {  	v0 =	vld [tilespmem:s23+$0x10070]  }
0x76: {  	v1 =	vld [tilespmem:s23+$0x10000]  }
0x77: {  	v2 =	vld [tilespmem:s23+$0x10010]  }
0x78: {  	v3 =	vld [tilespmem:s23+$0x10020]  }
0x79: {  	v4 =	vld [tilespmem:s23+$0x10030]  }
0x7a: {  	v5 =	vld [tilespmem:s23+$0x10040]  }
0x7b: {  	v6 =	vld [tilespmem:s23+$0x10050]  }
0x7c: {  	[tilespmem:s23+$0x8070] =	vst.add.f32.msk $0xffff, v0  }
0x7d: {  	v0 =	vld [tilespmem:s23+$0x10060]  }
0x7e: {  	[tilespmem:s23+$0x8000] =	vst.add.f32.msk $0xffff, v1  }
0x7f: {  	[tilespmem:s23+$0x8010] =	vst.add.f32.msk $0xffff, v2  }
0x80: {  	[tilespmem:s23+$0x8020] =	vst.add.f32.msk $0xffff, v3  }
0x81: {  	[tilespmem:s23+$0x8030] =	vst.add.f32.msk $0xffff, v4  }
0x82: {  	[tilespmem:s23+$0x8040] =	vst.add.f32.msk $0xffff, v5  }
0x83: {  	s24 =	simm.s32 $0x0;
	s25 =	simm.s32 $0x200;
	[tilespmem:s23+$0x8050] =	vst.add.f32.msk $0xffff, v6  }
.LBB2_4:
0x84: {  	s24 =	sadd.s32 $0x80, s24;
	[tilespmem:s23+$0x8060] =	vst.add.f32.msk $0xffff, v0;
	s23 =	sshra.s32 s25, $0x2  }
0x85: {  	v0 =	vld [tilespmem:s23+$0x10070];
	p0 =	slt.u32 s24, $0x7F80  }
0x86: {  	v1 =	vld [tilespmem:s23+$0x10000]  }
0x87: {  	v2 =	vld [tilespmem:s23+$0x10010]  }
0x88: {  	v3 =	vld [tilespmem:s23+$0x10020]  }
0x89: {  	v4 =	vld [tilespmem:s23+$0x10030]  }
0x8a: {  	[tilespmem:s23+$0x8070] =	vst.add.f32.msk $0xffff, v0  }
0x8b: {  	v5 =	vld [tilespmem:s23+$0x10040]  }
0x8c: {  	v6 =	vld [tilespmem:s23+$0x10050]  }
0x8d: {  	v0 =	vld [tilespmem:s23+$0x10060]  }
0x8e: {  	[tilespmem:s23+$0x8000] =	vst.add.f32.msk $0xffff, v1  }
.Ltmp1:
0x8f: {  	[tilespmem:s23+$0x8010] =	vst.add.f32.msk $0xffff, v2;
	(pc) =	sbr.rel @p0 .LBB2_4-.Ltmp1, $4  }
0x90: {  	[tilespmem:s23+$0x8020] =	vst.add.f32.msk $0xffff, v3  }
0x91: {  	[tilespmem:s23+$0x8030] =	vst.add.f32.msk $0xffff, v4  }
0x92: {  	[tilespmem:s23+$0x8040] =	vst.add.f32.msk $0xffff, v5  }
0x93: {  	s25 =	sadd.s32 $0x200, s25;
	[tilespmem:s23+$0x8050] =	vst.add.f32.msk $0xffff, v6  }
0x94: {  	[tilespmem:s23+$0x8060] =	vst.add.f32.msk $0xffff, v0  }
0x95: {  	s23 =	simm.s32 $0x0;
	s24 =	rddreg [dreg:$0x5]  }
0x96: {  	[hbm4b:s24+s23] =	stream.linear.scatter [tilespmem:s15], [sflag:$0x4], $0x8000, $0x38;
	[tilespmem:$0x18000] =	vst v63  }
0x97: {  	_ =	swait.ge [sflag:s21], $0x8000  }
0x98: {  	[sflag:s21] =	ssyncset.done $0x0  }
0x99: {  	s25 =	rddreg [dreg:$0x6];
	[sflag:s21] =	ssyncadd.s32 $0xFFFF8000  }
0x9a: {  	[tilespmem:s15], [sflag:$0x2] =	stream.linear.gather [hbm4b:s25+s23], $0x8000, $0x38;
	[tilespmem:$0x18000] =	vst v63  }
0x9b: {  	_ =	swait.ge [sflag:s18], $0x8000  }
0x9c: {  	[sflag:s18] =	ssyncset.done $0x0  }
0x9d: {  	s23 =	simm.s32 $0x0;
	[sflag:s18] =	ssyncadd.s32 $0xFFFF8000  }
0x9e: {  	v0 =	vld [tilespmem:s23+$0x10070]  }
0x9f: {  	v1 =	vld [tilespmem:s23+$0x10000]  }
0xa0: {  	v2 =	vld [tilespmem:s23+$0x10010]  }
0xa1: {  	v3 =	vld [tilespmem:s23+$0x10020]  }
0xa2: {  	v4 =	vld [tilespmem:s23+$0x10030]  }
0xa3: {  	v5 =	vld [tilespmem:s23+$0x10040]  }
0xa4: {  	v6 =	vld [tilespmem:s23+$0x10050]  }
0xa5: {  	[tilespmem:s23+$0x70] =	vst.add.f32.msk $0xffff, v0  }
0xa6: {  	v0 =	vld [tilespmem:s23+$0x10060]  }
0xa7: {  	[tilespmem:s23+$0x0] =	vst.add.f32.msk $0xffff, v1  }
0xa8: {  	[tilespmem:s23+$0x10] =	vst.add.f32.msk $0xffff, v2  }
0xa9: {  	[tilespmem:s23+$0x20] =	vst.add.f32.msk $0xffff, v3  }
0xaa: {  	[tilespmem:s23+$0x30] =	vst.add.f32.msk $0xffff, v4  }
0xab: {  	[tilespmem:s23+$0x40] =	vst.add.f32.msk $0xffff, v5  }
0xac: {  	s24 =	simm.s32 $0x0;
	s25 =	simm.s32 $0x200;
	[tilespmem:s23+$0x50] =	vst.add.f32.msk $0xffff, v6  }
.LBB2_6:
0xad: {  	s24 =	sadd.s32 $0x80, s24;
	[tilespmem:s23+$0x60] =	vst.add.f32.msk $0xffff, v0;
	s23 =	sshra.s32 s25, $0x2  }
0xae: {  	v0 =	vld [tilespmem:s23+$0x10070];
	p0 =	slt.u32 s24, $0x7F80  }
0xaf: {  	v1 =	vld [tilespmem:s23+$0x10000]  }
0xb0: {  	v2 =	vld [tilespmem:s23+$0x10010]  }
0xb1: {  	v3 =	vld [tilespmem:s23+$0x10020]  }
0xb2: {  	v4 =	vld [tilespmem:s23+$0x10030]  }
0xb3: {  	[tilespmem:s23+$0x70] =	vst.add.f32.msk $0xffff, v0  }
0xb4: {  	v5 =	vld [tilespmem:s23+$0x10040]  }
0xb5: {  	v6 =	vld [tilespmem:s23+$0x10050]  }
0xb6: {  	v0 =	vld [tilespmem:s23+$0x10060]  }
0xb7: {  	[tilespmem:s23+$0x0] =	vst.add.f32.msk $0xffff, v1  }
.Ltmp2:
0xb8: {  	[tilespmem:s23+$0x10] =	vst.add.f32.msk $0xffff, v2;
	(pc) =	sbr.rel @p0 .LBB2_6-.Ltmp2, $4  }
0xb9: {  	[tilespmem:s23+$0x20] =	vst.add.f32.msk $0xffff, v3  }
0xba: {  	[tilespmem:s23+$0x30] =	vst.add.f32.msk $0xffff, v4  }
0xbb: {  	[tilespmem:s23+$0x40] =	vst.add.f32.msk $0xffff, v5  }
0xbc: {  	s25 =	sadd.s32 $0x200, s25;
	[tilespmem:s23+$0x50] =	vst.add.f32.msk $0xffff, v6  }
0xbd: {  	[tilespmem:s23+$0x60] =	vst.add.f32.msk $0xffff, v0  }
0xbe: {  	s23 =	simm.s32 $0x0;
	s24 =	rddreg [dreg:$0x7]  }
0xbf: {  	[hbm4b:s24+s23] =	stream.linear.scatter [tilespmem:s23], [sflag:$0x3], $0x8000, $0x38;
	[tilespmem:$0x18000] =	vst v63  }
0xc0: {  	_ =	swait.ge [sflag:s19], $0x8000  }
0xc1: {  	[sflag:s19] =	ssyncset.done $0x0  }
0xc2: {  	s25 =	rddreg [dreg:$0x8];
	[sflag:s19] =	ssyncadd.s32 $0xFFFF8000  }
0xc3: {  	[tilespmem:s23], [sflag:$0x1] =	stream.linear.gather [hbm4b:s25+s23], $0x8000, $0x38;
	[tilespmem:$0x18000] =	vst v63  }
0xc4: {  	_ =	swait.ge [sflag:s20], $0x8000  }
0xc5: {  	[sflag:s20] =	ssyncset.done $0x0  }
0xc6: {  	s23 =	simm.s32 $0x0;
	[sflag:s20] =	ssyncadd.s32 $0xFFFF8000  }
0xc7: {  	v0 =	vld [tilespmem:s23+$0x10070]  }
0xc8: {  	v1 =	vld [tilespmem:s23+$0x10000]  }
0xc9: {  	v2 =	vld [tilespmem:s23+$0x10010]  }
0xca: {  	v3 =	vld [tilespmem:s23+$0x10020]  }
0xcb: {  	v4 =	vld [tilespmem:s23+$0x10030]  }
0xcc: {  	v5 =	vld [tilespmem:s23+$0x10040]  }
0xcd: {  	v6 =	vld [tilespmem:s23+$0x10050]  }
0xce: {  	[tilespmem:s23+$0x8070] =	vst.add.f32.msk $0xffff, v0  }
0xcf: {  	v0 =	vld [tilespmem:s23+$0x10060]  }
0xd0: {  	[tilespmem:s23+$0x8000] =	vst.add.f32.msk $0xffff, v1  }
0xd1: {  	[tilespmem:s23+$0x8010] =	vst.add.f32.msk $0xffff, v2  }
0xd2: {  	[tilespmem:s23+$0x8020] =	vst.add.f32.msk $0xffff, v3  }
0xd3: {  	[tilespmem:s23+$0x8030] =	vst.add.f32.msk $0xffff, v4  }
0xd4: {  	[tilespmem:s23+$0x8040] =	vst.add.f32.msk $0xffff, v5  }
0xd5: {  	s24 =	simm.s32 $0x0;
	s25 =	simm.s32 $0x200;
	[tilespmem:s23+$0x8050] =	vst.add.f32.msk $0xffff, v6  }
.LBB2_8:
0xd6: {  	s24 =	sadd.s32 $0x80, s24;
	[tilespmem:s23+$0x8060] =	vst.add.f32.msk $0xffff, v0;
	s23 =	sshra.s32 s25, $0x2  }
0xd7: {  	v0 =	vld [tilespmem:s23+$0x10070];
	p0 =	slt.u32 s24, $0x7F80  }
0xd8: {  	v1 =	vld [tilespmem:s23+$0x10000]  }
0xd9: {  	v2 =	vld [tilespmem:s23+$0x10010]  }
0xda: {  	v3 =	vld [tilespmem:s23+$0x10020]  }
0xdb: {  	v4 =	vld [tilespmem:s23+$0x10030]  }
0xdc: {  	[tilespmem:s23+$0x8070] =	vst.add.f32.msk $0xffff, v0  }
0xdd: {  	v5 =	vld [tilespmem:s23+$0x10040]  }
0xde: {  	v6 =	vld [tilespmem:s23+$0x10050]  }
0xdf: {  	v0 =	vld [tilespmem:s23+$0x10060]  }
0xe0: {  	[tilespmem:s23+$0x8000] =	vst.add.f32.msk $0xffff, v1  }
.Ltmp3:
0xe1: {  	[tilespmem:s23+$0x8010] =	vst.add.f32.msk $0xffff, v2;
	(pc) =	sbr.rel @p0 .LBB2_8-.Ltmp3, $4  }
0xe2: {  	[tilespmem:s23+$0x8020] =	vst.add.f32.msk $0xffff, v3  }
0xe3: {  	[tilespmem:s23+$0x8030] =	vst.add.f32.msk $0xffff, v4  }
0xe4: {  	[tilespmem:s23+$0x8040] =	vst.add.f32.msk $0xffff, v5  }
0xe5: {  	s25 =	sadd.s32 $0x200, s25;
	[tilespmem:s23+$0x8050] =	vst.add.f32.msk $0xffff, v6  }
0xe6: {  	[tilespmem:s23+$0x8060] =	vst.add.f32.msk $0xffff, v0  }
0xe7: {  	s23 =	simm.s32 $0x0;
	s24 =	rddreg [dreg:$0x9]  }
0xe8: {  	[hbm4b:s24+s23] =	stream.linear.scatter [tilespmem:s15], [sflag:$0x4], $0x8000, $0x38;
	[tilespmem:$0x18000] =	vst v63  }
0xe9: {  	_ =	swait.ge [sflag:s21], $0x8000  }
0xea: {  	[sflag:s21] =	ssyncset.done $0x0  }
0xeb: {  	s25 =	rddreg [dreg:$0xa];
	[sflag:s21] =	ssyncadd.s32 $0xFFFF8000  }
0xec: {  	[tilespmem:s15], [sflag:$0x2] =	stream.linear.gather [hbm4b:s25+s23], $0x8000, $0x38;
	[tilespmem:$0x18000] =	vst v63  }
0xed: {  	s25 =	rddreg [dreg:$0xb]  }
0xee: {  	[tilespmem:s16], [sflag:$0x5] =	stream.linear.gather [hbm4b:s25+s23], $0x8000, $0x38;
	[tilespmem:$0x18000] =	vst v63  }
0xef: {  	_ =	swait.ge [sflag:s17], $0x8000  }
0xf0: {  	[sflag:s17] =	ssyncset.done $0x0  }
0xf1: {  	[sflag:s17] =	ssyncadd.s32 $0xFFFF8000  }
0xf2: {  	_ =	swait.ge [sflag:s18], $0x8000  }
0xf3: {  	[sflag:s18] =	ssyncset.done $0x0  }
0xf4: {  	s23 =	simm.s32 $0x0;
	[sflag:s18] =	ssyncadd.s32 $0xFFFF8000  }
0xf5: {  	v0 =	vld [tilespmem:s23+$0x10070]  }
0xf6: {  	v1 =	vld [tilespmem:s23+$0x10000]  }
0xf7: {  	v2 =	vld [tilespmem:s23+$0x10010]  }
0xf8: {  	v3 =	vld [tilespmem:s23+$0x10020]  }
0xf9: {  	v4 =	vld [tilespmem:s23+$0x10030]  }
0xfa: {  	v5 =	vld [tilespmem:s23+$0x10040]  }
0xfb: {  	v6 =	vld [tilespmem:s23+$0x10050]  }
0xfc: {  	[tilespmem:s23+$0x70] =	vst.add.f32.msk $0xffff, v0  }
0xfd: {  	v0 =	vld [tilespmem:s23+$0x10060]  }
0xfe: {  	[tilespmem:s23+$0x0] =	vst.add.f32.msk $0xffff, v1  }
0xff: {  	[tilespmem:s23+$0x10] =	vst.add.f32.msk $0xffff, v2  }
0x100: {  	[tilespmem:s23+$0x20] =	vst.add.f32.msk $0xffff, v3  }
0x101: {  	[tilespmem:s23+$0x30] =	vst.add.f32.msk $0xffff, v4  }
0x102: {  	[tilespmem:s23+$0x40] =	vst.add.f32.msk $0xffff, v5  }
0x103: {  	s24 =	simm.s32 $0x0;
	s25 =	simm.s32 $0x200;
	[tilespmem:s23+$0x50] =	vst.add.f32.msk $0xffff, v6  }
.LBB2_10:
0x104: {  	s24 =	sadd.s32 $0x80, s24;
	[tilespmem:s23+$0x60] =	vst.add.f32.msk $0xffff, v0;
	s23 =	sshra.s32 s25, $0x2  }
0x105: {  	v0 =	vld [tilespmem:s23+$0x10070];
	p0 =	slt.u32 s24, $0x7F80  }
0x106: {  	v1 =	vld [tilespmem:s23+$0x10000]  }
0x107: {  	v2 =	vld [tilespmem:s23+$0x10010]  }
0x108: {  	v3 =	vld [tilespmem:s23+$0x10020]  }
0x109: {  	v4 =	vld [tilespmem:s23+$0x10030]  }
0x10a: {  	[tilespmem:s23+$0x70] =	vst.add.f32.msk $0xffff, v0  }
0x10b: {  	v5 =	vld [tilespmem:s23+$0x10040]  }
0x10c: {  	v6 =	vld [tilespmem:s23+$0x10050]  }
0x10d: {  	v0 =	vld [tilespmem:s23+$0x10060]  }
0x10e: {  	[tilespmem:s23+$0x0] =	vst.add.f32.msk $0xffff, v1  }
.Ltmp4:
0x10f: {  	[tilespmem:s23+$0x10] =	vst.add.f32.msk $0xffff, v2;
	(pc) =	sbr.rel @p0 .LBB2_10-.Ltmp4, $4  }
0x110: {  	[tilespmem:s23+$0x20] =	vst.add.f32.msk $0xffff, v3  }
0x111: {  	[tilespmem:s23+$0x30] =	vst.add.f32.msk $0xffff, v4  }
0x112: {  	[tilespmem:s23+$0x40] =	vst.add.f32.msk $0xffff, v5  }
0x113: {  	s25 =	sadd.s32 $0x200, s25;
	[tilespmem:s23+$0x50] =	vst.add.f32.msk $0xffff, v6  }
0x114: {  	[tilespmem:s23+$0x60] =	vst.add.f32.msk $0xffff, v0  }
0x115: {  	s23 =	simm.s32 $0x0;
	s24 =	rddreg [dreg:$0xc]  }
0x116: {  	[hbm4b:s24+s23] =	stream.linear.scatter [tilespmem:s23], [sflag:$0x3], $0x8000, $0x38;
	[tilespmem:$0x18000] =	vst v63  }
0x117: {  	_ =	swait.ge [sflag:s19], $0x8000  }
0x118: {  	[sflag:s19] =	ssyncset.done $0x0  }
0x119: {  	s25 =	rddreg [dreg:$0xd];
	[sflag:s19] =	ssyncadd.s32 $0xFFFF8000  }
0x11a: {  	[tilespmem:s23], [sflag:$0x1] =	stream.linear.gather [hbm4b:s25+s23], $0x8000, $0x38;
	[tilespmem:$0x18000] =	vst v63  }
0x11b: {  	_ =	swait.ge [sflag:s20], $0x8000  }
0x11c: {  	[sflag:s20] =	ssyncset.done $0x0  }
0x11d: {  	s23 =	simm.s32 $0x0;
	[sflag:s20] =	ssyncadd.s32 $0xFFFF8000  }
0x11e: {  	v0 =	vld [tilespmem:s23+$0x10070]  }
0x11f: {  	v1 =	vld [tilespmem:s23+$0x10000]  }
0x120: {  	v2 =	vld [tilespmem:s23+$0x10010]  }
0x121: {  	v3 =	vld [tilespmem:s23+$0x10020]  }
0x122: {  	v4 =	vld [tilespmem:s23+$0x10030]  }
0x123: {  	v5 =	vld [tilespmem:s23+$0x10040]  }
0x124: {  	v6 =	vld [tilespmem:s23+$0x10050]  }
0x125: {  	[tilespmem:s23+$0x8070] =	vst.add.f32.msk $0xffff, v0  }
0x126: {  	v0 =	vld [tilespmem:s23+$0x10060]  }
0x127: {  	[tilespmem:s23+$0x8000] =	vst.add.f32.msk $0xffff, v1  }
0x128: {  	[tilespmem:s23+$0x8010] =	vst.add.f32.msk $0xffff, v2  }
0x129: {  	[tilespmem:s23+$0x8020] =	vst.add.f32.msk $0xffff, v3  }
0x12a: {  	[tilespmem:s23+$0x8030] =	vst.add.f32.msk $0xffff, v4  }
0x12b: {  	[tilespmem:s23+$0x8040] =	vst.add.f32.msk $0xffff, v5  }
0x12c: {  	s24 =	simm.s32 $0x0;
	s25 =	simm.s32 $0x200;
	[tilespmem:s23+$0x8050] =	vst.add.f32.msk $0xffff, v6  }
.LBB2_12:
0x12d: {  	s24 =	sadd.s32 $0x80, s24;
	[tilespmem:s23+$0x8060] =	vst.add.f32.msk $0xffff, v0;
	s23 =	sshra.s32 s25, $0x2  }
0x12e: {  	v0 =	vld [tilespmem:s23+$0x10070];
	p0 =	slt.u32 s24, $0x7F80  }
0x12f: {  	v1 =	vld [tilespmem:s23+$0x10000]  }
0x130: {  	v2 =	vld [tilespmem:s23+$0x10010]  }
0x131: {  	v3 =	vld [tilespmem:s23+$0x10020]  }
0x132: {  	v4 =	vld [tilespmem:s23+$0x10030]  }
0x133: {  	[tilespmem:s23+$0x8070] =	vst.add.f32.msk $0xffff, v0  }
0x134: {  	v5 =	vld [tilespmem:s23+$0x10040]  }
0x135: {  	v6 =	vld [tilespmem:s23+$0x10050]  }
0x136: {  	v0 =	vld [tilespmem:s23+$0x10060]  }
0x137: {  	[tilespmem:s23+$0x8000] =	vst.add.f32.msk $0xffff, v1  }
.Ltmp5:
0x138: {  	[tilespmem:s23+$0x8010] =	vst.add.f32.msk $0xffff, v2;
	(pc) =	sbr.rel @p0 .LBB2_12-.Ltmp5, $4  }
0x139: {  	[tilespmem:s23+$0x8020] =	vst.add.f32.msk $0xffff, v3  }
0x13a: {  	[tilespmem:s23+$0x8030] =	vst.add.f32.msk $0xffff, v4  }
0x13b: {  	[tilespmem:s23+$0x8040] =	vst.add.f32.msk $0xffff, v5  }
0x13c: {  	s25 =	sadd.s32 $0x200, s25;
	[tilespmem:s23+$0x8050] =	vst.add.f32.msk $0xffff, v6  }
0x13d: {  	[tilespmem:s23+$0x8060] =	vst.add.f32.msk $0xffff, v0  }
0x13e: {  	s23 =	simm.s32 $0x0;
	s24 =	rddreg [dreg:$0xe]  }
0x13f: {  	[hbm4b:s24+s23] =	stream.linear.scatter [tilespmem:s15], [sflag:$0x4], $0x8000, $0x38;
	[tilespmem:$0x18000] =	vst v63  }
0x140: {  	_ =	swait.ge [sflag:s21], $0x8000  }
0x141: {  	[sflag:s21] =	ssyncset.done $0x0  }
0x142: {  	s25 =	rddreg [dreg:$0xf];
	[sflag:s21] =	ssyncadd.s32 $0xFFFF8000  }
0x143: {  	[tilespmem:s15], [sflag:$0x2] =	stream.linear.gather [hbm4b:s25+s23], $0x8000, $0x38;
	[tilespmem:$0x18000] =	vst v63  }
0x144: {  	_ =	swait.ge [sflag:s18], $0x8000  }
0x145: {  	[sflag:s18] =	ssyncset.done $0x0  }
0x146: {  	s23 =	simm.s32 $0x0;
	[sflag:s18] =	ssyncadd.s32 $0xFFFF8000  }
0x147: {  	v0 =	vld [tilespmem:s23+$0x10070]  }
0x148: {  	v1 =	vld [tilespmem:s23+$0x10000]  }
0x149: {  	v2 =	vld [tilespmem:s23+$0x10010]  }
0x14a: {  	v3 =	vld [tilespmem:s23+$0x10020]  }
0x14b: {  	v4 =	vld [tilespmem:s23+$0x10030]  }
0x14c: {  	v5 =	vld [tilespmem:s23+$0x10040]  }
0x14d: {  	v6 =	vld [tilespmem:s23+$0x10050]  }
0x14e: {  	[tilespmem:s23+$0x70] =	vst.add.f32.msk $0xffff, v0  }
0x14f: {  	v0 =	vld [tilespmem:s23+$0x10060]  }
0x150: {  	[tilespmem:s23+$0x0] =	vst.add.f32.msk $0xffff, v1  }
0x151: {  	[tilespmem:s23+$0x10] =	vst.add.f32.msk $0xffff, v2  }
0x152: {  	[tilespmem:s23+$0x20] =	vst.add.f32.msk $0xffff, v3  }
0x153: {  	[tilespmem:s23+$0x30] =	vst.add.f32.msk $0xffff, v4  }
0x154: {  	[tilespmem:s23+$0x40] =	vst.add.f32.msk $0xffff, v5  }
0x155: {  	s24 =	simm.s32 $0x0;
	s25 =	simm.s32 $0x200;
	[tilespmem:s23+$0x50] =	vst.add.f32.msk $0xffff, v6  }
.LBB2_14:
0x156: {  	s24 =	sadd.s32 $0x80, s24;
	[tilespmem:s23+$0x60] =	vst.add.f32.msk $0xffff, v0;
	s23 =	sshra.s32 s25, $0x2  }
0x157: {  	v0 =	vld [tilespmem:s23+$0x10070];
	p0 =	slt.u32 s24, $0x7F80  }
0x158: {  	v1 =	vld [tilespmem:s23+$0x10000]  }
0x159: {  	v2 =	vld [tilespmem:s23+$0x10010]  }
0x15a: {  	v3 =	vld [tilespmem:s23+$0x10020]  }
0x15b: {  	v4 =	vld [tilespmem:s23+$0x10030]  }
0x15c: {  	[tilespmem:s23+$0x70] =	vst.add.f32.msk $0xffff, v0  }
0x15d: {  	v5 =	vld [tilespmem:s23+$0x10040]  }
0x15e: {  	v6 =	vld [tilespmem:s23+$0x10050]  }
0x15f: {  	v0 =	vld [tilespmem:s23+$0x10060]  }
0x160: {  	[tilespmem:s23+$0x0] =	vst.add.f32.msk $0xffff, v1  }
.Ltmp6:
0x161: {  	[tilespmem:s23+$0x10] =	vst.add.f32.msk $0xffff, v2;
	(pc) =	sbr.rel @p0 .LBB2_14-.Ltmp6, $4  }
0x162: {  	[tilespmem:s23+$0x20] =	vst.add.f32.msk $0xffff, v3  }
0x163: {  	[tilespmem:s23+$0x30] =	vst.add.f32.msk $0xffff, v4  }
0x164: {  	[tilespmem:s23+$0x40] =	vst.add.f32.msk $0xffff, v5  }
0x165: {  	s25 =	sadd.s32 $0x200, s25;
	[tilespmem:s23+$0x50] =	vst.add.f32.msk $0xffff, v6  }
0x166: {  	[tilespmem:s23+$0x60] =	vst.add.f32.msk $0xffff, v0  }
0x167: {  	s23 =	simm.s32 $0x0;
	s24 =	rddreg [dreg:$0x10]  }
0x168: {  	[hbm4b:s24+s23] =	stream.linear.scatter [tilespmem:s23], [sflag:$0x3], $0x8000, $0x38;
	[tilespmem:$0x18000] =	vst v63  }
0x169: {  	_ =	swait.ge [sflag:s19], $0x8000  }
0x16a: {  	[sflag:s19] =	ssyncset.done $0x0  }
0x16b: {  	s25 =	rddreg [dreg:$0x11];
	[sflag:s19] =	ssyncadd.s32 $0xFFFF8000  }
0x16c: {  	[tilespmem:s23], [sflag:$0x1] =	stream.linear.gather [hbm4b:s25+s23], $0x8000, $0x38;
	[tilespmem:$0x18000] =	vst v63  }
0x16d: {  	_ =	swait.ge [sflag:s20], $0x8000  }
0x16e: {  	[sflag:s20] =	ssyncset.done $0x0  }
0x16f: {  	s23 =	simm.s32 $0x0;
	[sflag:s20] =	ssyncadd.s32 $0xFFFF8000  }
0x170: {  	v0 =	vld [tilespmem:s23+$0x10070]  }
0x171: {  	v1 =	vld [tilespmem:s23+$0x10000]  }
0x172: {  	v2 =	vld [tilespmem:s23+$0x10010]  }
0x173: {  	v3 =	vld [tilespmem:s23+$0x10020]  }
0x174: {  	v4 =	vld [tilespmem:s23+$0x10030]  }
0x175: {  	v5 =	vld [tilespmem:s23+$0x10040]  }
0x176: {  	v6 =	vld [tilespmem:s23+$0x10050]  }
0x177: {  	[tilespmem:s23+$0x8070] =	vst.add.f32.msk $0xffff, v0  }
0x178: {  	v0 =	vld [tilespmem:s23+$0x10060]  }
0x179: {  	[tilespmem:s23+$0x8000] =	vst.add.f32.msk $0xffff, v1  }
0x17a: {  	[tilespmem:s23+$0x8010] =	vst.add.f32.msk $0xffff, v2  }
0x17b: {  	[tilespmem:s23+$0x8020] =	vst.add.f32.msk $0xffff, v3  }
0x17c: {  	[tilespmem:s23+$0x8030] =	vst.add.f32.msk $0xffff, v4  }
0x17d: {  	[tilespmem:s23+$0x8040] =	vst.add.f32.msk $0xffff, v5  }
0x17e: {  	s24 =	simm.s32 $0x0;
	s25 =	simm.s32 $0x200;
	[tilespmem:s23+$0x8050] =	vst.add.f32.msk $0xffff, v6  }
.LBB2_16:
0x17f: {  	s24 =	sadd.s32 $0x80, s24;
	[tilespmem:s23+$0x8060] =	vst.add.f32.msk $0xffff, v0;
	s23 =	sshra.s32 s25, $0x2  }
0x180: {  	v0 =	vld [tilespmem:s23+$0x10070];
	p0 =	slt.u32 s24, $0x7F80  }
0x181: {  	v1 =	vld [tilespmem:s23+$0x10000]  }
0x182: {  	v2 =	vld [tilespmem:s23+$0x10010]  }
0x183: {  	v3 =	vld [tilespmem:s23+$0x10020]  }
0x184: {  	v4 =	vld [tilespmem:s23+$0x10030]  }
0x185: {  	[tilespmem:s23+$0x8070] =	vst.add.f32.msk $0xffff, v0  }
0x186: {  	v5 =	vld [tilespmem:s23+$0x10040]  }
0x187: {  	v6 =	vld [tilespmem:s23+$0x10050]  }
0x188: {  	v0 =	vld [tilespmem:s23+$0x10060]  }
0x189: {  	[tilespmem:s23+$0x8000] =	vst.add.f32.msk $0xffff, v1  }
.Ltmp7:
0x18a: {  	[tilespmem:s23+$0x8010] =	vst.add.f32.msk $0xffff, v2;
	(pc) =	sbr.rel @p0 .LBB2_16-.Ltmp7, $4  }
0x18b: {  	[tilespmem:s23+$0x8020] =	vst.add.f32.msk $0xffff, v3  }
0x18c: {  	[tilespmem:s23+$0x8030] =	vst.add.f32.msk $0xffff, v4  }
0x18d: {  	[tilespmem:s23+$0x8040] =	vst.add.f32.msk $0xffff, v5  }
0x18e: {  	s25 =	sadd.s32 $0x200, s25;
	[tilespmem:s23+$0x8050] =	vst.add.f32.msk $0xffff, v6  }
0x18f: {  	[tilespmem:s23+$0x8060] =	vst.add.f32.msk $0xffff, v0  }
0x190: {  	s23 =	simm.s32 $0x0;
	s24 =	rddreg [dreg:$0x12]  }
0x191: {  	[hbm4b:s24+s23] =	stream.linear.scatter [tilespmem:s15], [sflag:$0x4], $0x8000, $0x38;
	[tilespmem:$0x18000] =	vst v63  }
0x192: {  	_ =	swait.ge [sflag:s21], $0x8000  }
0x193: {  	[sflag:s21] =	ssyncset.done $0x0  }
0x194: {  	s25 =	rddreg [dreg:$0x15];
	[sflag:s21] =	ssyncadd.s32 $0xFFFF8000  }
0x195: {  	[tilespmem:s15], [sflag:$0x2] =	stream.linear.gather [hbm4b:s25+s23], $0x8000, $0x38;
	[tilespmem:$0x18000] =	vst v63  }
0x196: {  	s25 =	rddreg [dreg:$0x13]  }
0x197: {  	[tilespmem:s16], [sflag:$0x5] =	stream.linear.gather [hbm4b:s25+s23], $0x8000, $0x38;
	[tilespmem:$0x18000] =	vst v63  }
0x198: {  	_ =	swait.ge [sflag:s17], $0x8000  }
0x199: {  	[sflag:s17] =	ssyncset.done $0x0  }
0x19a: {  	[sflag:s17] =	ssyncadd.s32 $0xFFFF8000  }
0x19b: {  	_ =	swait.ge [sflag:s18], $0x8000  }
0x19c: {  	[sflag:s18] =	ssyncset.done $0x0  }
0x19d: {  	s23 =	simm.s32 $0x0;
	[sflag:s18] =	ssyncadd.s32 $0xFFFF8000  }
0x19e: {  	v0 =	vld [tilespmem:s23+$0x10070]  }
0x19f: {  	v1 =	vld [tilespmem:s23+$0x10000]  }
0x1a0: {  	v2 =	vld [tilespmem:s23+$0x10010]  }
0x1a1: {  	v3 =	vld [tilespmem:s23+$0x10020]  }
0x1a2: {  	v4 =	vld [tilespmem:s23+$0x10030]  }
0x1a3: {  	v5 =	vld [tilespmem:s23+$0x10040]  }
0x1a4: {  	v6 =	vld [tilespmem:s23+$0x10050]  }
0x1a5: {  	[tilespmem:s23+$0x70] =	vst.add.f32.msk $0xffff, v0  }
0x1a6: {  	v0 =	vld [tilespmem:s23+$0x10060]  }
0x1a7: {  	[tilespmem:s23+$0x0] =	vst.add.f32.msk $0xffff, v1  }
0x1a8: {  	[tilespmem:s23+$0x10] =	vst.add.f32.msk $0xffff, v2  }
0x1a9: {  	[tilespmem:s23+$0x20] =	vst.add.f32.msk $0xffff, v3  }
0x1aa: {  	[tilespmem:s23+$0x30] =	vst.add.f32.msk $0xffff, v4  }
0x1ab: {  	[tilespmem:s23+$0x40] =	vst.add.f32.msk $0xffff, v5  }
0x1ac: {  	s24 =	simm.s32 $0x0;
	s25 =	simm.s32 $0x200;
	[tilespmem:s23+$0x50] =	vst.add.f32.msk $0xffff, v6  }
.LBB2_18:
0x1ad: {  	s24 =	sadd.s32 $0x80, s24;
	[tilespmem:s23+$0x60] =	vst.add.f32.msk $0xffff, v0;
	s23 =	sshra.s32 s25, $0x2  }
0x1ae: {  	v0 =	vld [tilespmem:s23+$0x10070];
	p0 =	slt.u32 s24, $0x7F80  }
0x1af: {  	v1 =	vld [tilespmem:s23+$0x10000]  }
0x1b0: {  	v2 =	vld [tilespmem:s23+$0x10010]  }
0x1b1: {  	v3 =	vld [tilespmem:s23+$0x10020]  }
0x1b2: {  	v4 =	vld [tilespmem:s23+$0x10030]  }
0x1b3: {  	[tilespmem:s23+$0x70] =	vst.add.f32.msk $0xffff, v0  }
0x1b4: {  	v5 =	vld [tilespmem:s23+$0x10040]  }
0x1b5: {  	v6 =	vld [tilespmem:s23+$0x10050]  }
0x1b6: {  	v0 =	vld [tilespmem:s23+$0x10060]  }
0x1b7: {  	[tilespmem:s23+$0x0] =	vst.add.f32.msk $0xffff, v1  }
.Ltmp8:
0x1b8: {  	[tilespmem:s23+$0x10] =	vst.add.f32.msk $0xffff, v2;
	(pc) =	sbr.rel @p0 .LBB2_18-.Ltmp8, $4  }
0x1b9: {  	[tilespmem:s23+$0x20] =	vst.add.f32.msk $0xffff, v3  }
0x1ba: {  	[tilespmem:s23+$0x30] =	vst.add.f32.msk $0xffff, v4  }
0x1bb: {  	[tilespmem:s23+$0x40] =	vst.add.f32.msk $0xffff, v5  }
0x1bc: {  	s25 =	sadd.s32 $0x200, s25;
	[tilespmem:s23+$0x50] =	vst.add.f32.msk $0xffff, v6  }
0x1bd: {  	[tilespmem:s23+$0x60] =	vst.add.f32.msk $0xffff, v0  }
0x1be: {  	s23 =	simm.s32 $0x0;
	s24 =	rddreg [dreg:$0x14]  }
0x1bf: {  	[hbm4b:s24+s23] =	stream.linear.scatter [tilespmem:s23], [sflag:$0x3], $0x8000, $0x38;
	[tilespmem:$0x18000] =	vst v63  }
0x1c0: {  	_ =	swait.ge [sflag:s19], $0x8000  }
0x1c1: {  	[sflag:s19] =	ssyncset.done $0x0  }
0x1c2: {  	s25 =	rddreg [dreg:$0x17];
	[sflag:s19] =	ssyncadd.s32 $0xFFFF8000  }
0x1c3: {  	[tilespmem:s23], [sflag:$0x1] =	stream.linear.gather [hbm4b:s25+s23], $0x8000, $0x38;
	[tilespmem:$0x18000] =	vst v63  }
0x1c4: {  	_ =	swait.ge [sflag:s20], $0x8000  }
0x1c5: {  	[sflag:s20] =	ssyncset.done $0x0  }
0x1c6: {  	s23 =	simm.s32 $0x0;
	[sflag:s20] =	ssyncadd.s32 $0xFFFF8000  }
0x1c7: {  	v0 =	vld [tilespmem:s23+$0x10070]  }
0x1c8: {  	v1 =	vld [tilespmem:s23+$0x10000]  }
0x1c9: {  	v2 =	vld [tilespmem:s23+$0x10010]  }
0x1ca: {  	v3 =	vld [tilespmem:s23+$0x10020]  }
0x1cb: {  	v4 =	vld [tilespmem:s23+$0x10030]  }
0x1cc: {  	v5 =	vld [tilespmem:s23+$0x10040]  }
0x1cd: {  	v6 =	vld [tilespmem:s23+$0x10050]  }
0x1ce: {  	[tilespmem:s23+$0x8070] =	vst.add.f32.msk $0xffff, v0  }
0x1cf: {  	v0 =	vld [tilespmem:s23+$0x10060]  }
0x1d0: {  	[tilespmem:s23+$0x8000] =	vst.add.f32.msk $0xffff, v1  }
0x1d1: {  	[tilespmem:s23+$0x8010] =	vst.add.f32.msk $0xffff, v2  }
0x1d2: {  	[tilespmem:s23+$0x8020] =	vst.add.f32.msk $0xffff, v3  }
0x1d3: {  	[tilespmem:s23+$0x8030] =	vst.add.f32.msk $0xffff, v4  }
0x1d4: {  	[tilespmem:s23+$0x8040] =	vst.add.f32.msk $0xffff, v5  }
0x1d5: {  	s24 =	simm.s32 $0x0;
	s25 =	simm.s32 $0x200;
	[tilespmem:s23+$0x8050] =	vst.add.f32.msk $0xffff, v6  }
.LBB2_20:
0x1d6: {  	s24 =	sadd.s32 $0x80, s24;
	[tilespmem:s23+$0x8060] =	vst.add.f32.msk $0xffff, v0;
	s23 =	sshra.s32 s25, $0x2  }
0x1d7: {  	v0 =	vld [tilespmem:s23+$0x10070];
	p0 =	slt.u32 s24, $0x7F80  }
0x1d8: {  	v1 =	vld [tilespmem:s23+$0x10000]  }
0x1d9: {  	v2 =	vld [tilespmem:s23+$0x10010]  }
0x1da: {  	v3 =	vld [tilespmem:s23+$0x10020]  }
0x1db: {  	v4 =	vld [tilespmem:s23+$0x10030]  }
0x1dc: {  	[tilespmem:s23+$0x8070] =	vst.add.f32.msk $0xffff, v0  }
0x1dd: {  	v5 =	vld [tilespmem:s23+$0x10040]  }
0x1de: {  	v6 =	vld [tilespmem:s23+$0x10050]  }
0x1df: {  	v0 =	vld [tilespmem:s23+$0x10060]  }
0x1e0: {  	[tilespmem:s23+$0x8000] =	vst.add.f32.msk $0xffff, v1  }
.Ltmp9:
0x1e1: {  	[tilespmem:s23+$0x8010] =	vst.add.f32.msk $0xffff, v2;
	(pc) =	sbr.rel @p0 .LBB2_20-.Ltmp9, $4  }
0x1e2: {  	[tilespmem:s23+$0x8020] =	vst.add.f32.msk $0xffff, v3  }
0x1e3: {  	[tilespmem:s23+$0x8030] =	vst.add.f32.msk $0xffff, v4  }
0x1e4: {  	[tilespmem:s23+$0x8040] =	vst.add.f32.msk $0xffff, v5  }
0x1e5: {  	s25 =	sadd.s32 $0x200, s25;
	[tilespmem:s23+$0x8050] =	vst.add.f32.msk $0xffff, v6  }
0x1e6: {  	[tilespmem:s23+$0x8060] =	vst.add.f32.msk $0xffff, v0  }
0x1e7: {  	s23 =	simm.s32 $0x0;
	s24 =	rddreg [dreg:$0x16]  }
0x1e8: {  	[hbm4b:s24+s23] =	stream.linear.scatter [tilespmem:s15], [sflag:$0x4], $0x8000, $0x38;
	[tilespmem:$0x18000] =	vst v63  }
0x1e9: {  	_ =	swait.ge [sflag:s21], $0x8000  }
0x1ea: {  	[sflag:s21] =	ssyncset.done $0x0  }
0x1eb: {  	s25 =	rddreg [dreg:$0x19];
	[sflag:s21] =	ssyncadd.s32 $0xFFFF8000  }
0x1ec: {  	[tilespmem:s15], [sflag:$0x2] =	stream.linear.gather [hbm4b:s25+s23], $0x8000, $0x38;
	[tilespmem:$0x18000] =	vst v63  }
0x1ed: {  	_ =	swait.ge [sflag:s18], $0x8000  }
0x1ee: {  	[sflag:s18] =	ssyncset.done $0x0  }
0x1ef: {  	s23 =	simm.s32 $0x0;
	[sflag:s18] =	ssyncadd.s32 $0xFFFF8000  }
0x1f0: {  	v0 =	vld [tilespmem:s23+$0x10070]  }
0x1f1: {  	v1 =	vld [tilespmem:s23+$0x10000]  }
0x1f2: {  	v2 =	vld [tilespmem:s23+$0x10010]  }
0x1f3: {  	v3 =	vld [tilespmem:s23+$0x10020]  }
0x1f4: {  	v4 =	vld [tilespmem:s23+$0x10030]  }
0x1f5: {  	v5 =	vld [tilespmem:s23+$0x10040]  }
0x1f6: {  	v6 =	vld [tilespmem:s23+$0x10050]  }
0x1f7: {  	[tilespmem:s23+$0x70] =	vst.add.f32.msk $0xffff, v0  }
0x1f8: {  	v0 =	vld [tilespmem:s23+$0x10060]  }
0x1f9: {  	[tilespmem:s23+$0x0] =	vst.add.f32.msk $0xffff, v1  }
0x1fa: {  	[tilespmem:s23+$0x10] =	vst.add.f32.msk $0xffff, v2  }
0x1fb: {  	[tilespmem:s23+$0x20] =	vst.add.f32.msk $0xffff, v3  }
0x1fc: {  	[tilespmem:s23+$0x30] =	vst.add.f32.msk $0xffff, v4  }
0x1fd: {  	[tilespmem:s23+$0x40] =	vst.add.f32.msk $0xffff, v5  }
0x1fe: {  	s24 =	simm.s32 $0x0;
	s25 =	simm.s32 $0x200;
	[tilespmem:s23+$0x50] =	vst.add.f32.msk $0xffff, v6  }
.LBB2_22:
0x1ff: {  	s24 =	sadd.s32 $0x80, s24;
	[tilespmem:s23+$0x60] =	vst.add.f32.msk $0xffff, v0;
	s23 =	sshra.s32 s25, $0x2  }
0x200: {  	v0 =	vld [tilespmem:s23+$0x10070];
	p0 =	slt.u32 s24, $0x7F80  }
0x201: {  	v1 =	vld [tilespmem:s23+$0x10000]  }
0x202: {  	v2 =	vld [tilespmem:s23+$0x10010]  }
0x203: {  	v3 =	vld [tilespmem:s23+$0x10020]  }
0x204: {  	v4 =	vld [tilespmem:s23+$0x10030]  }
0x205: {  	[tilespmem:s23+$0x70] =	vst.add.f32.msk $0xffff, v0  }
0x206: {  	v5 =	vld [tilespmem:s23+$0x10040]  }
0x207: {  	v6 =	vld [tilespmem:s23+$0x10050]  }
0x208: {  	v0 =	vld [tilespmem:s23+$0x10060]  }
0x209: {  	[tilespmem:s23+$0x0] =	vst.add.f32.msk $0xffff, v1  }
.Ltmp10:
0x20a: {  	[tilespmem:s23+$0x10] =	vst.add.f32.msk $0xffff, v2;
	(pc) =	sbr.rel @p0 .LBB2_22-.Ltmp10, $4  }
0x20b: {  	[tilespmem:s23+$0x20] =	vst.add.f32.msk $0xffff, v3  }
0x20c: {  	[tilespmem:s23+$0x30] =	vst.add.f32.msk $0xffff, v4  }
0x20d: {  	[tilespmem:s23+$0x40] =	vst.add.f32.msk $0xffff, v5  }
0x20e: {  	s25 =	sadd.s32 $0x200, s25;
	[tilespmem:s23+$0x50] =	vst.add.f32.msk $0xffff, v6  }
0x20f: {  	[tilespmem:s23+$0x60] =	vst.add.f32.msk $0xffff, v0  }
0x210: {  	s23 =	simm.s32 $0x0;
	s24 =	rddreg [dreg:$0x18]  }
0x211: {  	[hbm4b:s24+s23] =	stream.linear.scatter [tilespmem:s23], [sflag:$0x3], $0x8000, $0x38;
	[tilespmem:$0x18000] =	vst v63  }
0x212: {  	_ =	swait.ge [sflag:s19], $0x8000  }
0x213: {  	[sflag:s19] =	ssyncset.done $0x0  }
0x214: {  	s25 =	rddreg [dreg:$0x1b];
	[sflag:s19] =	ssyncadd.s32 $0xFFFF8000  }
0x215: {  	[tilespmem:s23], [sflag:$0x1] =	stream.linear.gather [hbm4b:s25+s23], $0x8000, $0x38;
	[tilespmem:$0x18000] =	vst v63  }
0x216: {  	_ =	swait.ge [sflag:s20], $0x8000  }
0x217: {  	[sflag:s20] =	ssyncset.done $0x0  }
0x218: {  	s23 =	simm.s32 $0x0;
	[sflag:s20] =	ssyncadd.s32 $0xFFFF8000  }
0x219: {  	v0 =	vld [tilespmem:s23+$0x10070]  }
0x21a: {  	v1 =	vld [tilespmem:s23+$0x10000]  }
0x21b: {  	v2 =	vld [tilespmem:s23+$0x10010]  }
0x21c: {  	v3 =	vld [tilespmem:s23+$0x10020]  }
0x21d: {  	v4 =	vld [tilespmem:s23+$0x10030]  }
0x21e: {  	v5 =	vld [tilespmem:s23+$0x10040]  }
0x21f: {  	v6 =	vld [tilespmem:s23+$0x10050]  }
0x220: {  	[tilespmem:s23+$0x8070] =	vst.add.f32.msk $0xffff, v0  }
0x221: {  	v0 =	vld [tilespmem:s23+$0x10060]  }
0x222: {  	[tilespmem:s23+$0x8000] =	vst.add.f32.msk $0xffff, v1  }
0x223: {  	[tilespmem:s23+$0x8010] =	vst.add.f32.msk $0xffff, v2  }
0x224: {  	[tilespmem:s23+$0x8020] =	vst.add.f32.msk $0xffff, v3  }
0x225: {  	[tilespmem:s23+$0x8030] =	vst.add.f32.msk $0xffff, v4  }
0x226: {  	[tilespmem:s23+$0x8040] =	vst.add.f32.msk $0xffff, v5  }
0x227: {  	s24 =	simm.s32 $0x0;
	s25 =	simm.s32 $0x200;
	[tilespmem:s23+$0x8050] =	vst.add.f32.msk $0xffff, v6  }
.LBB2_24:
0x228: {  	s24 =	sadd.s32 $0x80, s24;
	[tilespmem:s23+$0x8060] =	vst.add.f32.msk $0xffff, v0;
	s23 =	sshra.s32 s25, $0x2  }
0x229: {  	v0 =	vld [tilespmem:s23+$0x10070];
	p0 =	slt.u32 s24, $0x7F80  }
0x22a: {  	v1 =	vld [tilespmem:s23+$0x10000]  }
0x22b: {  	v2 =	vld [tilespmem:s23+$0x10010]  }
0x22c: {  	v3 =	vld [tilespmem:s23+$0x10020]  }
0x22d: {  	v4 =	vld [tilespmem:s23+$0x10030]  }
0x22e: {  	[tilespmem:s23+$0x8070] =	vst.add.f32.msk $0xffff, v0  }
0x22f: {  	v5 =	vld [tilespmem:s23+$0x10040]  }
0x230: {  	v6 =	vld [tilespmem:s23+$0x10050]  }
0x231: {  	v0 =	vld [tilespmem:s23+$0x10060]  }
0x232: {  	[tilespmem:s23+$0x8000] =	vst.add.f32.msk $0xffff, v1  }
.Ltmp11:
0x233: {  	[tilespmem:s23+$0x8010] =	vst.add.f32.msk $0xffff, v2;
	(pc) =	sbr.rel @p0 .LBB2_24-.Ltmp11, $4  }
0x234: {  	[tilespmem:s23+$0x8020] =	vst.add.f32.msk $0xffff, v3  }
0x235: {  	[tilespmem:s23+$0x8030] =	vst.add.f32.msk $0xffff, v4  }
0x236: {  	[tilespmem:s23+$0x8040] =	vst.add.f32.msk $0xffff, v5  }
0x237: {  	s25 =	sadd.s32 $0x200, s25;
	[tilespmem:s23+$0x8050] =	vst.add.f32.msk $0xffff, v6  }
0x238: {  	[tilespmem:s23+$0x8060] =	vst.add.f32.msk $0xffff, v0  }
0x239: {  	s23 =	simm.s32 $0x0;
	s24 =	rddreg [dreg:$0x1a]  }
0x23a: {  	[hbm4b:s24+s23] =	stream.linear.scatter [tilespmem:s15], [sflag:$0x4], $0x8000, $0x38;
	[tilespmem:$0x18000] =	vst v63  }
0x23b: {  	_ =	swait.ge [sflag:s21], $0x8000  }
0x23c: {  	[sflag:s21] =	ssyncset.done $0x0  }
0x23d: {  	s25 =	rddreg [dreg:$0x1e];
	[sflag:s21] =	ssyncadd.s32 $0xFFFF8000  }
0x23e: {  	[tilespmem:s15], [sflag:$0x2] =	stream.linear.gather [hbm4b:s25+s23], $0x8000, $0x38;
	[tilespmem:$0x18000] =	vst v63  }
0x23f: {  	s25 =	rddreg [dreg:$0x1c]  }
0x240: {  	[tilespmem:s16], [sflag:$0x5] =	stream.linear.gather [hbm4b:s25+s23], $0x8000, $0x38;
	[tilespmem:$0x18000] =	vst v63  }
0x241: {  	_ =	swait.ge [sflag:s17], $0x8000  }
0x242: {  	[sflag:s17] =	ssyncset.done $0x0  }
0x243: {  	[sflag:s17] =	ssyncadd.s32 $0xFFFF8000  }
0x244: {  	_ =	swait.ge [sflag:s18], $0x8000  }
0x245: {  	[sflag:s18] =	ssyncset.done $0x0  }
0x246: {  	s23 =	simm.s32 $0x0;
	[sflag:s18] =	ssyncadd.s32 $0xFFFF8000  }
0x247: {  	v0 =	vld [tilespmem:s23+$0x10070]  }
0x248: {  	v1 =	vld [tilespmem:s23+$0x10000]  }
0x249: {  	v2 =	vld [tilespmem:s23+$0x10010]  }
0x24a: {  	v3 =	vld [tilespmem:s23+$0x10020]  }
0x24b: {  	v4 =	vld [tilespmem:s23+$0x10030]  }
0x24c: {  	v5 =	vld [tilespmem:s23+$0x10040]  }
0x24d: {  	v6 =	vld [tilespmem:s23+$0x10050]  }
0x24e: {  	[tilespmem:s23+$0x70] =	vst.add.f32.msk $0xffff, v0  }
0x24f: {  	v0 =	vld [tilespmem:s23+$0x10060]  }
0x250: {  	[tilespmem:s23+$0x0] =	vst.add.f32.msk $0xffff, v1  }
0x251: {  	[tilespmem:s23+$0x10] =	vst.add.f32.msk $0xffff, v2  }
0x252: {  	[tilespmem:s23+$0x20] =	vst.add.f32.msk $0xffff, v3  }
0x253: {  	[tilespmem:s23+$0x30] =	vst.add.f32.msk $0xffff, v4  }
0x254: {  	[tilespmem:s23+$0x40] =	vst.add.f32.msk $0xffff, v5  }
0x255: {  	s24 =	simm.s32 $0x0;
	s25 =	simm.s32 $0x200;
	[tilespmem:s23+$0x50] =	vst.add.f32.msk $0xffff, v6  }
.LBB2_26:
0x256: {  	s24 =	sadd.s32 $0x80, s24;
	[tilespmem:s23+$0x60] =	vst.add.f32.msk $0xffff, v0;
	s23 =	sshra.s32 s25, $0x2  }
0x257: {  	v0 =	vld [tilespmem:s23+$0x10070];
	p0 =	slt.u32 s24, $0x7F80  }
0x258: {  	v1 =	vld [tilespmem:s23+$0x10000]  }
0x259: {  	v2 =	vld [tilespmem:s23+$0x10010]  }
0x25a: {  	v3 =	vld [tilespmem:s23+$0x10020]  }
0x25b: {  	v4 =	vld [tilespmem:s23+$0x10030]  }
0x25c: {  	[tilespmem:s23+$0x70] =	vst.add.f32.msk $0xffff, v0  }
0x25d: {  	v5 =	vld [tilespmem:s23+$0x10040]  }
0x25e: {  	v6 =	vld [tilespmem:s23+$0x10050]  }
0x25f: {  	v0 =	vld [tilespmem:s23+$0x10060]  }
0x260: {  	[tilespmem:s23+$0x0] =	vst.add.f32.msk $0xffff, v1  }
.Ltmp12:
0x261: {  	[tilespmem:s23+$0x10] =	vst.add.f32.msk $0xffff, v2;
	(pc) =	sbr.rel @p0 .LBB2_26-.Ltmp12, $4  }
0x262: {  	[tilespmem:s23+$0x20] =	vst.add.f32.msk $0xffff, v3  }
0x263: {  	[tilespmem:s23+$0x30] =	vst.add.f32.msk $0xffff, v4  }
0x264: {  	[tilespmem:s23+$0x40] =	vst.add.f32.msk $0xffff, v5  }
0x265: {  	s25 =	sadd.s32 $0x200, s25;
	[tilespmem:s23+$0x50] =	vst.add.f32.msk $0xffff, v6  }
0x266: {  	[tilespmem:s23+$0x60] =	vst.add.f32.msk $0xffff, v0  }
0x267: {  	s23 =	simm.s32 $0x0;
	s24 =	rddreg [dreg:$0x1d]  }
0x268: {  	[hbm4b:s24+s23] =	stream.linear.scatter [tilespmem:s23], [sflag:$0x3], $0x8000, $0x38;
	[tilespmem:$0x18000] =	vst v63  }
0x269: {  	_ =	swait.ge [sflag:s19], $0x8000  }
0x26a: {  	s25 =	sld [smem:$0x7E5]  }
0x26b: {  	[sflag:s19] =	ssyncset.done $0x0  }
0x26c: {  	[sflag:s19] =	ssyncadd.s32 $0xFFFF8000  }
0x26d: {  	[tilespmem:s23], [sflag:$0x1] =	stream.linear.gather [hbm4b:s25+s23], $0x8000, $0x38;
	[tilespmem:$0x18000] =	vst v63  }
0x26e: {  	_ =	swait.ge [sflag:s20], $0x8000  }
0x26f: {  	[sflag:s20] =	ssyncset.done $0x0  }
0x270: {  	s23 =	simm.s32 $0x0;
	[sflag:s20] =	ssyncadd.s32 $0xFFFF8000  }
0x271: {  	v0 =	vld [tilespmem:s23+$0x10070]  }
0x272: {  	v1 =	vld [tilespmem:s23+$0x10000]  }
0x273: {  	v2 =	vld [tilespmem:s23+$0x10010]  }
0x274: {  	v3 =	vld [tilespmem:s23+$0x10020]  }
0x275: {  	v4 =	vld [tilespmem:s23+$0x10030]  }
0x276: {  	v5 =	vld [tilespmem:s23+$0x10040]  }
0x277: {  	v6 =	vld [tilespmem:s23+$0x10050]  }
0x278: {  	[tilespmem:s23+$0x8070] =	vst.add.f32.msk $0xffff, v0  }
0x279: {  	v0 =	vld [tilespmem:s23+$0x10060]  }
0x27a: {  	[tilespmem:s23+$0x8000] =	vst.add.f32.msk $0xffff, v1  }
0x27b: {  	[tilespmem:s23+$0x8010] =	vst.add.f32.msk $0xffff, v2  }
0x27c: {  	[tilespmem:s23+$0x8020] =	vst.add.f32.msk $0xffff, v3  }
0x27d: {  	[tilespmem:s23+$0x8030] =	vst.add.f32.msk $0xffff, v4  }
0x27e: {  	[tilespmem:s23+$0x8040] =	vst.add.f32.msk $0xffff, v5  }
0x27f: {  	s24 =	simm.s32 $0x0;
	s25 =	simm.s32 $0x200;
	[tilespmem:s23+$0x8050] =	vst.add.f32.msk $0xffff, v6  }
.LBB2_28:
0x280: {  	s24 =	sadd.s32 $0x80, s24;
	[tilespmem:s23+$0x8060] =	vst.add.f32.msk $0xffff, v0;
	s23 =	sshra.s32 s25, $0x2  }
0x281: {  	v0 =	vld [tilespmem:s23+$0x10070];
	p0 =	slt.u32 s24, $0x7F80  }
0x282: {  	v1 =	vld [tilespmem:s23+$0x10000]  }
0x283: {  	v2 =	vld [tilespmem:s23+$0x10010]  }
0x284: {  	v3 =	vld [tilespmem:s23+$0x10020]  }
0x285: {  	v4 =	vld [tilespmem:s23+$0x10030]  }
0x286: {  	[tilespmem:s23+$0x8070] =	vst.add.f32.msk $0xffff, v0  }
0x287: {  	v5 =	vld [tilespmem:s23+$0x10040]  }
0x288: {  	v6 =	vld [tilespmem:s23+$0x10050]  }
0x289: {  	v0 =	vld [tilespmem:s23+$0x10060]  }
0x28a: {  	[tilespmem:s23+$0x8000] =	vst.add.f32.msk $0xffff, v1  }
.Ltmp13:
0x28b: {  	[tilespmem:s23+$0x8010] =	vst.add.f32.msk $0xffff, v2;
	(pc) =	sbr.rel @p0 .LBB2_28-.Ltmp13, $4  }
0x28c: {  	[tilespmem:s23+$0x8020] =	vst.add.f32.msk $0xffff, v3  }
0x28d: {  	[tilespmem:s23+$0x8030] =	vst.add.f32.msk $0xffff, v4  }
0x28e: {  	[tilespmem:s23+$0x8040] =	vst.add.f32.msk $0xffff, v5  }
0x28f: {  	s25 =	sadd.s32 $0x200, s25;
	[tilespmem:s23+$0x8050] =	vst.add.f32.msk $0xffff, v6  }
0x290: {  	[tilespmem:s23+$0x8060] =	vst.add.f32.msk $0xffff, v0  }
0x291: {  	s23 =	simm.s32 $0x0;
	s24 =	rddreg [dreg:$0x1f]  }
0x292: {  	[hbm4b:s24+s23] =	stream.linear.scatter [tilespmem:s15], [sflag:$0x4], $0x8000, $0x38;
	[tilespmem:$0x18000] =	vst v63  }
0x293: {  	_ =	swait.ge [sflag:s21], $0x8000  }
0x294: {  	s25 =	sld [smem:$0x7E7]  }
0x295: {  	[sflag:s21] =	ssyncset.done $0x0  }
0x296: {  	[sflag:s21] =	ssyncadd.s32 $0xFFFF8000  }
0x297: {  	[tilespmem:s15], [sflag:$0x2] =	stream.linear.gather [hbm4b:s25+s23], $0x8000, $0x38;
	[tilespmem:$0x18000] =	vst v63  }
0x298: {  	_ =	swait.ge [sflag:s18], $0x8000  }
0x299: {  	[sflag:s18] =	ssyncset.done $0x0  }
0x29a: {  	s23 =	simm.s32 $0x0;
	[sflag:s18] =	ssyncadd.s32 $0xFFFF8000  }
0x29b: {  	v0 =	vld [tilespmem:s23+$0x10070]  }
0x29c: {  	v1 =	vld [tilespmem:s23+$0x10000]  }
0x29d: {  	v2 =	vld [tilespmem:s23+$0x10010]  }
0x29e: {  	v3 =	vld [tilespmem:s23+$0x10020]  }
0x29f: {  	v4 =	vld [tilespmem:s23+$0x10030]  }
0x2a0: {  	v5 =	vld [tilespmem:s23+$0x10040]  }
0x2a1: {  	v6 =	vld [tilespmem:s23+$0x10050]  }
0x2a2: {  	[tilespmem:s23+$0x70] =	vst.add.f32.msk $0xffff, v0  }
0x2a3: {  	v0 =	vld [tilespmem:s23+$0x10060]  }
0x2a4: {  	[tilespmem:s23+$0x0] =	vst.add.f32.msk $0xffff, v1  }
0x2a5: {  	[tilespmem:s23+$0x10] =	vst.add.f32.msk $0xffff, v2  }
0x2a6: {  	[tilespmem:s23+$0x20] =	vst.add.f32.msk $0xffff, v3  }
0x2a7: {  	[tilespmem:s23+$0x30] =	vst.add.f32.msk $0xffff, v4  }
0x2a8: {  	[tilespmem:s23+$0x40] =	vst.add.f32.msk $0xffff, v5  }
0x2a9: {  	s24 =	simm.s32 $0x0;
	s25 =	simm.s32 $0x200;
	[tilespmem:s23+$0x50] =	vst.add.f32.msk $0xffff, v6  }
.LBB2_30:
0x2aa: {  	s24 =	sadd.s32 $0x80, s24;
	[tilespmem:s23+$0x60] =	vst.add.f32.msk $0xffff, v0;
	s23 =	sshra.s32 s25, $0x2  }
0x2ab: {  	v0 =	vld [tilespmem:s23+$0x10070];
	p0 =	slt.u32 s24, $0x7F80  }
0x2ac: {  	v1 =	vld [tilespmem:s23+$0x10000]  }
0x2ad: {  	v2 =	vld [tilespmem:s23+$0x10010]  }
0x2ae: {  	v3 =	vld [tilespmem:s23+$0x10020]  }
0x2af: {  	v4 =	vld [tilespmem:s23+$0x10030]  }
0x2b0: {  	[tilespmem:s23+$0x70] =	vst.add.f32.msk $0xffff, v0  }
0x2b1: {  	v5 =	vld [tilespmem:s23+$0x10040]  }
0x2b2: {  	v6 =	vld [tilespmem:s23+$0x10050]  }
0x2b3: {  	v0 =	vld [tilespmem:s23+$0x10060]  }
0x2b4: {  	[tilespmem:s23+$0x0] =	vst.add.f32.msk $0xffff, v1  }
.Ltmp14:
0x2b5: {  	[tilespmem:s23+$0x10] =	vst.add.f32.msk $0xffff, v2;
	(pc) =	sbr.rel @p0 .LBB2_30-.Ltmp14, $4  }
0x2b6: {  	[tilespmem:s23+$0x20] =	vst.add.f32.msk $0xffff, v3  }
0x2b7: {  	[tilespmem:s23+$0x30] =	vst.add.f32.msk $0xffff, v4  }
0x2b8: {  	[tilespmem:s23+$0x40] =	vst.add.f32.msk $0xffff, v5  }
0x2b9: {  	s25 =	sadd.s32 $0x200, s25;
	[tilespmem:s23+$0x50] =	vst.add.f32.msk $0xffff, v6  }
0x2ba: {  	[tilespmem:s23+$0x60] =	vst.add.f32.msk $0xffff, v0  }
0x2bb: {  	s24 =	sld [smem:$0x7E6];
	_ =	sdelay $0x1  }
0x2bc: {  	s23 =	simm.s32 $0x0  }
0x2bd: {  	[hbm4b:s24+s23] =	stream.linear.scatter [tilespmem:s23], [sflag:$0x3], $0x8000, $0x38;
	[tilespmem:$0x18000] =	vst v63  }
0x2be: {  	_ =	swait.ge [sflag:s19], $0x8000  }
0x2bf: {  	s25 =	sld [smem:$0x7E9]  }
0x2c0: {  	[sflag:s19] =	ssyncset.done $0x0  }
0x2c1: {  	[sflag:s19] =	ssyncadd.s32 $0xFFFF8000  }
0x2c2: {  	[tilespmem:s23], [sflag:$0x1] =	stream.linear.gather [hbm4b:s25+s23], $0x8000, $0x38;
	[tilespmem:$0x18000] =	vst v63  }
0x2c3: {  	_ =	swait.ge [sflag:s20], $0x8000  }
0x2c4: {  	[sflag:s20] =	ssyncset.done $0x0  }
0x2c5: {  	s23 =	simm.s32 $0x0;
	[sflag:s20] =	ssyncadd.s32 $0xFFFF8000  }
0x2c6: {  	v0 =	vld [tilespmem:s23+$0x10070]  }
0x2c7: {  	v1 =	vld [tilespmem:s23+$0x10000]  }
0x2c8: {  	v2 =	vld [tilespmem:s23+$0x10010]  }
0x2c9: {  	v3 =	vld [tilespmem:s23+$0x10020]  }
0x2ca: {  	v4 =	vld [tilespmem:s23+$0x10030]  }
0x2cb: {  	v5 =	vld [tilespmem:s23+$0x10040]  }
0x2cc: {  	v6 =	vld [tilespmem:s23+$0x10050]  }
0x2cd: {  	[tilespmem:s23+$0x8070] =	vst.add.f32.msk $0xffff, v0  }
0x2ce: {  	v0 =	vld [tilespmem:s23+$0x10060]  }
0x2cf: {  	[tilespmem:s23+$0x8000] =	vst.add.f32.msk $0xffff, v1  }
0x2d0: {  	[tilespmem:s23+$0x8010] =	vst.add.f32.msk $0xffff, v2  }
0x2d1: {  	[tilespmem:s23+$0x8020] =	vst.add.f32.msk $0xffff, v3  }
0x2d2: {  	[tilespmem:s23+$0x8030] =	vst.add.f32.msk $0xffff, v4  }
0x2d3: {  	[tilespmem:s23+$0x8040] =	vst.add.f32.msk $0xffff, v5  }
0x2d4: {  	s24 =	simm.s32 $0x0;
	s25 =	simm.s32 $0x200;
	[tilespmem:s23+$0x8050] =	vst.add.f32.msk $0xffff, v6  }
.LBB2_32:
0x2d5: {  	s24 =	sadd.s32 $0x80, s24;
	[tilespmem:s23+$0x8060] =	vst.add.f32.msk $0xffff, v0;
	s23 =	sshra.s32 s25, $0x2  }
0x2d6: {  	v0 =	vld [tilespmem:s23+$0x10070];
	p0 =	slt.u32 s24, $0x7F80  }
0x2d7: {  	v1 =	vld [tilespmem:s23+$0x10000]  }
0x2d8: {  	v2 =	vld [tilespmem:s23+$0x10010]  }
0x2d9: {  	v3 =	vld [tilespmem:s23+$0x10020]  }
0x2da: {  	v4 =	vld [tilespmem:s23+$0x10030]  }
0x2db: {  	[tilespmem:s23+$0x8070] =	vst.add.f32.msk $0xffff, v0  }
0x2dc: {  	v5 =	vld [tilespmem:s23+$0x10040]  }
0x2dd: {  	v6 =	vld [tilespmem:s23+$0x10050]  }
0x2de: {  	v0 =	vld [tilespmem:s23+$0x10060]  }
0x2df: {  	[tilespmem:s23+$0x8000] =	vst.add.f32.msk $0xffff, v1  }
.Ltmp15:
0x2e0: {  	[tilespmem:s23+$0x8010] =	vst.add.f32.msk $0xffff, v2;
	(pc) =	sbr.rel @p0 .LBB2_32-.Ltmp15, $4  }
0x2e1: {  	[tilespmem:s23+$0x8020] =	vst.add.f32.msk $0xffff, v3  }
0x2e2: {  	[tilespmem:s23+$0x8030] =	vst.add.f32.msk $0xffff, v4  }
0x2e3: {  	[tilespmem:s23+$0x8040] =	vst.add.f32.msk $0xffff, v5  }
0x2e4: {  	s25 =	sadd.s32 $0x200, s25;
	[tilespmem:s23+$0x8050] =	vst.add.f32.msk $0xffff, v6  }
0x2e5: {  	[tilespmem:s23+$0x8060] =	vst.add.f32.msk $0xffff, v0  }
0x2e6: {  	s24 =	sld [smem:$0x7E8];
	_ =	sdelay $0x1  }
0x2e7: {  	s23 =	simm.s32 $0x0  }
0x2e8: {  	[hbm4b:s24+s23] =	stream.linear.scatter [tilespmem:s15], [sflag:$0x4], $0x8000, $0x38;
	[tilespmem:$0x18000] =	vst v63  }
0x2e9: {  	_ =	swait.ge [sflag:s21], $0x8000  }
0x2ea: {  	s25 =	sld [smem:$0x7EC]  }
0x2eb: {  	[sflag:s21] =	ssyncset.done $0x0  }
0x2ec: {  	[sflag:s21] =	ssyncadd.s32 $0xFFFF8000  }
0x2ed: {  	[tilespmem:s15], [sflag:$0x2] =	stream.linear.gather [hbm4b:s25+s23], $0x8000, $0x38;
	[tilespmem:$0x18000] =	vst v63  }
0x2ee: {  	s25 =	sld [smem:$0x7EA];
	_ =	sdelay $0x2  }
0x2ef: {  	[tilespmem:s16], [sflag:$0x5] =	stream.linear.gather [hbm4b:s25+s23], $0x8000, $0x38;
	[tilespmem:$0x18000] =	vst v63  }
0x2f0: {  	_ =	swait.ge [sflag:s17], $0x8000  }
0x2f1: {  	[sflag:s17] =	ssyncset.done $0x0  }
0x2f2: {  	[sflag:s17] =	ssyncadd.s32 $0xFFFF8000  }
0x2f3: {  	_ =	swait.ge [sflag:s18], $0x8000  }
0x2f4: {  	[sflag:s18] =	ssyncset.done $0x0  }
0x2f5: {  	s23 =	simm.s32 $0x0;
	[sflag:s18] =	ssyncadd.s32 $0xFFFF8000  }
0x2f6: {  	v0 =	vld [tilespmem:s23+$0x10070]  }
0x2f7: {  	v1 =	vld [tilespmem:s23+$0x10000]  }
0x2f8: {  	v2 =	vld [tilespmem:s23+$0x10010]  }
0x2f9: {  	v3 =	vld [tilespmem:s23+$0x10020]  }
0x2fa: {  	v4 =	vld [tilespmem:s23+$0x10030]  }
0x2fb: {  	v5 =	vld [tilespmem:s23+$0x10040]  }
0x2fc: {  	v6 =	vld [tilespmem:s23+$0x10050]  }
0x2fd: {  	[tilespmem:s23+$0x70] =	vst.add.f32.msk $0xffff, v0  }
0x2fe: {  	v0 =	vld [tilespmem:s23+$0x10060]  }
0x2ff: {  	[tilespmem:s23+$0x0] =	vst.add.f32.msk $0xffff, v1  }
0x300: {  	[tilespmem:s23+$0x10] =	vst.add.f32.msk $0xffff, v2  }
0x301: {  	[tilespmem:s23+$0x20] =	vst.add.f32.msk $0xffff, v3  }
0x302: {  	[tilespmem:s23+$0x30] =	vst.add.f32.msk $0xffff, v4  }
0x303: {  	[tilespmem:s23+$0x40] =	vst.add.f32.msk $0xffff, v5  }
0x304: {  	s24 =	simm.s32 $0x0;
	s25 =	simm.s32 $0x200;
	[tilespmem:s23+$0x50] =	vst.add.f32.msk $0xffff, v6  }
.LBB2_34:
0x305: {  	s24 =	sadd.s32 $0x80, s24;
	[tilespmem:s23+$0x60] =	vst.add.f32.msk $0xffff, v0;
	s23 =	sshra.s32 s25, $0x2  }
0x306: {  	v0 =	vld [tilespmem:s23+$0x10070];
	p0 =	slt.u32 s24, $0x7F80  }
0x307: {  	v1 =	vld [tilespmem:s23+$0x10000]  }
0x308: {  	v2 =	vld [tilespmem:s23+$0x10010]  }
0x309: {  	v3 =	vld [tilespmem:s23+$0x10020]  }
0x30a: {  	v4 =	vld [tilespmem:s23+$0x10030]  }
0x30b: {  	[tilespmem:s23+$0x70] =	vst.add.f32.msk $0xffff, v0  }
0x30c: {  	v5 =	vld [tilespmem:s23+$0x10040]  }
0x30d: {  	v6 =	vld [tilespmem:s23+$0x10050]  }
0x30e: {  	v0 =	vld [tilespmem:s23+$0x10060]  }
0x30f: {  	[tilespmem:s23+$0x0] =	vst.add.f32.msk $0xffff, v1  }
.Ltmp16:
0x310: {  	[tilespmem:s23+$0x10] =	vst.add.f32.msk $0xffff, v2;
	(pc) =	sbr.rel @p0 .LBB2_34-.Ltmp16, $4  }
0x311: {  	[tilespmem:s23+$0x20] =	vst.add.f32.msk $0xffff, v3  }
0x312: {  	[tilespmem:s23+$0x30] =	vst.add.f32.msk $0xffff, v4  }
0x313: {  	[tilespmem:s23+$0x40] =	vst.add.f32.msk $0xffff, v5  }
0x314: {  	s25 =	sadd.s32 $0x200, s25;
	[tilespmem:s23+$0x50] =	vst.add.f32.msk $0xffff, v6  }
0x315: {  	[tilespmem:s23+$0x60] =	vst.add.f32.msk $0xffff, v0  }
0x316: {  	s24 =	sld [smem:$0x7EB];
	_ =	sdelay $0x1  }
0x317: {  	s23 =	simm.s32 $0x0  }
0x318: {  	[hbm4b:s24+s23] =	stream.linear.scatter [tilespmem:s23], [sflag:$0x3], $0x8000, $0x38;
	[tilespmem:$0x18000] =	vst v63  }
0x319: {  	_ =	swait.ge [sflag:s19], $0x8000  }
0x31a: {  	s25 =	sld [smem:$0x7EE]  }
0x31b: {  	[sflag:s19] =	ssyncset.done $0x0  }
0x31c: {  	[sflag:s19] =	ssyncadd.s32 $0xFFFF8000  }
0x31d: {  	[tilespmem:s23], [sflag:$0x1] =	stream.linear.gather [hbm4b:s25+s23], $0x8000, $0x38;
	[tilespmem:$0x18000] =	vst v63  }
0x31e: {  	_ =	swait.ge [sflag:s20], $0x8000  }
0x31f: {  	[sflag:s20] =	ssyncset.done $0x0  }
0x320: {  	s23 =	simm.s32 $0x0;
	[sflag:s20] =	ssyncadd.s32 $0xFFFF8000  }
0x321: {  	v0 =	vld [tilespmem:s23+$0x10070]  }
0x322: {  	v1 =	vld [tilespmem:s23+$0x10000]  }
0x323: {  	v2 =	vld [tilespmem:s23+$0x10010]  }
0x324: {  	v3 =	vld [tilespmem:s23+$0x10020]  }
0x325: {  	v4 =	vld [tilespmem:s23+$0x10030]  }
0x326: {  	v5 =	vld [tilespmem:s23+$0x10040]  }
0x327: {  	v6 =	vld [tilespmem:s23+$0x10050]  }
0x328: {  	[tilespmem:s23+$0x8070] =	vst.add.f32.msk $0xffff, v0  }
0x329: {  	v0 =	vld [tilespmem:s23+$0x10060]  }
0x32a: {  	[tilespmem:s23+$0x8000] =	vst.add.f32.msk $0xffff, v1  }
0x32b: {  	[tilespmem:s23+$0x8010] =	vst.add.f32.msk $0xffff, v2  }
0x32c: {  	[tilespmem:s23+$0x8020] =	vst.add.f32.msk $0xffff, v3  }
0x32d: {  	[tilespmem:s23+$0x8030] =	vst.add.f32.msk $0xffff, v4  }
0x32e: {  	[tilespmem:s23+$0x8040] =	vst.add.f32.msk $0xffff, v5  }
0x32f: {  	s24 =	simm.s32 $0x0;
	s25 =	simm.s32 $0x200;
	[tilespmem:s23+$0x8050] =	vst.add.f32.msk $0xffff, v6  }
.LBB2_36:
0x330: {  	s24 =	sadd.s32 $0x80, s24;
	[tilespmem:s23+$0x8060] =	vst.add.f32.msk $0xffff, v0;
	s23 =	sshra.s32 s25, $0x2  }
0x331: {  	v0 =	vld [tilespmem:s23+$0x10070];
	p0 =	slt.u32 s24, $0x7F80  }
0x332: {  	v1 =	vld [tilespmem:s23+$0x10000]  }
0x333: {  	v2 =	vld [tilespmem:s23+$0x10010]  }
0x334: {  	v3 =	vld [tilespmem:s23+$0x10020]  }
0x335: {  	v4 =	vld [tilespmem:s23+$0x10030]  }
0x336: {  	[tilespmem:s23+$0x8070] =	vst.add.f32.msk $0xffff, v0  }
0x337: {  	v5 =	vld [tilespmem:s23+$0x10040]  }
0x338: {  	v6 =	vld [tilespmem:s23+$0x10050]  }
0x339: {  	v0 =	vld [tilespmem:s23+$0x10060]  }
0x33a: {  	[tilespmem:s23+$0x8000] =	vst.add.f32.msk $0xffff, v1  }
.Ltmp17:
0x33b: {  	[tilespmem:s23+$0x8010] =	vst.add.f32.msk $0xffff, v2;
	(pc) =	sbr.rel @p0 .LBB2_36-.Ltmp17, $4  }
0x33c: {  	[tilespmem:s23+$0x8020] =	vst.add.f32.msk $0xffff, v3  }
0x33d: {  	[tilespmem:s23+$0x8030] =	vst.add.f32.msk $0xffff, v4  }
0x33e: {  	[tilespmem:s23+$0x8040] =	vst.add.f32.msk $0xffff, v5  }
0x33f: {  	s25 =	sadd.s32 $0x200, s25;
	[tilespmem:s23+$0x8050] =	vst.add.f32.msk $0xffff, v6  }
0x340: {  	[tilespmem:s23+$0x8060] =	vst.add.f32.msk $0xffff, v0  }
0x341: {  	s24 =	sld [smem:$0x7ED];
	_ =	sdelay $0x1  }
0x342: {  	s23 =	simm.s32 $0x0  }
0x343: {  	[hbm4b:s24+s23] =	stream.linear.scatter [tilespmem:s15], [sflag:$0x4], $0x8000, $0x38;
	[tilespmem:$0x18000] =	vst v63  }
0x344: {  	_ =	swait.ge [sflag:s21], $0x8000  }
0x345: {  	s25 =	sld [smem:$0x7F0]  }
0x346: {  	[sflag:s21] =	ssyncset.done $0x0  }
0x347: {  	[sflag:s21] =	ssyncadd.s32 $0xFFFF8000  }
0x348: {  	[tilespmem:s15], [sflag:$0x2] =	stream.linear.gather [hbm4b:s25+s23], $0x8000, $0x38;
	[tilespmem:$0x18000] =	vst v63  }
0x349: {  	_ =	swait.ge [sflag:s18], $0x8000  }
0x34a: {  	[sflag:s18] =	ssyncset.done $0x0  }
0x34b: {  	s23 =	simm.s32 $0x0;
	[sflag:s18] =	ssyncadd.s32 $0xFFFF8000  }
0x34c: {  	v0 =	vld [tilespmem:s23+$0x10070]  }
0x34d: {  	v1 =	vld [tilespmem:s23+$0x10000]  }
0x34e: {  	v2 =	vld [tilespmem:s23+$0x10010]  }
0x34f: {  	v3 =	vld [tilespmem:s23+$0x10020]  }
0x350: {  	v4 =	vld [tilespmem:s23+$0x10030]  }
0x351: {  	v5 =	vld [tilespmem:s23+$0x10040]  }
0x352: {  	v6 =	vld [tilespmem:s23+$0x10050]  }
0x353: {  	[tilespmem:s23+$0x70] =	vst.add.f32.msk $0xffff, v0  }
0x354: {  	v0 =	vld [tilespmem:s23+$0x10060]  }
0x355: {  	[tilespmem:s23+$0x0] =	vst.add.f32.msk $0xffff, v1  }
0x356: {  	[tilespmem:s23+$0x10] =	vst.add.f32.msk $0xffff, v2  }
0x357: {  	[tilespmem:s23+$0x20] =	vst.add.f32.msk $0xffff, v3  }
0x358: {  	[tilespmem:s23+$0x30] =	vst.add.f32.msk $0xffff, v4  }
0x359: {  	[tilespmem:s23+$0x40] =	vst.add.f32.msk $0xffff, v5  }
0x35a: {  	s24 =	simm.s32 $0x0;
	s25 =	simm.s32 $0x200;
	[tilespmem:s23+$0x50] =	vst.add.f32.msk $0xffff, v6  }
.LBB2_38:
0x35b: {  	s24 =	sadd.s32 $0x80, s24;
	[tilespmem:s23+$0x60] =	vst.add.f32.msk $0xffff, v0;
	s23 =	sshra.s32 s25, $0x2  }
0x35c: {  	v0 =	vld [tilespmem:s23+$0x10070];
	p0 =	slt.u32 s24, $0x7F80  }
0x35d: {  	v1 =	vld [tilespmem:s23+$0x10000]  }
0x35e: {  	v2 =	vld [tilespmem:s23+$0x10010]  }
0x35f: {  	v3 =	vld [tilespmem:s23+$0x10020]  }
0x360: {  	v4 =	vld [tilespmem:s23+$0x10030]  }
0x361: {  	[tilespmem:s23+$0x70] =	vst.add.f32.msk $0xffff, v0  }
0x362: {  	v5 =	vld [tilespmem:s23+$0x10040]  }
0x363: {  	v6 =	vld [tilespmem:s23+$0x10050]  }
0x364: {  	v0 =	vld [tilespmem:s23+$0x10060]  }
0x365: {  	[tilespmem:s23+$0x0] =	vst.add.f32.msk $0xffff, v1  }
.Ltmp18:
0x366: {  	[tilespmem:s23+$0x10] =	vst.add.f32.msk $0xffff, v2;
	(pc) =	sbr.rel @p0 .LBB2_38-.Ltmp18, $4  }
0x367: {  	[tilespmem:s23+$0x20] =	vst.add.f32.msk $0xffff, v3  }
0x368: {  	[tilespmem:s23+$0x30] =	vst.add.f32.msk $0xffff, v4  }
0x369: {  	[tilespmem:s23+$0x40] =	vst.add.f32.msk $0xffff, v5  }
0x36a: {  	s25 =	sadd.s32 $0x200, s25;
	[tilespmem:s23+$0x50] =	vst.add.f32.msk $0xffff, v6  }
0x36b: {  	[tilespmem:s23+$0x60] =	vst.add.f32.msk $0xffff, v0  }
0x36c: {  	s24 =	sld [smem:$0x7EF];
	_ =	sdelay $0x1  }
0x36d: {  	s23 =	simm.s32 $0x0  }
0x36e: {  	[hbm4b:s24+s23] =	stream.linear.scatter [tilespmem:s23], [sflag:$0x3], $0x8000, $0x38;
	[tilespmem:$0x18000] =	vst v63  }
0x36f: {  	_ =	swait.ge [sflag:s19], $0x8000  }
0x370: {  	s25 =	sld [smem:$0x7F2]  }
0x371: {  	[sflag:s19] =	ssyncset.done $0x0  }
0x372: {  	[sflag:s19] =	ssyncadd.s32 $0xFFFF8000  }
0x373: {  	[tilespmem:s23], [sflag:$0x1] =	stream.linear.gather [hbm4b:s25+s23], $0x8000, $0x38;
	[tilespmem:$0x18000] =	vst v63  }
0x374: {  	_ =	swait.ge [sflag:s20], $0x8000  }
0x375: {  	[sflag:s20] =	ssyncset.done $0x0  }
0x376: {  	s23 =	simm.s32 $0x0;
	[sflag:s20] =	ssyncadd.s32 $0xFFFF8000  }
0x377: {  	v0 =	vld [tilespmem:s23+$0x10070]  }
0x378: {  	v1 =	vld [tilespmem:s23+$0x10000]  }
0x379: {  	v2 =	vld [tilespmem:s23+$0x10010]  }
0x37a: {  	v3 =	vld [tilespmem:s23+$0x10020]  }
0x37b: {  	v4 =	vld [tilespmem:s23+$0x10030]  }
0x37c: {  	v5 =	vld [tilespmem:s23+$0x10040]  }
0x37d: {  	v6 =	vld [tilespmem:s23+$0x10050]  }
0x37e: {  	[tilespmem:s23+$0x8070] =	vst.add.f32.msk $0xffff, v0  }
0x37f: {  	v0 =	vld [tilespmem:s23+$0x10060]  }
0x380: {  	[tilespmem:s23+$0x8000] =	vst.add.f32.msk $0xffff, v1  }
0x381: {  	[tilespmem:s23+$0x8010] =	vst.add.f32.msk $0xffff, v2  }
0x382: {  	[tilespmem:s23+$0x8020] =	vst.add.f32.msk $0xffff, v3  }
0x383: {  	[tilespmem:s23+$0x8030] =	vst.add.f32.msk $0xffff, v4  }
0x384: {  	[tilespmem:s23+$0x8040] =	vst.add.f32.msk $0xffff, v5  }
0x385: {  	s24 =	simm.s32 $0x0;
	s25 =	simm.s32 $0x200;
	[tilespmem:s23+$0x8050] =	vst.add.f32.msk $0xffff, v6  }
.LBB2_40:
0x386: {  	s24 =	sadd.s32 $0x80, s24;
	[tilespmem:s23+$0x8060] =	vst.add.f32.msk $0xffff, v0;
	s23 =	sshra.s32 s25, $0x2  }
0x387: {  	v0 =	vld [tilespmem:s23+$0x10070];
	p0 =	slt.u32 s24, $0x7F80  }
0x388: {  	v1 =	vld [tilespmem:s23+$0x10000]  }
0x389: {  	v2 =	vld [tilespmem:s23+$0x10010]  }
0x38a: {  	v3 =	vld [tilespmem:s23+$0x10020]  }
0x38b: {  	v4 =	vld [tilespmem:s23+$0x10030]  }
0x38c: {  	[tilespmem:s23+$0x8070] =	vst.add.f32.msk $0xffff, v0  }
0x38d: {  	v5 =	vld [tilespmem:s23+$0x10040]  }
0x38e: {  	v6 =	vld [tilespmem:s23+$0x10050]  }
0x38f: {  	v0 =	vld [tilespmem:s23+$0x10060]  }
0x390: {  	[tilespmem:s23+$0x8000] =	vst.add.f32.msk $0xffff, v1  }
.Ltmp19:
0x391: {  	[tilespmem:s23+$0x8010] =	vst.add.f32.msk $0xffff, v2;
	(pc) =	sbr.rel @p0 .LBB2_40-.Ltmp19, $4  }
0x392: {  	[tilespmem:s23+$0x8020] =	vst.add.f32.msk $0xffff, v3  }
0x393: {  	[tilespmem:s23+$0x8030] =	vst.add.f32.msk $0xffff, v4  }
0x394: {  	[tilespmem:s23+$0x8040] =	vst.add.f32.msk $0xffff, v5  }
0x395: {  	s25 =	sadd.s32 $0x200, s25;
	[tilespmem:s23+$0x8050] =	vst.add.f32.msk $0xffff, v6  }
0x396: {  	[tilespmem:s23+$0x8060] =	vst.add.f32.msk $0xffff, v0  }
0x397: {  	s24 =	sld [smem:$0x7F1];
	_ =	sdelay $0x1  }
0x398: {  	s23 =	simm.s32 $0x0  }
0x399: {  	[hbm4b:s24+s23] =	stream.linear.scatter [tilespmem:s15], [sflag:$0x4], $0x8000, $0x38;
	[tilespmem:$0x18000] =	vst v63  }
0x39a: {  	_ =	swait.ge [sflag:s21], $0x8000  }
0x39b: {  	s25 =	sld [smem:$0x7F5]  }
0x39c: {  	[sflag:s21] =	ssyncset.done $0x0  }
0x39d: {  	[sflag:s21] =	ssyncadd.s32 $0xFFFF8000  }
0x39e: {  	[tilespmem:s15], [sflag:$0x2] =	stream.linear.gather [hbm4b:s25+s23], $0x8000, $0x38;
	[tilespmem:$0x18000] =	vst v63  }
0x39f: {  	s25 =	sld [smem:$0x7F3];
	_ =	sdelay $0x2  }
0x3a0: {  	[tilespmem:s16], [sflag:$0x5] =	stream.linear.gather [hbm4b:s25+s23], $0x8000, $0x38;
	[tilespmem:$0x18000] =	vst v63  }
0x3a1: {  	_ =	swait.ge [sflag:s17], $0x8000  }
0x3a2: {  	[sflag:s17] =	ssyncset.done $0x0  }
0x3a3: {  	[sflag:s17] =	ssyncadd.s32 $0xFFFF8000  }
0x3a4: {  	_ =	swait.ge [sflag:s18], $0x8000  }
0x3a5: {  	[sflag:s18] =	ssyncset.done $0x0  }
0x3a6: {  	s23 =	simm.s32 $0x0;
	[sflag:s18] =	ssyncadd.s32 $0xFFFF8000  }
0x3a7: {  	v0 =	vld [tilespmem:s23+$0x10070]  }
0x3a8: {  	v1 =	vld [tilespmem:s23+$0x10000]  }
0x3a9: {  	v2 =	vld [tilespmem:s23+$0x10010]  }
0x3aa: {  	v3 =	vld [tilespmem:s23+$0x10020]  }
0x3ab: {  	v4 =	vld [tilespmem:s23+$0x10030]  }
0x3ac: {  	v5 =	vld [tilespmem:s23+$0x10040]  }
0x3ad: {  	v6 =	vld [tilespmem:s23+$0x10050]  }
0x3ae: {  	[tilespmem:s23+$0x70] =	vst.add.f32.msk $0xffff, v0  }
0x3af: {  	v0 =	vld [tilespmem:s23+$0x10060]  }
0x3b0: {  	[tilespmem:s23+$0x0] =	vst.add.f32.msk $0xffff, v1  }
0x3b1: {  	[tilespmem:s23+$0x10] =	vst.add.f32.msk $0xffff, v2  }
0x3b2: {  	[tilespmem:s23+$0x20] =	vst.add.f32.msk $0xffff, v3  }
0x3b3: {  	[tilespmem:s23+$0x30] =	vst.add.f32.msk $0xffff, v4  }
0x3b4: {  	[tilespmem:s23+$0x40] =	vst.add.f32.msk $0xffff, v5  }
0x3b5: {  	s24 =	simm.s32 $0x0;
	s25 =	simm.s32 $0x200;
	[tilespmem:s23+$0x50] =	vst.add.f32.msk $0xffff, v6  }
.LBB2_42:
0x3b6: {  	s24 =	sadd.s32 $0x80, s24;
	[tilespmem:s23+$0x60] =	vst.add.f32.msk $0xffff, v0;
	s23 =	sshra.s32 s25, $0x2  }
0x3b7: {  	v0 =	vld [tilespmem:s23+$0x10070];
	p0 =	slt.u32 s24, $0x7F80  }
0x3b8: {  	v1 =	vld [tilespmem:s23+$0x10000]  }
0x3b9: {  	v2 =	vld [tilespmem:s23+$0x10010]  }
0x3ba: {  	v3 =	vld [tilespmem:s23+$0x10020]  }
0x3bb: {  	v4 =	vld [tilespmem:s23+$0x10030]  }
0x3bc: {  	[tilespmem:s23+$0x70] =	vst.add.f32.msk $0xffff, v0  }
0x3bd: {  	v5 =	vld [tilespmem:s23+$0x10040]  }
0x3be: {  	v6 =	vld [tilespmem:s23+$0x10050]  }
0x3bf: {  	v0 =	vld [tilespmem:s23+$0x10060]  }
0x3c0: {  	[tilespmem:s23+$0x0] =	vst.add.f32.msk $0xffff, v1  }
.Ltmp20:
0x3c1: {  	[tilespmem:s23+$0x10] =	vst.add.f32.msk $0xffff, v2;
	(pc) =	sbr.rel @p0 .LBB2_42-.Ltmp20, $4  }
0x3c2: {  	[tilespmem:s23+$0x20] =	vst.add.f32.msk $0xffff, v3  }
0x3c3: {  	[tilespmem:s23+$0x30] =	vst.add.f32.msk $0xffff, v4  }
0x3c4: {  	[tilespmem:s23+$0x40] =	vst.add.f32.msk $0xffff, v5  }
0x3c5: {  	s25 =	sadd.s32 $0x200, s25;
	[tilespmem:s23+$0x50] =	vst.add.f32.msk $0xffff, v6  }
0x3c6: {  	[tilespmem:s23+$0x60] =	vst.add.f32.msk $0xffff, v0  }
0x3c7: {  	s24 =	sld [smem:$0x7F4];
	_ =	sdelay $0x1  }
0x3c8: {  	s23 =	simm.s32 $0x0  }
0x3c9: {  	[hbm4b:s24+s23] =	stream.linear.scatter [tilespmem:s23], [sflag:$0x3], $0x8000, $0x38;
	[tilespmem:$0x18000] =	vst v63  }
0x3ca: {  	_ =	swait.ge [sflag:s19], $0x8000  }
0x3cb: {  	s25 =	sld [smem:$0x7F7]  }
0x3cc: {  	[sflag:s19] =	ssyncset.done $0x0  }
0x3cd: {  	[sflag:s19] =	ssyncadd.s32 $0xFFFF8000  }
0x3ce: {  	[tilespmem:s23], [sflag:$0x1] =	stream.linear.gather [hbm4b:s25+s23], $0x8000, $0x38;
	[tilespmem:$0x18000] =	vst v63  }
0x3cf: {  	_ =	swait.ge [sflag:s20], $0x8000  }
0x3d0: {  	[sflag:s20] =	ssyncset.done $0x0  }
0x3d1: {  	s23 =	simm.s32 $0x0;
	[sflag:s20] =	ssyncadd.s32 $0xFFFF8000  }
0x3d2: {  	v0 =	vld [tilespmem:s23+$0x10070]  }
0x3d3: {  	v1 =	vld [tilespmem:s23+$0x10000]  }
0x3d4: {  	v2 =	vld [tilespmem:s23+$0x10010]  }
0x3d5: {  	v3 =	vld [tilespmem:s23+$0x10020]  }
0x3d6: {  	v4 =	vld [tilespmem:s23+$0x10030]  }
0x3d7: {  	v5 =	vld [tilespmem:s23+$0x10040]  }
0x3d8: {  	v6 =	vld [tilespmem:s23+$0x10050]  }
0x3d9: {  	[tilespmem:s23+$0x8070] =	vst.add.f32.msk $0xffff, v0  }
0x3da: {  	v0 =	vld [tilespmem:s23+$0x10060]  }
0x3db: {  	[tilespmem:s23+$0x8000] =	vst.add.f32.msk $0xffff, v1  }
0x3dc: {  	[tilespmem:s23+$0x8010] =	vst.add.f32.msk $0xffff, v2  }
0x3dd: {  	[tilespmem:s23+$0x8020] =	vst.add.f32.msk $0xffff, v3  }
0x3de: {  	[tilespmem:s23+$0x8030] =	vst.add.f32.msk $0xffff, v4  }
0x3df: {  	[tilespmem:s23+$0x8040] =	vst.add.f32.msk $0xffff, v5  }
0x3e0: {  	s24 =	simm.s32 $0x0;
	s25 =	simm.s32 $0x200;
	[tilespmem:s23+$0x8050] =	vst.add.f32.msk $0xffff, v6  }
.LBB2_44:
0x3e1: {  	s24 =	sadd.s32 $0x80, s24;
	[tilespmem:s23+$0x8060] =	vst.add.f32.msk $0xffff, v0;
	s23 =	sshra.s32 s25, $0x2  }
0x3e2: {  	v0 =	vld [tilespmem:s23+$0x10070];
	p0 =	slt.u32 s24, $0x7F80  }
0x3e3: {  	v1 =	vld [tilespmem:s23+$0x10000]  }
0x3e4: {  	v2 =	vld [tilespmem:s23+$0x10010]  }
0x3e5: {  	v3 =	vld [tilespmem:s23+$0x10020]  }
0x3e6: {  	v4 =	vld [tilespmem:s23+$0x10030]  }
0x3e7: {  	[tilespmem:s23+$0x8070] =	vst.add.f32.msk $0xffff, v0  }
0x3e8: {  	v5 =	vld [tilespmem:s23+$0x10040]  }
0x3e9: {  	v6 =	vld [tilespmem:s23+$0x10050]  }
0x3ea: {  	v0 =	vld [tilespmem:s23+$0x10060]  }
0x3eb: {  	[tilespmem:s23+$0x8000] =	vst.add.f32.msk $0xffff, v1  }
.Ltmp21:
0x3ec: {  	[tilespmem:s23+$0x8010] =	vst.add.f32.msk $0xffff, v2;
	(pc) =	sbr.rel @p0 .LBB2_44-.Ltmp21, $4  }
0x3ed: {  	[tilespmem:s23+$0x8020] =	vst.add.f32.msk $0xffff, v3  }
0x3ee: {  	[tilespmem:s23+$0x8030] =	vst.add.f32.msk $0xffff, v4  }
0x3ef: {  	[tilespmem:s23+$0x8040] =	vst.add.f32.msk $0xffff, v5  }
0x3f0: {  	s25 =	sadd.s32 $0x200, s25;
	[tilespmem:s23+$0x8050] =	vst.add.f32.msk $0xffff, v6  }
0x3f1: {  	[tilespmem:s23+$0x8060] =	vst.add.f32.msk $0xffff, v0  }
0x3f2: {  	s24 =	sld [smem:$0x7F6];
	_ =	sdelay $0x1  }
0x3f3: {  	s23 =	simm.s32 $0x0  }
0x3f4: {  	[hbm4b:s24+s23] =	stream.linear.scatter [tilespmem:s15], [sflag:$0x4], $0x8000, $0x38;
	[tilespmem:$0x18000] =	vst v63  }
0x3f5: {  	_ =	swait.ge [sflag:s21], $0x8000  }
0x3f6: {  	s25 =	sld [smem:$0x7F9]  }
0x3f7: {  	[sflag:s21] =	ssyncset.done $0x0  }
0x3f8: {  	[sflag:s21] =	ssyncadd.s32 $0xFFFF8000  }
0x3f9: {  	[tilespmem:s15], [sflag:$0x2] =	stream.linear.gather [hbm4b:s25+s23], $0x8000, $0x38;
	[tilespmem:$0x18000] =	vst v63  }
0x3fa: {  	_ =	swait.ge [sflag:s18], $0x8000  }
0x3fb: {  	[sflag:s18] =	ssyncset.done $0x0  }
0x3fc: {  	s23 =	simm.s32 $0x0;
	[sflag:s18] =	ssyncadd.s32 $0xFFFF8000  }
0x3fd: {  	v0 =	vld [tilespmem:s23+$0x10070]  }
0x3fe: {  	v1 =	vld [tilespmem:s23+$0x10000]  }
0x3ff: {  	v2 =	vld [tilespmem:s23+$0x10010]  }
0x400: {  	v3 =	vld [tilespmem:s23+$0x10020]  }
0x401: {  	v4 =	vld [tilespmem:s23+$0x10030]  }
0x402: {  	v5 =	vld [tilespmem:s23+$0x10040]  }
0x403: {  	v6 =	vld [tilespmem:s23+$0x10050]  }
0x404: {  	[tilespmem:s23+$0x70] =	vst.add.f32.msk $0xffff, v0  }
0x405: {  	v0 =	vld [tilespmem:s23+$0x10060]  }
0x406: {  	[tilespmem:s23+$0x0] =	vst.add.f32.msk $0xffff, v1  }
0x407: {  	[tilespmem:s23+$0x10] =	vst.add.f32.msk $0xffff, v2  }
0x408: {  	[tilespmem:s23+$0x20] =	vst.add.f32.msk $0xffff, v3  }
0x409: {  	[tilespmem:s23+$0x30] =	vst.add.f32.msk $0xffff, v4  }
0x40a: {  	[tilespmem:s23+$0x40] =	vst.add.f32.msk $0xffff, v5  }
0x40b: {  	s24 =	simm.s32 $0x0;
	s25 =	simm.s32 $0x200;
	[tilespmem:s23+$0x50] =	vst.add.f32.msk $0xffff, v6  }
.LBB2_46:
0x40c: {  	s24 =	sadd.s32 $0x80, s24;
	[tilespmem:s23+$0x60] =	vst.add.f32.msk $0xffff, v0;
	s23 =	sshra.s32 s25, $0x2  }
0x40d: {  	v0 =	vld [tilespmem:s23+$0x10070];
	p0 =	slt.u32 s24, $0x7F80  }
0x40e: {  	v1 =	vld [tilespmem:s23+$0x10000]  }
0x40f: {  	v2 =	vld [tilespmem:s23+$0x10010]  }
0x410: {  	v3 =	vld [tilespmem:s23+$0x10020]  }
0x411: {  	v4 =	vld [tilespmem:s23+$0x10030]  }
0x412: {  	[tilespmem:s23+$0x70] =	vst.add.f32.msk $0xffff, v0  }
0x413: {  	v5 =	vld [tilespmem:s23+$0x10040]  }
0x414: {  	v6 =	vld [tilespmem:s23+$0x10050]  }
0x415: {  	v0 =	vld [tilespmem:s23+$0x10060]  }
0x416: {  	[tilespmem:s23+$0x0] =	vst.add.f32.msk $0xffff, v1  }
.Ltmp22:
0x417: {  	[tilespmem:s23+$0x10] =	vst.add.f32.msk $0xffff, v2;
	(pc) =	sbr.rel @p0 .LBB2_46-.Ltmp22, $4  }
0x418: {  	[tilespmem:s23+$0x20] =	vst.add.f32.msk $0xffff, v3  }
0x419: {  	[tilespmem:s23+$0x30] =	vst.add.f32.msk $0xffff, v4  }
0x41a: {  	[tilespmem:s23+$0x40] =	vst.add.f32.msk $0xffff, v5  }
0x41b: {  	s25 =	sadd.s32 $0x200, s25;
	[tilespmem:s23+$0x50] =	vst.add.f32.msk $0xffff, v6  }
0x41c: {  	[tilespmem:s23+$0x60] =	vst.add.f32.msk $0xffff, v0  }
0x41d: {  	s24 =	sld [smem:$0x7F8];
	_ =	sdelay $0x1  }
0x41e: {  	s23 =	simm.s32 $0x0  }
0x41f: {  	[hbm4b:s24+s23] =	stream.linear.scatter [tilespmem:s23], [sflag:$0x3], $0x8000, $0x38;
	[tilespmem:$0x18000] =	vst v63  }
0x420: {  	_ =	swait.ge [sflag:s19], $0x8000  }
0x421: {  	s25 =	sld [smem:$0x7FB]  }
0x422: {  	[sflag:s19] =	ssyncset.done $0x0  }
0x423: {  	[sflag:s19] =	ssyncadd.s32 $0xFFFF8000  }
0x424: {  	[tilespmem:s23], [sflag:$0x1] =	stream.linear.gather [hbm4b:s25+s23], $0x8000, $0x38;
	[tilespmem:$0x18000] =	vst v63  }
0x425: {  	_ =	swait.ge [sflag:s20], $0x8000  }
0x426: {  	[sflag:s20] =	ssyncset.done $0x0  }
0x427: {  	s23 =	simm.s32 $0x0;
	[sflag:s20] =	ssyncadd.s32 $0xFFFF8000  }
0x428: {  	v0 =	vld [tilespmem:s23+$0x10070]  }
0x429: {  	v1 =	vld [tilespmem:s23+$0x10000]  }
0x42a: {  	v2 =	vld [tilespmem:s23+$0x10010]  }
0x42b: {  	v3 =	vld [tilespmem:s23+$0x10020]  }
0x42c: {  	v4 =	vld [tilespmem:s23+$0x10030]  }
0x42d: {  	v5 =	vld [tilespmem:s23+$0x10040]  }
0x42e: {  	v6 =	vld [tilespmem:s23+$0x10050]  }
0x42f: {  	[tilespmem:s23+$0x8070] =	vst.add.f32.msk $0xffff, v0  }
0x430: {  	v0 =	vld [tilespmem:s23+$0x10060]  }
0x431: {  	[tilespmem:s23+$0x8000] =	vst.add.f32.msk $0xffff, v1  }
0x432: {  	[tilespmem:s23+$0x8010] =	vst.add.f32.msk $0xffff, v2  }
0x433: {  	[tilespmem:s23+$0x8020] =	vst.add.f32.msk $0xffff, v3  }
0x434: {  	[tilespmem:s23+$0x8030] =	vst.add.f32.msk $0xffff, v4  }
0x435: {  	[tilespmem:s23+$0x8040] =	vst.add.f32.msk $0xffff, v5  }
0x436: {  	s24 =	simm.s32 $0x0;
	s25 =	simm.s32 $0x200;
	[tilespmem:s23+$0x8050] =	vst.add.f32.msk $0xffff, v6  }
.LBB2_48:
0x437: {  	s24 =	sadd.s32 $0x80, s24;
	[tilespmem:s23+$0x8060] =	vst.add.f32.msk $0xffff, v0;
	s23 =	sshra.s32 s25, $0x2  }
0x438: {  	v0 =	vld [tilespmem:s23+$0x10070];
	p0 =	slt.u32 s24, $0x7F80  }
0x439: {  	v1 =	vld [tilespmem:s23+$0x10000]  }
0x43a: {  	v2 =	vld [tilespmem:s23+$0x10010]  }
0x43b: {  	v3 =	vld [tilespmem:s23+$0x10020]  }
0x43c: {  	v4 =	vld [tilespmem:s23+$0x10030]  }
0x43d: {  	[tilespmem:s23+$0x8070] =	vst.add.f32.msk $0xffff, v0  }
0x43e: {  	v5 =	vld [tilespmem:s23+$0x10040]  }
0x43f: {  	v6 =	vld [tilespmem:s23+$0x10050]  }
0x440: {  	v0 =	vld [tilespmem:s23+$0x10060]  }
0x441: {  	[tilespmem:s23+$0x8000] =	vst.add.f32.msk $0xffff, v1  }
.Ltmp23:
0x442: {  	[tilespmem:s23+$0x8010] =	vst.add.f32.msk $0xffff, v2;
	(pc) =	sbr.rel @p0 .LBB2_48-.Ltmp23, $4  }
0x443: {  	[tilespmem:s23+$0x8020] =	vst.add.f32.msk $0xffff, v3  }
0x444: {  	[tilespmem:s23+$0x8030] =	vst.add.f32.msk $0xffff, v4  }
0x445: {  	[tilespmem:s23+$0x8040] =	vst.add.f32.msk $0xffff, v5  }
0x446: {  	s25 =	sadd.s32 $0x200, s25;
	[tilespmem:s23+$0x8050] =	vst.add.f32.msk $0xffff, v6  }
0x447: {  	[tilespmem:s23+$0x8060] =	vst.add.f32.msk $0xffff, v0  }
0x448: {  	s24 =	sld [smem:$0x7FA];
	_ =	sdelay $0x1  }
0x449: {  	s23 =	simm.s32 $0x0  }
0x44a: {  	[hbm4b:s24+s23] =	stream.linear.scatter [tilespmem:s15], [sflag:$0x4], $0x8000, $0x38;
	[tilespmem:$0x18000] =	vst v63  }
0x44b: {  	_ =	swait.ge [sflag:s21], $0x8000  }
0x44c: {  	[sflag:s21] =	ssyncset.done $0x0  }
0x44d: {  	s25 =	sld [smem:$0x7FC];
	[sflag:s21] =	ssyncadd.s32 $0xFFFF8000  }
0x44e: {  	[tilespmem:s15], [sflag:$0x2] =	stream.linear.gather [hbm4b:s26+s23], $0x8000, $0x38;
	[tilespmem:$0x18000] =	vst v63  }
0x44f: {  	_ = 	snop  }
0x450: {  	[tilespmem:s16], [sflag:$0x5] =	stream.linear.gather [hbm4b:s25+s23], $0x8000, $0x38;
	[tilespmem:$0x18000] =	vst v63  }
0x451: {  	_ =	swait.ge [sflag:s17], $0x8000  }
0x452: {  	[sflag:s17] =	ssyncset.done $0x0  }
0x453: {  	[sflag:s17] =	ssyncadd.s32 $0xFFFF8000  }
0x454: {  	_ =	swait.ge [sflag:s18], $0x8000  }
0x455: {  	[sflag:s18] =	ssyncset.done $0x0  }
0x456: {  	s23 =	simm.s32 $0x0;
	[sflag:s18] =	ssyncadd.s32 $0xFFFF8000  }
0x457: {  	v0 =	vld [tilespmem:s23+$0x10070]  }
0x458: {  	v1 =	vld [tilespmem:s23+$0x10000]  }
0x459: {  	v2 =	vld [tilespmem:s23+$0x10010]  }
0x45a: {  	v3 =	vld [tilespmem:s23+$0x10020]  }
0x45b: {  	v4 =	vld [tilespmem:s23+$0x10030]  }
0x45c: {  	v5 =	vld [tilespmem:s23+$0x10040]  }
0x45d: {  	v6 =	vld [tilespmem:s23+$0x10050]  }
0x45e: {  	[tilespmem:s23+$0x70] =	vst.add.f32.msk $0xffff, v0  }
0x45f: {  	v0 =	vld [tilespmem:s23+$0x10060]  }
0x460: {  	[tilespmem:s23+$0x0] =	vst.add.f32.msk $0xffff, v1  }
0x461: {  	[tilespmem:s23+$0x10] =	vst.add.f32.msk $0xffff, v2  }
0x462: {  	[tilespmem:s23+$0x20] =	vst.add.f32.msk $0xffff, v3  }
0x463: {  	[tilespmem:s23+$0x30] =	vst.add.f32.msk $0xffff, v4  }
0x464: {  	[tilespmem:s23+$0x40] =	vst.add.f32.msk $0xffff, v5  }
0x465: {  	s24 =	simm.s32 $0x0;
	s25 =	simm.s32 $0x200;
	[tilespmem:s23+$0x50] =	vst.add.f32.msk $0xffff, v6  }
.LBB2_50:
0x466: {  	s24 =	sadd.s32 $0x80, s24;
	[tilespmem:s23+$0x60] =	vst.add.f32.msk $0xffff, v0;
	s23 =	sshra.s32 s25, $0x2  }
0x467: {  	v0 =	vld [tilespmem:s23+$0x10070];
	p0 =	slt.u32 s24, $0x7F80  }
0x468: {  	v1 =	vld [tilespmem:s23+$0x10000]  }
0x469: {  	v2 =	vld [tilespmem:s23+$0x10010]  }
0x46a: {  	v3 =	vld [tilespmem:s23+$0x10020]  }
0x46b: {  	v4 =	vld [tilespmem:s23+$0x10030]  }
0x46c: {  	[tilespmem:s23+$0x70] =	vst.add.f32.msk $0xffff, v0  }
0x46d: {  	v5 =	vld [tilespmem:s23+$0x10040]  }
0x46e: {  	v6 =	vld [tilespmem:s23+$0x10050]  }
0x46f: {  	v0 =	vld [tilespmem:s23+$0x10060]  }
0x470: {  	[tilespmem:s23+$0x0] =	vst.add.f32.msk $0xffff, v1  }
.Ltmp24:
0x471: {  	[tilespmem:s23+$0x10] =	vst.add.f32.msk $0xffff, v2;
	(pc) =	sbr.rel @p0 .LBB2_50-.Ltmp24, $4  }
0x472: {  	[tilespmem:s23+$0x20] =	vst.add.f32.msk $0xffff, v3  }
0x473: {  	[tilespmem:s23+$0x30] =	vst.add.f32.msk $0xffff, v4  }
0x474: {  	[tilespmem:s23+$0x40] =	vst.add.f32.msk $0xffff, v5  }
0x475: {  	s25 =	sadd.s32 $0x200, s25;
	[tilespmem:s23+$0x50] =	vst.add.f32.msk $0xffff, v6  }
0x476: {  	[tilespmem:s23+$0x60] =	vst.add.f32.msk $0xffff, v0  }
0x477: {  	s24 =	sld [smem:$0x7FD];
	_ =	sdelay $0x1  }
0x478: {  	s25 =	simm.s32 $0x0  }
0x479: {  	[hbm4b:s24+s25] =	stream.linear.scatter [tilespmem:s25], [sflag:$0x3], $0x8000, $0x38;
	[tilespmem:$0x18000] =	vst v63  }
0x47a: {  	_ =	swait.ge [sflag:s19], $0x8000  }
0x47b: {  	[sflag:s19] =	ssyncset.done $0x0  }
0x47c: {  	[sflag:s19] =	ssyncadd.s32 $0xFFFF8000  }
0x47d: {  	[tilespmem:s25], [sflag:$0x1] =	stream.linear.gather [hbm4b:s29+s25], $0x8000, $0x38;
	[tilespmem:$0x18000] =	vst v63  }
0x47e: {  	_ =	swait.ge [sflag:s20], $0x8000  }
0x47f: {  	[sflag:s20] =	ssyncset.done $0x0  }
0x480: {  	s23 =	simm.s32 $0x0;
	[sflag:s20] =	ssyncadd.s32 $0xFFFF8000  }
0x481: {  	v0 =	vld [tilespmem:s23+$0x10070]  }
0x482: {  	v1 =	vld [tilespmem:s23+$0x10000]  }
0x483: {  	v2 =	vld [tilespmem:s23+$0x10010]  }
0x484: {  	v3 =	vld [tilespmem:s23+$0x10020]  }
0x485: {  	v4 =	vld [tilespmem:s23+$0x10030]  }
0x486: {  	v5 =	vld [tilespmem:s23+$0x10040]  }
0x487: {  	v6 =	vld [tilespmem:s23+$0x10050]  }
0x488: {  	[tilespmem:s23+$0x8070] =	vst.add.f32.msk $0xffff, v0  }
0x489: {  	v0 =	vld [tilespmem:s23+$0x10060]  }
0x48a: {  	[tilespmem:s23+$0x8000] =	vst.add.f32.msk $0xffff, v1  }
0x48b: {  	[tilespmem:s23+$0x8010] =	vst.add.f32.msk $0xffff, v2  }
0x48c: {  	[tilespmem:s23+$0x8020] =	vst.add.f32.msk $0xffff, v3  }
0x48d: {  	[tilespmem:s23+$0x8030] =	vst.add.f32.msk $0xffff, v4  }
0x48e: {  	[tilespmem:s23+$0x8040] =	vst.add.f32.msk $0xffff, v5  }
0x48f: {  	s24 =	simm.s32 $0x0;
	s25 =	simm.s32 $0x200;
	[tilespmem:s23+$0x8050] =	vst.add.f32.msk $0xffff, v6  }
.LBB2_52:
0x490: {  	s24 =	sadd.s32 $0x80, s24;
	[tilespmem:s23+$0x8060] =	vst.add.f32.msk $0xffff, v0;
	s23 =	sshra.s32 s25, $0x2  }
0x491: {  	v0 =	vld [tilespmem:s23+$0x10070];
	p0 =	slt.u32 s24, $0x7F80  }
0x492: {  	v1 =	vld [tilespmem:s23+$0x10000]  }
0x493: {  	v2 =	vld [tilespmem:s23+$0x10010]  }
0x494: {  	v3 =	vld [tilespmem:s23+$0x10020]  }
0x495: {  	v4 =	vld [tilespmem:s23+$0x10030]  }
0x496: {  	[tilespmem:s23+$0x8070] =	vst.add.f32.msk $0xffff, v0  }
0x497: {  	v5 =	vld [tilespmem:s23+$0x10040]  }
0x498: {  	v6 =	vld [tilespmem:s23+$0x10050]  }
0x499: {  	v0 =	vld [tilespmem:s23+$0x10060]  }
0x49a: {  	[tilespmem:s23+$0x8000] =	vst.add.f32.msk $0xffff, v1  }
.Ltmp25:
0x49b: {  	[tilespmem:s23+$0x8010] =	vst.add.f32.msk $0xffff, v2;
	(pc) =	sbr.rel @p0 .LBB2_52-.Ltmp25, $4  }
0x49c: {  	[tilespmem:s23+$0x8020] =	vst.add.f32.msk $0xffff, v3  }
0x49d: {  	[tilespmem:s23+$0x8030] =	vst.add.f32.msk $0xffff, v4  }
0x49e: {  	[tilespmem:s23+$0x8040] =	vst.add.f32.msk $0xffff, v5  }
0x49f: {  	s25 =	sadd.s32 $0x200, s25;
	[tilespmem:s23+$0x8050] =	vst.add.f32.msk $0xffff, v6  }
0x4a0: {  	[tilespmem:s23+$0x8060] =	vst.add.f32.msk $0xffff, v0;
	s25 =	simm.s32 $0x0  }
0x4a1: {  	[hbm4b:s28+s25] =	stream.linear.scatter [tilespmem:s15], [sflag:$0x4], $0x8000, $0x38;
	[tilespmem:$0x18000] =	vst v63  }
0x4a2: {  	_ =	swait.ge [sflag:s21], $0x8000  }
0x4a3: {  	[sflag:s21] =	ssyncset.done $0x0  }
0x4a4: {  	[sflag:s21] =	ssyncadd.s32 $0xFFFF8000  }
0x4a5: {  	[tilespmem:s15], [sflag:$0x2] =	stream.linear.gather [hbm4b:s31+s25], $0x8000, $0x38;
	[tilespmem:$0x18000] =	vst v63  }
0x4a6: {  	_ =	swait.ge [sflag:s18], $0x8000  }
0x4a7: {  	[sflag:s18] =	ssyncset.done $0x0  }
0x4a8: {  	s23 =	simm.s32 $0x0;
	[sflag:s18] =	ssyncadd.s32 $0xFFFF8000  }
0x4a9: {  	v0 =	vld [tilespmem:s23+$0x10070]  }
0x4aa: {  	v1 =	vld [tilespmem:s23+$0x10000]  }
0x4ab: {  	v2 =	vld [tilespmem:s23+$0x10010]  }
0x4ac: {  	v3 =	vld [tilespmem:s23+$0x10020]  }
0x4ad: {  	v4 =	vld [tilespmem:s23+$0x10030]  }
0x4ae: {  	v5 =	vld [tilespmem:s23+$0x10040]  }
0x4af: {  	v6 =	vld [tilespmem:s23+$0x10050]  }
0x4b0: {  	[tilespmem:s23+$0x70] =	vst.add.f32.msk $0xffff, v0  }
0x4b1: {  	v0 =	vld [tilespmem:s23+$0x10060]  }
0x4b2: {  	[tilespmem:s23+$0x0] =	vst.add.f32.msk $0xffff, v1  }
0x4b3: {  	[tilespmem:s23+$0x10] =	vst.add.f32.msk $0xffff, v2  }
0x4b4: {  	[tilespmem:s23+$0x20] =	vst.add.f32.msk $0xffff, v3  }
0x4b5: {  	[tilespmem:s23+$0x30] =	vst.add.f32.msk $0xffff, v4  }
0x4b6: {  	[tilespmem:s23+$0x40] =	vst.add.f32.msk $0xffff, v5  }
0x4b7: {  	s24 =	simm.s32 $0x0;
	s25 =	simm.s32 $0x200;
	[tilespmem:s23+$0x50] =	vst.add.f32.msk $0xffff, v6  }
.LBB2_54:
0x4b8: {  	s24 =	sadd.s32 $0x80, s24;
	[tilespmem:s23+$0x60] =	vst.add.f32.msk $0xffff, v0;
	s23 =	sshra.s32 s25, $0x2  }
0x4b9: {  	v0 =	vld [tilespmem:s23+$0x10070];
	p0 =	slt.u32 s24, $0x7F80  }
0x4ba: {  	v1 =	vld [tilespmem:s23+$0x10000]  }
0x4bb: {  	v2 =	vld [tilespmem:s23+$0x10010]  }
0x4bc: {  	v3 =	vld [tilespmem:s23+$0x10020]  }
0x4bd: {  	v4 =	vld [tilespmem:s23+$0x10030]  }
0x4be: {  	[tilespmem:s23+$0x70] =	vst.add.f32.msk $0xffff, v0  }
0x4bf: {  	v5 =	vld [tilespmem:s23+$0x10040]  }
0x4c0: {  	v6 =	vld [tilespmem:s23+$0x10050]  }
0x4c1: {  	v0 =	vld [tilespmem:s23+$0x10060]  }
0x4c2: {  	[tilespmem:s23+$0x0] =	vst.add.f32.msk $0xffff, v1  }
.Ltmp26:
0x4c3: {  	[tilespmem:s23+$0x10] =	vst.add.f32.msk $0xffff, v2;
	(pc) =	sbr.rel @p0 .LBB2_54-.Ltmp26, $4  }
0x4c4: {  	[tilespmem:s23+$0x20] =	vst.add.f32.msk $0xffff, v3  }
0x4c5: {  	[tilespmem:s23+$0x30] =	vst.add.f32.msk $0xffff, v4  }
0x4c6: {  	[tilespmem:s23+$0x40] =	vst.add.f32.msk $0xffff, v5  }
0x4c7: {  	s25 =	sadd.s32 $0x200, s25;
	[tilespmem:s23+$0x50] =	vst.add.f32.msk $0xffff, v6  }
0x4c8: {  	[tilespmem:s23+$0x60] =	vst.add.f32.msk $0xffff, v0;
	s25 =	simm.s32 $0x0  }
0x4c9: {  	[hbm4b:s30+s25] =	stream.linear.scatter [tilespmem:s25], [sflag:$0x3], $0x8000, $0x38;
	[tilespmem:$0x18000] =	vst v63  }
0x4ca: {  	_ =	swait.ge [sflag:s19], $0x8000  }
0x4cb: {  	[sflag:s19] =	ssyncset.done $0x0  }
0x4cc: {  	[sflag:s19] =	ssyncadd.s32 $0xFFFF8000  }
0x4cd: {  	[tilespmem:s25], [sflag:$0x1] =	stream.linear.gather [hbm4b:s4+s25], $0x8000, $0x38;
	[tilespmem:$0x18000] =	vst v63  }
0x4ce: {  	_ =	swait.ge [sflag:s20], $0x8000  }
0x4cf: {  	[sflag:s20] =	ssyncset.done $0x0  }
0x4d0: {  	s23 =	simm.s32 $0x0;
	[sflag:s20] =	ssyncadd.s32 $0xFFFF8000  }
0x4d1: {  	v0 =	vld [tilespmem:s23+$0x10070]  }
0x4d2: {  	v1 =	vld [tilespmem:s23+$0x10000]  }
0x4d3: {  	v2 =	vld [tilespmem:s23+$0x10010]  }
0x4d4: {  	v3 =	vld [tilespmem:s23+$0x10020]  }
0x4d5: {  	v4 =	vld [tilespmem:s23+$0x10030]  }
0x4d6: {  	v5 =	vld [tilespmem:s23+$0x10040]  }
0x4d7: {  	v6 =	vld [tilespmem:s23+$0x10050]  }
0x4d8: {  	[tilespmem:s23+$0x8070] =	vst.add.f32.msk $0xffff, v0  }
0x4d9: {  	v0 =	vld [tilespmem:s23+$0x10060]  }
0x4da: {  	[tilespmem:s23+$0x8000] =	vst.add.f32.msk $0xffff, v1  }
0x4db: {  	[tilespmem:s23+$0x8010] =	vst.add.f32.msk $0xffff, v2  }
0x4dc: {  	[tilespmem:s23+$0x8020] =	vst.add.f32.msk $0xffff, v3  }
0x4dd: {  	[tilespmem:s23+$0x8030] =	vst.add.f32.msk $0xffff, v4  }
0x4de: {  	[tilespmem:s23+$0x8040] =	vst.add.f32.msk $0xffff, v5  }
0x4df: {  	s24 =	simm.s32 $0x0;
	s25 =	simm.s32 $0x200;
	[tilespmem:s23+$0x8050] =	vst.add.f32.msk $0xffff, v6  }
.LBB2_56:
0x4e0: {  	s24 =	sadd.s32 $0x80, s24;
	[tilespmem:s23+$0x8060] =	vst.add.f32.msk $0xffff, v0;
	s23 =	sshra.s32 s25, $0x2  }
0x4e1: {  	v0 =	vld [tilespmem:s23+$0x10070];
	p0 =	slt.u32 s24, $0x7F80  }
0x4e2: {  	v1 =	vld [tilespmem:s23+$0x10000]  }
0x4e3: {  	v2 =	vld [tilespmem:s23+$0x10010]  }
0x4e4: {  	v3 =	vld [tilespmem:s23+$0x10020]  }
0x4e5: {  	v4 =	vld [tilespmem:s23+$0x10030]  }
0x4e6: {  	[tilespmem:s23+$0x8070] =	vst.add.f32.msk $0xffff, v0  }
0x4e7: {  	v5 =	vld [tilespmem:s23+$0x10040]  }
0x4e8: {  	v6 =	vld [tilespmem:s23+$0x10050]  }
0x4e9: {  	v0 =	vld [tilespmem:s23+$0x10060]  }
0x4ea: {  	[tilespmem:s23+$0x8000] =	vst.add.f32.msk $0xffff, v1  }
.Ltmp27:
0x4eb: {  	[tilespmem:s23+$0x8010] =	vst.add.f32.msk $0xffff, v2;
	(pc) =	sbr.rel @p0 .LBB2_56-.Ltmp27, $4  }
0x4ec: {  	[tilespmem:s23+$0x8020] =	vst.add.f32.msk $0xffff, v3  }
0x4ed: {  	[tilespmem:s23+$0x8030] =	vst.add.f32.msk $0xffff, v4  }
0x4ee: {  	[tilespmem:s23+$0x8040] =	vst.add.f32.msk $0xffff, v5  }
0x4ef: {  	s25 =	sadd.s32 $0x200, s25;
	[tilespmem:s23+$0x8050] =	vst.add.f32.msk $0xffff, v6  }
0x4f0: {  	[tilespmem:s23+$0x8060] =	vst.add.f32.msk $0xffff, v0;
	s25 =	simm.s32 $0x0  }
0x4f1: {  	[hbm4b:s0+s25] =	stream.linear.scatter [tilespmem:s15], [sflag:$0x4], $0x8000, $0x38;
	[tilespmem:$0x18000] =	vst v63  }
0x4f2: {  	_ =	swait.ge [sflag:s21], $0x8000  }
0x4f3: {  	[sflag:s21] =	ssyncset.done $0x0  }
0x4f4: {  	[sflag:s21] =	ssyncadd.s32 $0xFFFF8000  }
0x4f5: {  	[tilespmem:s15], [sflag:$0x2] =	stream.linear.gather [hbm4b:s6+s25], $0x8000, $0x38;
	[tilespmem:$0x18000] =	vst v63  }
0x4f6: {  	_ = 	snop  }
0x4f7: {  	[tilespmem:s16], [sflag:$0x5] =	stream.linear.gather [hbm4b:s3+s25], $0x8000, $0x38;
	[tilespmem:$0x18000] =	vst v63  }
0x4f8: {  	_ =	swait.ge [sflag:s17], $0x8000  }
0x4f9: {  	[sflag:s17] =	ssyncset.done $0x0  }
0x4fa: {  	[sflag:s17] =	ssyncadd.s32 $0xFFFF8000  }
0x4fb: {  	_ =	swait.ge [sflag:s18], $0x8000  }
0x4fc: {  	[sflag:s18] =	ssyncset.done $0x0  }
0x4fd: {  	s23 =	simm.s32 $0x0;
	[sflag:s18] =	ssyncadd.s32 $0xFFFF8000  }
0x4fe: {  	v0 =	vld [tilespmem:s23+$0x10070]  }
0x4ff: {  	v1 =	vld [tilespmem:s23+$0x10000]  }
0x500: {  	v2 =	vld [tilespmem:s23+$0x10010]  }
0x501: {  	v3 =	vld [tilespmem:s23+$0x10020]  }
0x502: {  	v4 =	vld [tilespmem:s23+$0x10030]  }
0x503: {  	v5 =	vld [tilespmem:s23+$0x10040]  }
0x504: {  	v6 =	vld [tilespmem:s23+$0x10050]  }
0x505: {  	[tilespmem:s23+$0x70] =	vst.add.f32.msk $0xffff, v0  }
0x506: {  	v0 =	vld [tilespmem:s23+$0x10060]  }
0x507: {  	[tilespmem:s23+$0x0] =	vst.add.f32.msk $0xffff, v1  }
0x508: {  	[tilespmem:s23+$0x10] =	vst.add.f32.msk $0xffff, v2  }
0x509: {  	[tilespmem:s23+$0x20] =	vst.add.f32.msk $0xffff, v3  }
0x50a: {  	[tilespmem:s23+$0x30] =	vst.add.f32.msk $0xffff, v4  }
0x50b: {  	[tilespmem:s23+$0x40] =	vst.add.f32.msk $0xffff, v5  }
0x50c: {  	s24 =	simm.s32 $0x0;
	s25 =	simm.s32 $0x200;
	[tilespmem:s23+$0x50] =	vst.add.f32.msk $0xffff, v6  }
.LBB2_58:
0x50d: {  	s24 =	sadd.s32 $0x80, s24;
	[tilespmem:s23+$0x60] =	vst.add.f32.msk $0xffff, v0;
	s23 =	sshra.s32 s25, $0x2  }
0x50e: {  	v0 =	vld [tilespmem:s23+$0x10070];
	p0 =	slt.u32 s24, $0x7F80  }
0x50f: {  	v1 =	vld [tilespmem:s23+$0x10000]  }
0x510: {  	v2 =	vld [tilespmem:s23+$0x10010]  }
0x511: {  	v3 =	vld [tilespmem:s23+$0x10020]  }
0x512: {  	v4 =	vld [tilespmem:s23+$0x10030]  }
0x513: {  	[tilespmem:s23+$0x70] =	vst.add.f32.msk $0xffff, v0  }
0x514: {  	v5 =	vld [tilespmem:s23+$0x10040]  }
0x515: {  	v6 =	vld [tilespmem:s23+$0x10050]  }
0x516: {  	v0 =	vld [tilespmem:s23+$0x10060]  }
0x517: {  	[tilespmem:s23+$0x0] =	vst.add.f32.msk $0xffff, v1  }
.Ltmp28:
0x518: {  	[tilespmem:s23+$0x10] =	vst.add.f32.msk $0xffff, v2;
	(pc) =	sbr.rel @p0 .LBB2_58-.Ltmp28, $4  }
0x519: {  	[tilespmem:s23+$0x20] =	vst.add.f32.msk $0xffff, v3  }
0x51a: {  	[tilespmem:s23+$0x30] =	vst.add.f32.msk $0xffff, v4  }
0x51b: {  	[tilespmem:s23+$0x40] =	vst.add.f32.msk $0xffff, v5  }
0x51c: {  	s25 =	sadd.s32 $0x200, s25;
	[tilespmem:s23+$0x50] =	vst.add.f32.msk $0xffff, v6  }
0x51d: {  	[tilespmem:s23+$0x60] =	vst.add.f32.msk $0xffff, v0;
	s25 =	simm.s32 $0x0  }
0x51e: {  	[hbm4b:s5+s25] =	stream.linear.scatter [tilespmem:s25], [sflag:$0x3], $0x8000, $0x38;
	[tilespmem:$0x18000] =	vst v63  }
0x51f: {  	_ =	swait.ge [sflag:s19], $0x8000  }
0x520: {  	[sflag:s19] =	ssyncset.done $0x0  }
0x521: {  	[sflag:s19] =	ssyncadd.s32 $0xFFFF8000  }
0x522: {  	[tilespmem:s25], [sflag:$0x1] =	stream.linear.gather [hbm4b:s10+s25], $0x8000, $0x38;
	[tilespmem:$0x18000] =	vst v63  }
0x523: {  	_ =	swait.ge [sflag:s20], $0x8000  }
0x524: {  	[sflag:s20] =	ssyncset.done $0x0  }
0x525: {  	s23 =	simm.s32 $0x0;
	[sflag:s20] =	ssyncadd.s32 $0xFFFF8000  }
0x526: {  	v0 =	vld [tilespmem:s23+$0x10070]  }
0x527: {  	v1 =	vld [tilespmem:s23+$0x10000]  }
0x528: {  	v2 =	vld [tilespmem:s23+$0x10010]  }
0x529: {  	v3 =	vld [tilespmem:s23+$0x10020]  }
0x52a: {  	v4 =	vld [tilespmem:s23+$0x10030]  }
0x52b: {  	v5 =	vld [tilespmem:s23+$0x10040]  }
0x52c: {  	v6 =	vld [tilespmem:s23+$0x10050]  }
0x52d: {  	[tilespmem:s23+$0x8070] =	vst.add.f32.msk $0xffff, v0  }
0x52e: {  	v0 =	vld [tilespmem:s23+$0x10060]  }
0x52f: {  	[tilespmem:s23+$0x8000] =	vst.add.f32.msk $0xffff, v1  }
0x530: {  	[tilespmem:s23+$0x8010] =	vst.add.f32.msk $0xffff, v2  }
0x531: {  	[tilespmem:s23+$0x8020] =	vst.add.f32.msk $0xffff, v3  }
0x532: {  	[tilespmem:s23+$0x8030] =	vst.add.f32.msk $0xffff, v4  }
0x533: {  	[tilespmem:s23+$0x8040] =	vst.add.f32.msk $0xffff, v5  }
0x534: {  	s24 =	simm.s32 $0x0;
	s25 =	simm.s32 $0x200;
	[tilespmem:s23+$0x8050] =	vst.add.f32.msk $0xffff, v6  }
.LBB2_60:
0x535: {  	s24 =	sadd.s32 $0x80, s24;
	[tilespmem:s23+$0x8060] =	vst.add.f32.msk $0xffff, v0;
	s23 =	sshra.s32 s25, $0x2  }
0x536: {  	v0 =	vld [tilespmem:s23+$0x10070];
	p0 =	slt.u32 s24, $0x7F80  }
0x537: {  	v1 =	vld [tilespmem:s23+$0x10000]  }
0x538: {  	v2 =	vld [tilespmem:s23+$0x10010]  }
0x539: {  	v3 =	vld [tilespmem:s23+$0x10020]  }
0x53a: {  	v4 =	vld [tilespmem:s23+$0x10030]  }
0x53b: {  	[tilespmem:s23+$0x8070] =	vst.add.f32.msk $0xffff, v0  }
0x53c: {  	v5 =	vld [tilespmem:s23+$0x10040]  }
0x53d: {  	v6 =	vld [tilespmem:s23+$0x10050]  }
0x53e: {  	v0 =	vld [tilespmem:s23+$0x10060]  }
0x53f: {  	[tilespmem:s23+$0x8000] =	vst.add.f32.msk $0xffff, v1  }
.Ltmp29:
0x540: {  	[tilespmem:s23+$0x8010] =	vst.add.f32.msk $0xffff, v2;
	(pc) =	sbr.rel @p0 .LBB2_60-.Ltmp29, $4  }
0x541: {  	[tilespmem:s23+$0x8020] =	vst.add.f32.msk $0xffff, v3  }
0x542: {  	[tilespmem:s23+$0x8030] =	vst.add.f32.msk $0xffff, v4  }
0x543: {  	[tilespmem:s23+$0x8040] =	vst.add.f32.msk $0xffff, v5  }
0x544: {  	s25 =	sadd.s32 $0x200, s25;
	[tilespmem:s23+$0x8050] =	vst.add.f32.msk $0xffff, v6  }
0x545: {  	[tilespmem:s23+$0x8060] =	vst.add.f32.msk $0xffff, v0;
	s25 =	simm.s32 $0x0  }
0x546: {  	[hbm4b:s7+s25] =	stream.linear.scatter [tilespmem:s15], [sflag:$0x4], $0x8000, $0x38;
	[tilespmem:$0x18000] =	vst v63  }
0x547: {  	_ =	swait.ge [sflag:s21], $0x8000  }
0x548: {  	[sflag:s21] =	ssyncset.done $0x0  }
0x549: {  	[sflag:s21] =	ssyncadd.s32 $0xFFFF8000  }
0x54a: {  	[tilespmem:s15], [sflag:$0x2] =	stream.linear.gather [hbm4b:s11+s25], $0x8000, $0x38;
	[tilespmem:$0x18000] =	vst v63  }
0x54b: {  	_ =	swait.ge [sflag:s18], $0x8000  }
0x54c: {  	[sflag:s18] =	ssyncset.done $0x0  }
0x54d: {  	s23 =	simm.s32 $0x0;
	[sflag:s18] =	ssyncadd.s32 $0xFFFF8000  }
0x54e: {  	v0 =	vld [tilespmem:s23+$0x10070]  }
0x54f: {  	v1 =	vld [tilespmem:s23+$0x10000]  }
0x550: {  	v2 =	vld [tilespmem:s23+$0x10010]  }
0x551: {  	v3 =	vld [tilespmem:s23+$0x10020]  }
0x552: {  	v4 =	vld [tilespmem:s23+$0x10030]  }
0x553: {  	v5 =	vld [tilespmem:s23+$0x10040]  }
0x554: {  	v6 =	vld [tilespmem:s23+$0x10050]  }
0x555: {  	[tilespmem:s23+$0x70] =	vst.add.f32.msk $0xffff, v0  }
0x556: {  	v0 =	vld [tilespmem:s23+$0x10060]  }
0x557: {  	[tilespmem:s23+$0x0] =	vst.add.f32.msk $0xffff, v1  }
0x558: {  	[tilespmem:s23+$0x10] =	vst.add.f32.msk $0xffff, v2  }
0x559: {  	[tilespmem:s23+$0x20] =	vst.add.f32.msk $0xffff, v3  }
0x55a: {  	[tilespmem:s23+$0x30] =	vst.add.f32.msk $0xffff, v4  }
0x55b: {  	[tilespmem:s23+$0x40] =	vst.add.f32.msk $0xffff, v5  }
0x55c: {  	s24 =	simm.s32 $0x0;
	s25 =	simm.s32 $0x200;
	[tilespmem:s23+$0x50] =	vst.add.f32.msk $0xffff, v6  }
.LBB2_62:
0x55d: {  	s24 =	sadd.s32 $0x80, s24;
	[tilespmem:s23+$0x60] =	vst.add.f32.msk $0xffff, v0;
	s23 =	sshra.s32 s25, $0x2  }
0x55e: {  	v0 =	vld [tilespmem:s23+$0x10070];
	p0 =	slt.u32 s24, $0x7F80  }
0x55f: {  	v1 =	vld [tilespmem:s23+$0x10000]  }
0x560: {  	v2 =	vld [tilespmem:s23+$0x10010]  }
0x561: {  	v3 =	vld [tilespmem:s23+$0x10020]  }
0x562: {  	v4 =	vld [tilespmem:s23+$0x10030]  }
0x563: {  	[tilespmem:s23+$0x70] =	vst.add.f32.msk $0xffff, v0  }
0x564: {  	v5 =	vld [tilespmem:s23+$0x10040]  }
0x565: {  	v6 =	vld [tilespmem:s23+$0x10050]  }
0x566: {  	v0 =	vld [tilespmem:s23+$0x10060]  }
0x567: {  	[tilespmem:s23+$0x0] =	vst.add.f32.msk $0xffff, v1  }
.Ltmp30:
0x568: {  	[tilespmem:s23+$0x10] =	vst.add.f32.msk $0xffff, v2;
	(pc) =	sbr.rel @p0 .LBB2_62-.Ltmp30, $4  }
0x569: {  	[tilespmem:s23+$0x20] =	vst.add.f32.msk $0xffff, v3  }
0x56a: {  	[tilespmem:s23+$0x30] =	vst.add.f32.msk $0xffff, v4  }
0x56b: {  	[tilespmem:s23+$0x40] =	vst.add.f32.msk $0xffff, v5  }
0x56c: {  	s25 =	sadd.s32 $0x200, s25;
	[tilespmem:s23+$0x50] =	vst.add.f32.msk $0xffff, v6  }
0x56d: {  	[tilespmem:s23+$0x60] =	vst.add.f32.msk $0xffff, v0;
	s25 =	simm.s32 $0x0  }
0x56e: {  	[hbm4b:s12+s25] =	stream.linear.scatter [tilespmem:s25], [sflag:$0x3], $0x8000, $0x38;
	[tilespmem:$0x18000] =	vst v63  }
0x56f: {  	_ =	swait.ge [sflag:s20], $0x8000  }
0x570: {  	[sflag:s20] =	ssyncset.done $0x0  }
0x571: {  	s23 =	simm.s32 $0x0;
	[sflag:s20] =	ssyncadd.s32 $0xFFFF8000  }
0x572: {  	v0 =	vld [tilespmem:s23+$0x10070]  }
0x573: {  	v1 =	vld [tilespmem:s23+$0x10000]  }
0x574: {  	v2 =	vld [tilespmem:s23+$0x10010]  }
0x575: {  	v3 =	vld [tilespmem:s23+$0x10020]  }
0x576: {  	v4 =	vld [tilespmem:s23+$0x10030]  }
0x577: {  	v5 =	vld [tilespmem:s23+$0x10040]  }
0x578: {  	v6 =	vld [tilespmem:s23+$0x10050]  }
0x579: {  	[tilespmem:s23+$0x8070] =	vst.add.f32.msk $0xffff, v0  }
0x57a: {  	v0 =	vld [tilespmem:s23+$0x10060]  }
0x57b: {  	[tilespmem:s23+$0x8000] =	vst.add.f32.msk $0xffff, v1  }
0x57c: {  	[tilespmem:s23+$0x8010] =	vst.add.f32.msk $0xffff, v2  }
0x57d: {  	[tilespmem:s23+$0x8020] =	vst.add.f32.msk $0xffff, v3  }
0x57e: {  	[tilespmem:s23+$0x8030] =	vst.add.f32.msk $0xffff, v4  }
0x57f: {  	[tilespmem:s23+$0x8040] =	vst.add.f32.msk $0xffff, v5  }
0x580: {  	s24 =	simm.s32 $0x0;
	s25 =	simm.s32 $0x200;
	[tilespmem:s23+$0x8050] =	vst.add.f32.msk $0xffff, v6  }
.LBB2_64:
0x581: {  	s24 =	sadd.s32 $0x80, s24;
	[tilespmem:s23+$0x8060] =	vst.add.f32.msk $0xffff, v0;
	s23 =	sshra.s32 s25, $0x2  }
0x582: {  	v0 =	vld [tilespmem:s23+$0x10070];
	p0 =	slt.u32 s24, $0x7F80  }
0x583: {  	v1 =	vld [tilespmem:s23+$0x10000]  }
0x584: {  	v2 =	vld [tilespmem:s23+$0x10010]  }
0x585: {  	v3 =	vld [tilespmem:s23+$0x10020]  }
0x586: {  	v4 =	vld [tilespmem:s23+$0x10030]  }
0x587: {  	[tilespmem:s23+$0x8070] =	vst.add.f32.msk $0xffff, v0  }
0x588: {  	v5 =	vld [tilespmem:s23+$0x10040]  }
0x589: {  	v6 =	vld [tilespmem:s23+$0x10050]  }
0x58a: {  	v0 =	vld [tilespmem:s23+$0x10060]  }
0x58b: {  	[tilespmem:s23+$0x8000] =	vst.add.f32.msk $0xffff, v1  }
.Ltmp31:
0x58c: {  	[tilespmem:s23+$0x8010] =	vst.add.f32.msk $0xffff, v2;
	(pc) =	sbr.rel @p0 .LBB2_64-.Ltmp31, $4  }
0x58d: {  	[tilespmem:s23+$0x8020] =	vst.add.f32.msk $0xffff, v3  }
0x58e: {  	[tilespmem:s23+$0x8030] =	vst.add.f32.msk $0xffff, v4  }
0x58f: {  	[tilespmem:s23+$0x8040] =	vst.add.f32.msk $0xffff, v5  }
0x590: {  	s25 =	sadd.s32 $0x200, s25;
	[tilespmem:s23+$0x8050] =	vst.add.f32.msk $0xffff, v6  }
0x591: {  	[tilespmem:s23+$0x8060] =	vst.add.f32.msk $0xffff, v0;
	s22 =	sadd.s32 $0x1, s22  }
0x592: {  	[hbm4b:s13+s1] =	stream.linear.scatter [tilespmem:s15], [sflag:$0x4], $0x8000, $0x38;
	[tilespmem:$0x18000] =	vst v63  }
0x593: {  	p0 =	sne.s32 s22, s14;
	_ =	swait.ge [sflag:s21], $0x8000  }
.Ltmp32:
0x594: {  	[sflag:s21] =	ssyncset.done $0x0;
	(pc) =	sbr.rel @p0 .LBB2_1-.Ltmp32, $4  }
0x595: {  	[sflag:s21] =	ssyncadd.s32 $0xFFFF8000  }
0x596: {  	_ =	swait.ge [sflag:s19], $0x8000  }
0x597: {  	[sflag:s19] =	ssyncset.done $0x0  }
0x598: {  	[sflag:s19] =	ssyncadd.s32 $0xFFFF8000  }
0x599: {  	_ =	sfence.sel $0x180000  }
0x59a: {  	[bflag:$0x0] =	sbarrier.arrive $0xFFFF  }
0x59b: {  	_ =	strace $0x9000004D  }
0x59c: {  	s0 =	stileid.u32;
	[bflag:$0x2] =	sbarrier.arrive $0xFFFF  }
0x59d: {  	p0 =	sne.s32 s0, $0x0;
	s0 =	rddreg [dreg:$0x2]  }
0x59e: {  	s0 =	sadd.s32 @!p0 $0x100000, s0  }
0x59f: {  	[sflag:s0] =	ssyncadd.tile.s32 @!p0 $0x1;
	_ =	shalt  }
.Lfunc_end2:
_tile_overlayer_lowered:
.L_overlay_start_2:
0x5a0: {  	(tag) =	ssettag $0x2  }
0x5a1: {  	s0 =	rddreg [dreg:$0x0];
	s2 =	stileid.u32  }
0x5a2: {  	s1 =	rddreg [dreg:$0x1];
	p0 =	sne.s32 s2, $0x0  }
0x5a3: {  	s3 =	rddreg [dreg:$0x2];
	[bflag:$0x3] =	sbarrier.arrive $0xFFFF;
	s2 =	simm.s32 @!p0 $0x1C05  }
0x5a4: {  	[timem:s3], [sflag:s2] =	dma.local @!p0 [hbm:s0], s1  }
0x5a5: {  	s0 =	simm.s32 @!p0 $0x5  }
0x5a6: {  	_ =	swait.ge @!p0 [sflag:s0], s1  }
0x5a7: {  	s1 =	ssub.s32 @!p0 $0x0, s1;
	[sflag:s0] =	ssyncset.done @!p0 $0x0  }
0x5a8: {  	[sflag:s0] =	ssyncadd.s32 @!p0 s1  }
0x5a9: {  	[bflag:$0x3] =	sbarrier.arrive $0xFFFF  }
0x5aa: {  	_ =	shalt  }

// kernel: sparse-core-data-format-call.1.cloned.1.call-start
scs
called_computation.1_lowered:
.L_overlay_start_0:
0x0: {  	s2 =	sld [smem:$0x3FD9]  }
0x1: {  	s3 =	sld [smem:$0x3FFE];
	_ =	sdelay $0x1  }
0x2: {  	s1 =	srdreg.scid  }
0x3: {  	s0 =	sand.u32 $0x1, s1  }
0x4: {  	s19 =	sshll.u32 s0, $0xA;
	s2 =	sadd.s32 s3, s2  }
0x5: {  	s2 =	sadd.s32 s2, s19  }
0x6: {  	[smem:$0x3FC6] =	sst s2  }
0x7: {  	_ = 	snop  }
0x8: {  	s20 =	sld [smem:$0x3FC9]  }
0x9: {  	s4 =	sld [smem:$0x3FD0];
	(tm) =	ssettm $0x1  }
0xa: {  	s21 =	sld [smem:$0x3FFB];
	_ =	sdelay $0x3  }
0xb: {  	_ =	strace s21  }
0xc: {  	s2 =	sld [smem:$0x3FFC];
	_ =	sdelay $0x3  }
0xd: {  	_ =	strace s2  }
0xe: {  	s2 =	sld [smem:$0x3FFD];
	_ =	sdelay $0x3  }
0xf: {  	_ =	strace s2  }
0x10: {  	_ =	strace $0x8FFFFFFF  }
0x11: {  	s22 =	sld [smem:$0x3FDB];
	_ =	sdelay $0x1  }
0x12: {  	s5 =	simm.s32 $_scs_section_size  }
0x13: {  	s6 =	simm.s32 $_size__tile_overlayer_lowered;
	s7 =	simm.s32 $_tile_overlayer_lowered  }
0x14: {  	s8 =	simm.s32 $0x1BFF;
	s23 =	sshll.u32 s7, $0x1;
	s5 =	sadd.s32 s5, s22  }
0x15: {  	s24 =	simm.s32 $0x0;
	s6 =	sshll.u32 s6, $0x1;
	s7 =	sadd.s32 s23, s5  }
0x16: {  	[timem:s24], [sflag:s8] =	dma.local [hbm:s7], s6  }
0x17: {  	_ =	swait.ge [sflag:s8], s6  }
0x18: {  	s6 =	ssub.s32 $0x0, s6;
	[sflag:s8] =	ssyncset.done $0x0  }
0x19: {  	[sflag:s8] =	ssyncadd.s32 s6;
	_ =	sdelay $0x1  }
0x1a: {  	s25 =	simm.s32 $0x1B8B  }
0x1b: {  	_ =	swait.ge [sflag:s25], $0x1  }
0x1c: {  	[sflag:s25] =	ssyncset.done $0x0  }
0x1d: {  	[sflag:s25] =	ssyncadd.s32 $0xFFFFFFFF  }
0x1e: {  	s6 =	sld [smem:$0x0]  }
0x1f: {  	s7 =	sand.u32 $0xFFFFFFFE, s1  }
0x20: {  	p0 =	sne.s32 s1, s7  }
0x21: {  	s7 =	sshll.u32 @p0 s7, $0xE  }
0x22: {  	s7 =	sadd.s32 @p0 $0x11B8D, s7;
	s8 =	sshll.u32 @p0 s6, $0x11  }
0x23: {  	s7 =	sor.u32 @p0 s8, s7  }
0x24: {  	[sflag:s7] =	ssyncadd.remote.s32 @p0 $0x1;
	_ =	sdelay $0x1  }
0x25: {  	s7 =	simm.s32 @p0 $0x1B8D  }
0x26: {  	_ =	swait.eq @p0 [sflag:s7], $0x1  }
0x27: {  	[sflag:s7] =	ssyncadd.s32 @p0 $0xFFFFFFFF  }
0x28: {  	s8 =	sshll.u32 @!p0 s1, $0xE  }
0x29: {  	s8 =	sor.u32 @!p0 $0x4000, s8;
	s7 =	simm.s32 @!p0 $0x1B8D  }
0x2a: {  	s6 =	sshll.u32 @!p0 s6, $0x11;
	s8 =	sadd.s32 @!p0 $0x11B8D, s8;
	_ =	swait.eq @!p0 [sflag:s7], $0x1  }
0x2b: {  	s6 =	sor.u32 @!p0 s6, s8;
	[sflag:s7] =	ssyncadd.s32 @!p0 $0xFFFFFFFF  }
0x2c: {  	s26 =	simm.s32 $0x1B8E;
	[sflag:s6] =	ssyncadd.remote.s32 @!p0 $0x1  }
0x2d: {  	s27 =	simm.s32 $execute0_lowered;
	[smem:$0x3FD2] =	sst s26  }
0x2e: {  	s6 =	sshll.u32 s27, $0x1;
	_ =	strace $0x80000049;
	[dreg:$0x1] =	wrdreg $0xFFFFFFFF  }
0x2f: {  	s28 =	simm.s32 $_size_execute0_lowered;
	s5 =	sadd.s32 s5, s6;
	[dreg:$0x0] =	wrdreg $0x0  }
0x30: {  	s6 =	sshll.u32 s28, $0x1;
	[dreg:$0x2] =	wrdreg s5  }
0x31: {  	[dreg:$0x3] =	wrdreg s6  }
0x32: {  	[dreg:$0x4] =	wrdreg $0xC0  }
0x33: {  	_ =	task [dreg:s24], $0x5FFFF  }
0x34: {  	[dreg:$0x1] =	wrdreg $0xFFFFFFFF  }
0x35: {  	[dreg:$0x0] =	wrdreg $0x60  }
0x36: {  	[dreg:$0x2] =	wrdreg s20  }
0x37: {  	[dreg:$0x3] =	wrdreg s4  }
0x38: {  	[dreg:$0x4] =	wrdreg $0xA  }
0x39: {  	_ =	task.clear_ibuf [dreg:s24], $0x5FFFF;
	_ =	strace $0x90000049  }
0x3a: {  	s29 =	simm.s32 $0xA;
	_ =	strace $0x8000004B  }
0x3b: {  	_ =	swait.ge [sflag:s29], $0x1  }
0x3c: {  	[sflag:s29] =	ssyncadd.s32 $0xFFFFFFFF  }
0x3d: {  	_ =	strace $0x9000004B  }
0x3e: {  	_ =	sfence  }
0x3f: {  	s30 =	sld [smem:$0x0];
	_ =	sdelay $0x2  }
0x40: {  	s31 =	sshll.u32 s1, $0xD;
	s1 =	sshrl.u32 s1, $0x2  }
0x41: {  	s4 =	sand.u32 $0x4000, s31;
	s1 =	sadd.s32 s1, s30  }
0x42: {  	s0 =	sor.u32 s4, s0;
	s1 =	sshll.u32 s1, $0x11  }
0x43: {  	s0 =	sor.u32 s1, s0  }
0x44: {  	s0 =	sadd.s32 $0x8F2B, s0  }
0x45: {  	[sflag:s0] =	ssyncadd.remote.s32 $0x1  }
0x46: {  	_ =	sfence.sel $0xFFFF  }
0x47: {  	[dreg:$0x0] =	wrdreg $0xFFFFFFFF;
	(pc) =	sbr.abs _section_cstart, $3  }
0x48: {  	[dreg:$0x1] =	wrdreg $0xFFFFFFFF  }
0x49: {  	_ =	task.clear_ibuf [dreg:s24], $0x2FFFF;
	_ =	strace $0x9FFFFFFF  }
0x4a: {  	(tm) =	ssettm $0x7FFFFFFF  }
0x4b: {  	_ =	shalt  }
tec
execute0_lowered:
.L_overlay_start_1:
0x0: {  	(tag) =	ssettag $0x1  }
0x1: {  	s2 =	rddreg [dreg:$0x0]  }
0x2: {  	s3 =	rddreg [dreg:$0x1]  }
0x3: {  	s0 =	rddreg [dreg:$0x2];
	s4 =	srdreg.scid  }
.Ltmp0:
0x4: {  	_ =	strace $0x8000004A;
	s1 =	stileid.u32;
	(pc) =	sbr.rel .LBB1_1-.Ltmp0, $4  }
0x5: {  	s6 =	simm.s32 $0x2;
	p0 =	por $0x0, $0x0;
	s5 =	sshll.u32 s4, $0x4  }
0x6: {  	s9 =	simm.s32 $0x0;
	s4 =	simm.s32 $0x1;
	s5 =	sand.u32 $0x10, s5  }
0x7: {  	s7 =	simm.s32 $0x0;
	[sflag:s4] =	ssyncpa.u1 $0x0;
	s5 =	sor.u32 s1, s5  }
0x8: {  	[sflag:s6] =	ssyncpa.u1 $0x0;
	s6 =	simm.s32 $0x0;
	s8 =	smov.u32 s5  }
.LBB1_7:
0x9: {  	s11 =	sadd.s32 $0x20, s8  }
0xa: {  	p1 =	slt.u32 s7, $0x2;
	s7 =	sadd.s32 $0x1, s7;
	p2 =	sgt.s32 s11, $0x7FF  }
0xb: {  	s11 =	smov.u32 @p2 s5;
	p2 =	sne.s32 s7, $0x42  }
.Ltmp1:
0xc: {  	_ = 	snop;
	(pc) =	sbr.rel @!p2 .LBB1_8-.Ltmp1, $4  }
0xd: {  	s10 =	simm.s32 @!p1 $0x2  }
0xe: {  	_ =	swait.ge @!p1 [sflag:s10], $0x4000  }
0xf: {  	s9 =	smov.u32 s8;
	[sflag:s10] =	ssyncset.done @!p1 $0x0  }
0x10: {  	p0 =	por !p0, !p0;
	s8 =	smov.u32 s11;
	[sflag:s10] =	ssyncadd.s32 @!p1 $0xFFFFC000  }
.LBB1_1:
0x11: {  	p1 =	sgt.u32 s7, $0x3F  }
0x12: {  	s10 =	sxor.u32 @!p1 $0xFFFFFFFF, s7  }
0x13: {  	s11 =	sshll.u32 @!p1 s8, $0xB;
	s10 =	sshll.u32 @!p1 s10, $0xE  }
0x14: {  	s12 =	simm.s32 @!p1 $0x0;
	s11 =	sadd.s32 @!p1 s2, s11;
	s10 =	sand.u32 @!p1 $0x4000, s10  }
0x15: {  	[tilespmem:s10], [sflag:$0x1] =	stream.linear.gather @!p1 [hbm4b:s11+s12], $0x4000, $0x38;
	[tilespmem:$0x10000] =	vst v63  }
0x16: {  	p1 =	seq.s32 s7, $0x0  }
0x17: {  	p2 =	seq.s32 @!p1 s7, $0x41  }
0x18: {  	p1 =	por p1, p2  }
.Ltmp2:
0x19: {  	_ = 	snop;
	(pc) =	sbr.rel @p1 .LBB1_7-.Ltmp2, $1  }
0x1a: {  	_ =	sdelay $0x3  }
0x1b: {  	s10 =	simm.s32 $0x1;
	_ =	swait.ge [sflag:s4], $0x4000;
	s12 =	sshll.u32 s7, $0xE  }
0x1c: {  	s13 =	simm.s32 $0x0;
	s10 =	simm.s32 @!p0 $0x0;
	[sflag:s4] =	ssyncset.done $0x0  }
0x1d: {  	s12 =	sand.u32 $0x4000, s12;
	s11 =	sshll.u32 s10, $0xE;
	[sflag:s4] =	ssyncadd.s32 $0xFFFFC000  }
0x1e: {  	s12 =	sor.u32 $0x8000, s12;
	s10 =	sor.u32 $0x8040, s11;
	s11 =	sor.u32 $0x40, s11  }
.LBB1_3:
0x1f: {  	v0 =	vmov s11;
	_ =	sdelay $0x3  }
0x20: {  	s15 =	simm.s32 $0x0  }
0x21: {  	v6 =	vld.idx.msk [tilespmem:v0+s15+$0x30 ss:$0x1], $0xffff  }
0x22: {  	v7 =	vld.idx.msk [tilespmem:v0+s15+$0xFFFFFFC0 ss:$0x1], $0xffff  }
0x23: {  	v5 =	vld.idx.msk [tilespmem:v0+s15+$0xFFFFFFD0 ss:$0x1], $0xffff  }
0x24: {  	v4 =	vld.idx.msk [tilespmem:v0+s15+$0xFFFFFFE0 ss:$0x1], $0xffff  }
0x25: {  	v3 =	vld.idx.msk [tilespmem:v0+s15+$0xFFFFFFF0 ss:$0x1], $0xffff  }
0x26: {  	v1 =	vld.idx.msk [tilespmem:v0+s15+$0x0 ss:$0x1], $0xffff  }
0x27: {  	v2 =	vld.idx.msk [tilespmem:v0+s15+$0x10 ss:$0x1], $0xffff;
	[tilespmem:s10+$0x30] =	vst v6  }
0x28: {  	s14 =	simm.s32 $0x80;
	s16 =	simm.s32 $0x400;
	[tilespmem:s10+$0xFFFFFFC0] =	vst v7;
	v6 =	vld.idx.msk [tilespmem:v0+s15+$0x20 ss:$0x1], $0xffff;
	s15 =	smov.u32 s10  }
.LBB1_4:
0x29: {  	p1 =	sne.s32 s16, $0xE00;
	v7 =	vld.idx.msk [tilespmem:v0+s14+$0x30 ss:$0x1], $0xffff;
	[tilespmem:s15+$0xFFFFFFD0] =	vst v5  }
0x2a: {  	v8 =	vld.idx.msk [tilespmem:v0+s14+$0xFFFFFFC0 ss:$0x1], $0xffff;
	[tilespmem:s15+$0xFFFFFFE0] =	vst v4  }
0x2b: {  	v5 =	vld.idx.msk [tilespmem:v0+s14+$0xFFFFFFD0 ss:$0x1], $0xffff;
	[tilespmem:s15+$0xFFFFFFF0] =	vst v3  }
.Ltmp3:
0x2c: {  	v4 =	vld.idx.msk [tilespmem:v0+s14+$0xFFFFFFE0 ss:$0x1], $0xffff;
	[tilespmem:s15+$0x0] =	vst v1;
	(pc) =	sbr.rel @p1 .LBB1_4-.Ltmp3, $4  }
0x2d: {  	v3 =	vld.idx.msk [tilespmem:v0+s14+$0xFFFFFFF0 ss:$0x1], $0xffff;
	[tilespmem:s15+$0x10] =	vst v2  }
0x2e: {  	v1 =	vld.idx.msk [tilespmem:v0+s14+$0x0 ss:$0x1], $0xffff;
	[tilespmem:s15+$0x20] =	vst v6;
	s15 =	sadd.s32 $0x800, s15  }
0x2f: {  	v2 =	vld.idx.msk [tilespmem:v0+s14+$0x10 ss:$0x1], $0xffff;
	[tilespmem:s15+$0x30] =	vst v7  }
0x30: {  	[tilespmem:s15+$0xFFFFFFC0] =	vst v8;
	v6 =	vld.idx.msk [tilespmem:v0+s14+$0x20 ss:$0x1], $0xffff;
	s14 =	sshra.s32 s16, $0x2;
	s16 =	sadd.s32 $0x200, s16  }
0x31: {  	_ =	sdelay $0x2  }
0x32: {  	[tilespmem:s15+$0xFFFFFFD0] =	vst v5  }
0x33: {  	v56 =	vld.idx.msk [tilespmem:v0+s14+$0x30 ss:$0x1], $0xffff;
	[tilespmem:s15+$0xFFFFFFE0] =	vst v4  }
0x34: {  	v57 =	vld.idx.msk [tilespmem:v0+s14+$0xFFFFFFC0 ss:$0x1], $0xffff;
	[tilespmem:s15+$0xFFFFFFF0] =	vst v3  }
0x35: {  	v58 =	vld.idx.msk [tilespmem:v0+s14+$0xFFFFFFD0 ss:$0x1], $0xffff;
	[tilespmem:s15+$0x0] =	vst v1  }
0x36: {  	v59 =	vld.idx.msk [tilespmem:v0+s14+$0xFFFFFFE0 ss:$0x1], $0xffff;
	[tilespmem:s15+$0x10] =	vst v2  }
0x37: {  	v60 =	vld.idx.msk [tilespmem:v0+s14+$0xFFFFFFF0 ss:$0x1], $0xffff;
	s31 =	sadd.s32 $0x800, s15;
	[tilespmem:s15+$0x20] =	vst v6  }
0x38: {  	v61 =	vld.idx.msk [tilespmem:v0+s14+$0x0 ss:$0x1], $0xffff;
	[tilespmem:s31+$0x30] =	vst v56  }
0x39: {  	v62 =	vld.idx.msk [tilespmem:v0+s14+$0x10 ss:$0x1], $0xffff;
	s13 =	sadd.s32 $0x1, s13;
	[tilespmem:s31+$0xFFFFFFC0] =	vst v57  }
0x3a: {  	v63 =	vld.idx.msk [tilespmem:v0+s14+$0x20 ss:$0x1], $0xffff;
	p1 =	sne.s32 s13, $0x10;
	[tilespmem:s31+$0xFFFFFFD0] =	vst v58  }
.Ltmp4:
0x3b: {  	[tilespmem:s31+$0xFFFFFFE0] =	vst v59;
	(pc) =	sbr.rel @p1 .LBB1_3-.Ltmp4, $4  }
0x3c: {  	[tilespmem:s31+$0xFFFFFFF0] =	vst v60  }
0x3d: {  	[tilespmem:s31+$0x0] =	vst v61  }
0x3e: {  	[tilespmem:s31+$0x10] =	vst v62  }
0x3f: {  	s10 =	sadd.s32 $0x80, s10;
	s11 =	sadd.s32 $0x400, s11;
	[tilespmem:s31+$0x20] =	vst v63  }
.Ltmp5:
0x40: {  	(pc) =	sbr.rel .LBB1_7-.Ltmp5, $4  }
0x41: {  	_ = 	snop  }
0x42: {  	s9 =	sshll.u32 s9, $0xB  }
0x43: {  	s9 =	sadd.s32 s3, s9  }
0x44: {  	[hbm4b:s9+s6] =	stream.linear.scatter [tilespmem:s12], [sflag:$0x2], $0x4000, $0x38;
	[tilespmem:$0x10000] =	vst v63  }
.LBB1_8:
0x45: {  	_ =	sfence.sel $0x180000  }
0x46: {  	s2 =	simm.s32 $0x1;
	[bflag:$0x0] =	sbarrier.arrive $0xFFFF  }
0x47: {  	s31 =	simm.s32 $0x2;
	[sflag:s2] =	ssyncpa.u1 $0x1  }
0x48: {  	[sflag:s31] =	ssyncpa.u1 $0x1  }
0x49: {  	p0 =	sne.s32 s1, $0x0;
	_ =	strace $0x9000004A  }
0x4a: {  	s0 =	sadd.s32 @!p0 $0x100000, s0;
	[bflag:$0x2] =	sbarrier.arrive $0xFFFF  }
0x4b: {  	[sflag:s0] =	ssyncadd.tile.s32 @!p0 $0x1;
	_ =	shalt  }
.Lfunc_end1:
_tile_overlayer_lowered:
.L_overlay_start_2:
0x4c: {  	(tag) =	ssettag $0x2  }
0x4d: {  	s0 =	rddreg [dreg:$0x0];
	s2 =	stileid.u32  }
0x4e: {  	s1 =	rddreg [dreg:$0x1];
	p0 =	sne.s32 s2, $0x0  }
0x4f: {  	s3 =	rddreg [dreg:$0x2];
	[bflag:$0x3] =	sbarrier.arrive $0xFFFF;
	s2 =	simm.s32 @!p0 $0x1C01  }
0x50: {  	[timem:s3], [sflag:s2] =	dma.local @!p0 [hbm:s0], s1  }
0x51: {  	s0 =	simm.s32 @!p0 $0x1  }
0x52: {  	_ =	swait.ge @!p0 [sflag:s0], s1  }
0x53: {  	s1 =	ssub.s32 @!p0 $0x0, s1;
	[sflag:s0] =	ssyncset.done @!p0 $0x0  }
0x54: {  	[sflag:s0] =	ssyncadd.s32 @!p0 s1  }
0x55: {  	[bflag:$0x3] =	sbarrier.arrive $0xFFFF  }
0x56: {  	_ =	shalt  }

// kernel: sparse-core-data-format-call.cloned.1.call-start
scs
called_computation_lowered:
.L_overlay_start_0:
0x0: {  	s2 =	sld [smem:$0x3FD9]  }
0x1: {  	s3 =	sld [smem:$0x3FFE];
	_ =	sdelay $0x1  }
0x2: {  	s1 =	srdreg.scid  }
0x3: {  	s0 =	sand.u32 $0x1, s1  }
0x4: {  	s18 =	sshll.u32 s0, $0xA;
	s2 =	sadd.s32 s3, s2  }
0x5: {  	s2 =	sadd.s32 s2, s18  }
0x6: {  	[smem:$0x3FC6] =	sst s2  }
0x7: {  	_ = 	snop  }
0x8: {  	s2 =	sld [smem:$0x3FC8];
	(tm) =	ssettm $0x1  }
0x9: {  	s19 =	sld [smem:$0x3FFB];
	_ =	sdelay $0x3  }
0xa: {  	_ =	strace s19  }
0xb: {  	s3 =	sld [smem:$0x3FFC];
	_ =	sdelay $0x3  }
0xc: {  	_ =	strace s3  }
0xd: {  	s3 =	sld [smem:$0x3FFD];
	_ =	sdelay $0x3  }
0xe: {  	_ =	strace s3  }
0xf: {  	_ =	strace $0x8FFFFFFF  }
0x10: {  	s20 =	sld [smem:$0x3FDB];
	_ =	sdelay $0x1  }
0x11: {  	s4 =	simm.s32 $_scs_section_size  }
0x12: {  	s5 =	simm.s32 $_size__tile_overlayer_lowered;
	s6 =	simm.s32 $_tile_overlayer_lowered  }
0x13: {  	s23 =	simm.s32 $0x1BFF;
	s22 =	sshll.u32 s6, $0x1;
	s3 =	sadd.s32 s4, s20  }
0x14: {  	s7 =	simm.s32 $0x0;
	s21 =	sshll.u32 s5, $0x1;
	s5 =	sadd.s32 s22, s3  }
0x15: {  	[timem:s7], [sflag:s23] =	dma.local [hbm:s5], s21  }
0x16: {  	_ =	swait.ge [sflag:s23], s21  }
0x17: {  	s4 =	ssub.s32 $0x0, s21;
	[sflag:s23] =	ssyncset.done $0x0  }
0x18: {  	[sflag:s23] =	ssyncadd.s32 s4;
	_ =	sdelay $0x1  }
0x19: {  	s24 =	simm.s32 $0x1B8B  }
0x1a: {  	_ =	swait.ge [sflag:s24], $0x1  }
0x1b: {  	[sflag:s24] =	ssyncset.done $0x0  }
0x1c: {  	s26 =	simm.s32 $0x1B8E;
	s25 =	sld [smem:$0x3FFE];
	[sflag:s24] =	ssyncadd.s32 $0xFFFFFFFF  }
0x1d: {  	s27 =	simm.s32 $execute0_lowered;
	[smem:$0x3FD2] =	sst s26  }
0x1e: {  	s5 =	sshll.u32 s27, $0x1;
	_ =	strace $0x80000046;
	[dreg:$0x1] =	wrdreg $0xFFFFFFFF  }
0x1f: {  	s28 =	simm.s32 $_size_execute0_lowered;
	s3 =	sadd.s32 s3, s5;
	[dreg:$0x0] =	wrdreg $0x0  }
0x20: {  	s5 =	sshll.u32 s28, $0x1;
	[dreg:$0x2] =	wrdreg s3  }
0x21: {  	[dreg:$0x3] =	wrdreg s5  }
0x22: {  	[dreg:$0x4] =	wrdreg $0xC0  }
0x23: {  	_ =	task [dreg:s7], $0x5FFFF  }
0x24: {  	[dreg:$0x1] =	wrdreg $0xFFFFFFFF  }
0x25: {  	[dreg:$0x0] =	wrdreg $0x60  }
0x26: {  	[dreg:$0x2] =	wrdreg s2  }
0x27: {  	[dreg:$0x3] =	wrdreg s25  }
0x28: {  	[dreg:$0x4] =	wrdreg $0x9  }
0x29: {  	_ =	task.clear_ibuf [dreg:s7], $0x5FFFF;
	_ =	strace $0x90000046  }
0x2a: {  	s29 =	simm.s32 $0x9;
	_ =	strace $0x80000048  }
0x2b: {  	_ =	swait.ge [sflag:s29], $0x1  }
0x2c: {  	[sflag:s29] =	ssyncadd.s32 $0xFFFFFFFF  }
0x2d: {  	_ =	strace $0x90000048  }
0x2e: {  	_ =	sfence  }
0x2f: {  	s30 =	sld [smem:$0x0];
	_ =	sdelay $0x2  }
0x30: {  	s31 =	sshll.u32 s1, $0xD;
	s1 =	sshrl.u32 s1, $0x2  }
0x31: {  	s3 =	sand.u32 $0x4000, s31;
	s1 =	sadd.s32 s1, s30  }
0x32: {  	s0 =	sor.u32 s3, s0;
	s1 =	sshll.u32 s1, $0x11  }
0x33: {  	s0 =	sor.u32 s1, s0  }
0x34: {  	s0 =	sadd.s32 $0x8F2B, s0  }
0x35: {  	[sflag:s0] =	ssyncadd.remote.s32 $0x1  }
0x36: {  	_ =	sfence.sel $0xFFFF  }
0x37: {  	[dreg:$0x0] =	wrdreg $0xFFFFFFFF;
	(pc) =	sbr.abs _section_cstart, $3  }
0x38: {  	[dreg:$0x1] =	wrdreg $0xFFFFFFFF  }
0x39: {  	_ =	task.clear_ibuf [dreg:s7], $0x2FFFF;
	_ =	strace $0x9FFFFFFF  }
0x3a: {  	(tm) =	ssettm $0x7FFFFFFF  }
0x3b: {  	_ =	shalt  }
tec
execute0_lowered:
.L_overlay_start_1:
0x0: {  	(tag) =	ssettag $0x1  }
0x1: {  	s2 =	rddreg [dreg:$0x0]  }
0x2: {  	s1 =	rddreg [dreg:$0x1]  }
0x3: {  	s0 =	rddreg [dreg:$0x2];
	_ =	strace $0x80000047;
	s4 =	srdreg.scid  }
.Ltmp0:
0x4: {  	s6 =	simm.s32 $0x2;
	p0 =	por $0x0, $0x0;
	(pc) =	sbr.rel .LBB1_1-.Ltmp0, $4  }
0x5: {  	s9 =	simm.s32 $0x0;
	s3 =	sadd.s32 $0xC00, s1;
	s5 =	sshll.u32 s4, $0x4  }
0x6: {  	s1 =	stileid.u32;
	s4 =	simm.s32 $0x1;
	s5 =	sand.u32 $0x10, s5  }
0x7: {  	s7 =	simm.s32 $0x0;
	[sflag:s4] =	ssyncpa.u1 $0x0;
	s5 =	sor.u32 s1, s5  }
0x8: {  	[sflag:s6] =	ssyncpa.u1 $0x0;
	s6 =	simm.s32 $0x0;
	s8 =	smov.u32 s5  }
.LBB1_7:
0x9: {  	s11 =	sadd.s32 $0x20, s8  }
0xa: {  	p1 =	slt.u32 s7, $0x2;
	s7 =	sadd.s32 $0x1, s7;
	p2 =	sgt.s32 s11, $0x3FF  }
0xb: {  	s11 =	smov.u32 @p2 s5;
	p2 =	sne.s32 s7, $0x22  }
.Ltmp1:
0xc: {  	_ = 	snop;
	(pc) =	sbr.rel @!p2 .LBB1_8-.Ltmp1, $4  }
0xd: {  	s10 =	simm.s32 @!p1 $0x2  }
0xe: {  	_ =	swait.ge @!p1 [sflag:s10], $0x4000  }
0xf: {  	s9 =	smov.u32 s8;
	[sflag:s10] =	ssyncset.done @!p1 $0x0  }
0x10: {  	p0 =	por !p0, !p0;
	s8 =	smov.u32 s11;
	[sflag:s10] =	ssyncadd.s32 @!p1 $0xFFFFC000  }
.LBB1_1:
0x11: {  	p1 =	sgt.u32 s7, $0x1F  }
0x12: {  	s10 =	sxor.u32 @!p1 $0xFFFFFFFF, s7  }
0x13: {  	s11 =	sshll.u32 @!p1 s8, $0xB;
	s10 =	sshll.u32 @!p1 s10, $0xE  }
0x14: {  	s12 =	simm.s32 @!p1 $0x0;
	s11 =	sadd.s32 @!p1 s2, s11;
	s10 =	sand.u32 @!p1 $0x4000, s10  }
0x15: {  	[tilespmem:s10], [sflag:$0x1] =	stream.linear.gather @!p1 [hbm4b:s11+s12], $0x4000, $0x38;
	[tilespmem:$0x10000] =	vst v63  }
0x16: {  	p1 =	seq.s32 s7, $0x0  }
0x17: {  	p2 =	seq.s32 @!p1 s7, $0x21  }
0x18: {  	p1 =	por p1, p2  }
.Ltmp2:
0x19: {  	_ = 	snop;
	(pc) =	sbr.rel @p1 .LBB1_7-.Ltmp2, $1  }
0x1a: {  	_ =	sdelay $0x3  }
0x1b: {  	s10 =	simm.s32 $0x1;
	_ =	swait.ge [sflag:s4], $0x4000;
	s12 =	sshll.u32 s7, $0xE  }
0x1c: {  	s13 =	simm.s32 $0x0;
	s10 =	simm.s32 @!p0 $0x0;
	[sflag:s4] =	ssyncset.done $0x0  }
0x1d: {  	s12 =	sand.u32 $0x4000, s12;
	s11 =	sshll.u32 s10, $0xE;
	[sflag:s4] =	ssyncadd.s32 $0xFFFFC000  }
0x1e: {  	s12 =	sor.u32 $0x8000, s12;
	s10 =	sor.u32 $0x8040, s11;
	s11 =	sor.u32 $0x40, s11  }
.LBB1_3:
0x1f: {  	v0 =	vmov s11;
	_ =	sdelay $0x3  }
0x20: {  	s15 =	simm.s32 $0x0  }
0x21: {  	v6 =	vld.idx.msk [tilespmem:v0+s15+$0x30 ss:$0x1], $0xffff  }
0x22: {  	v7 =	vld.idx.msk [tilespmem:v0+s15+$0xFFFFFFC0 ss:$0x1], $0xffff  }
0x23: {  	v5 =	vld.idx.msk [tilespmem:v0+s15+$0xFFFFFFD0 ss:$0x1], $0xffff  }
0x24: {  	v4 =	vld.idx.msk [tilespmem:v0+s15+$0xFFFFFFE0 ss:$0x1], $0xffff  }
0x25: {  	v3 =	vld.idx.msk [tilespmem:v0+s15+$0xFFFFFFF0 ss:$0x1], $0xffff  }
0x26: {  	v1 =	vld.idx.msk [tilespmem:v0+s15+$0x0 ss:$0x1], $0xffff  }
0x27: {  	v2 =	vld.idx.msk [tilespmem:v0+s15+$0x10 ss:$0x1], $0xffff;
	[tilespmem:s10+$0x30] =	vst v6  }
0x28: {  	s14 =	simm.s32 $0x80;
	s16 =	simm.s32 $0x400;
	[tilespmem:s10+$0xFFFFFFC0] =	vst v7;
	v6 =	vld.idx.msk [tilespmem:v0+s15+$0x20 ss:$0x1], $0xffff;
	s15 =	smov.u32 s10  }
.LBB1_4:
0x29: {  	p1 =	sne.s32 s16, $0xE00;
	v7 =	vld.idx.msk [tilespmem:v0+s14+$0x30 ss:$0x1], $0xffff;
	[tilespmem:s15+$0xFFFFFFD0] =	vst v5  }
0x2a: {  	v8 =	vld.idx.msk [tilespmem:v0+s14+$0xFFFFFFC0 ss:$0x1], $0xffff;
	[tilespmem:s15+$0xFFFFFFE0] =	vst v4  }
0x2b: {  	v5 =	vld.idx.msk [tilespmem:v0+s14+$0xFFFFFFD0 ss:$0x1], $0xffff;
	[tilespmem:s15+$0xFFFFFFF0] =	vst v3  }
.Ltmp3:
0x2c: {  	v4 =	vld.idx.msk [tilespmem:v0+s14+$0xFFFFFFE0 ss:$0x1], $0xffff;
	[tilespmem:s15+$0x0] =	vst v1;
	(pc) =	sbr.rel @p1 .LBB1_4-.Ltmp3, $4  }
0x2d: {  	v3 =	vld.idx.msk [tilespmem:v0+s14+$0xFFFFFFF0 ss:$0x1], $0xffff;
	[tilespmem:s15+$0x10] =	vst v2  }
0x2e: {  	v1 =	vld.idx.msk [tilespmem:v0+s14+$0x0 ss:$0x1], $0xffff;
	[tilespmem:s15+$0x20] =	vst v6;
	s15 =	sadd.s32 $0x800, s15  }
0x2f: {  	v2 =	vld.idx.msk [tilespmem:v0+s14+$0x10 ss:$0x1], $0xffff;
	[tilespmem:s15+$0x30] =	vst v7  }
0x30: {  	[tilespmem:s15+$0xFFFFFFC0] =	vst v8;
	v6 =	vld.idx.msk [tilespmem:v0+s14+$0x20 ss:$0x1], $0xffff;
	s14 =	sshra.s32 s16, $0x2;
	s16 =	sadd.s32 $0x200, s16  }
0x31: {  	_ =	sdelay $0x2  }
0x32: {  	[tilespmem:s15+$0xFFFFFFD0] =	vst v5  }
0x33: {  	v56 =	vld.idx.msk [tilespmem:v0+s14+$0x30 ss:$0x1], $0xffff;
	[tilespmem:s15+$0xFFFFFFE0] =	vst v4  }
0x34: {  	v57 =	vld.idx.msk [tilespmem:v0+s14+$0xFFFFFFC0 ss:$0x1], $0xffff;
	[tilespmem:s15+$0xFFFFFFF0] =	vst v3  }
0x35: {  	v58 =	vld.idx.msk [tilespmem:v0+s14+$0xFFFFFFD0 ss:$0x1], $0xffff;
	[tilespmem:s15+$0x0] =	vst v1  }
0x36: {  	v59 =	vld.idx.msk [tilespmem:v0+s14+$0xFFFFFFE0 ss:$0x1], $0xffff;
	[tilespmem:s15+$0x10] =	vst v2  }
0x37: {  	v60 =	vld.idx.msk [tilespmem:v0+s14+$0xFFFFFFF0 ss:$0x1], $0xffff;
	s31 =	sadd.s32 $0x800, s15;
	[tilespmem:s15+$0x20] =	vst v6  }
0x38: {  	v61 =	vld.idx.msk [tilespmem:v0+s14+$0x0 ss:$0x1], $0xffff;
	[tilespmem:s31+$0x30] =	vst v56  }
0x39: {  	v62 =	vld.idx.msk [tilespmem:v0+s14+$0x10 ss:$0x1], $0xffff;
	s13 =	sadd.s32 $0x1, s13;
	[tilespmem:s31+$0xFFFFFFC0] =	vst v57  }
0x3a: {  	v63 =	vld.idx.msk [tilespmem:v0+s14+$0x20 ss:$0x1], $0xffff;
	p1 =	sne.s32 s13, $0x10;
	[tilespmem:s31+$0xFFFFFFD0] =	vst v58  }
.Ltmp4:
0x3b: {  	[tilespmem:s31+$0xFFFFFFE0] =	vst v59;
	(pc) =	sbr.rel @p1 .LBB1_3-.Ltmp4, $4  }
0x3c: {  	[tilespmem:s31+$0xFFFFFFF0] =	vst v60  }
0x3d: {  	[tilespmem:s31+$0x0] =	vst v61  }
0x3e: {  	[tilespmem:s31+$0x10] =	vst v62  }
0x3f: {  	s10 =	sadd.s32 $0x80, s10;
	s11 =	sadd.s32 $0x400, s11;
	[tilespmem:s31+$0x20] =	vst v63  }
.Ltmp5:
0x40: {  	(pc) =	sbr.rel .LBB1_7-.Ltmp5, $4  }
0x41: {  	_ = 	snop  }
0x42: {  	s9 =	sshll.u32 s9, $0xB  }
0x43: {  	s9 =	sadd.s32 s3, s9  }
0x44: {  	[hbm4b:s9+s6] =	stream.linear.scatter [tilespmem:s12], [sflag:$0x2], $0x4000, $0x38;
	[tilespmem:$0x10000] =	vst v63  }
.LBB1_8:
0x45: {  	_ =	sfence.sel $0x180000  }
0x46: {  	s2 =	simm.s32 $0x1;
	[bflag:$0x0] =	sbarrier.arrive $0xFFFF  }
0x47: {  	s31 =	simm.s32 $0x2;
	[sflag:s2] =	ssyncpa.u1 $0x1  }
0x48: {  	[sflag:s31] =	ssyncpa.u1 $0x1  }
0x49: {  	p0 =	sne.s32 s1, $0x0;
	_ =	strace $0x90000047  }
0x4a: {  	s0 =	sadd.s32 @!p0 $0x100000, s0;
	[bflag:$0x2] =	sbarrier.arrive $0xFFFF  }
0x4b: {  	[sflag:s0] =	ssyncadd.tile.s32 @!p0 $0x1;
	_ =	shalt  }
.Lfunc_end1:
_tile_overlayer_lowered:
.L_overlay_start_2:
0x4c: {  	(tag) =	ssettag $0x2  }
0x4d: {  	s0 =	rddreg [dreg:$0x0];
	s2 =	stileid.u32  }
0x4e: {  	s1 =	rddreg [dreg:$0x1];
	p0 =	sne.s32 s2, $0x0  }
0x4f: {  	s3 =	rddreg [dreg:$0x2];
	[bflag:$0x3] =	sbarrier.arrive $0xFFFF;
	s2 =	simm.s32 @!p0 $0x1C01  }
0x50: {  	[timem:s3], [sflag:s2] =	dma.local @!p0 [hbm:s0], s1  }
0x51: {  	s0 =	simm.s32 @!p0 $0x1  }
0x52: {  	_ =	swait.ge @!p0 [sflag:s0], s1  }
0x53: {  	s1 =	ssub.s32 @!p0 $0x0, s1;
	[sflag:s0] =	ssyncset.done @!p0 $0x0  }
0x54: {  	[sflag:s0] =	ssyncadd.s32 @!p0 s1  }
0x55: {  	[bflag:$0x3] =	sbarrier.arrive $0xFFFF  }
0x56: {  	_ =	shalt  }

</sc_bundles>
